<compile_context>
chip_gen: v7x
topology: tpu7x:2x2x1
jax: 0.10.2.dev20260603
libtpu: 0.0.44.dev20260713+nightly
codegen_flags: <defaults>
</compile_context>

<pallas_src>
import functools

import jax
import jax.numpy as jnp
from jax import lax
from jax.experimental import pallas as pl
from jax.experimental.pallas import tpu as pltpu
from jax.experimental.pallas import tpu_sc as plsc

N = 10000
E = 320000
D = 128
V = 100000
G = 16
C = 8

NP = 10240
NW = 32
EW = 10112
E_PAD = NW * EW
CH = 128
RPS = NP // 16

_HIGH = jax.lax.Precision.HIGHEST


def _mesh():
    return plsc.VectorSubcoreMesh(core_axis_name="c", subcore_axis_name="s")


GCH = 80
NEC = (NP // NW) // GCH


def _emb_deg_pass(emb, featp, dst3, za, ones_e):
    @functools.partial(
        pl.kernel,
        out_type=(jax.ShapeDtypeStruct((NP, D), jnp.float32),
                  jax.ShapeDtypeStruct((2, NP, D), jnp.float32)),
        mesh=_mesh(),
        scratch_types=[
            pltpu.VMEM((NCH, CH), jnp.int32),
            pltpu.VMEM((CH, D), jnp.float32),
            pltpu.VMEM((GCH,), jnp.int32),
            pltpu.VMEM((GCH, D), jnp.float32),
            pltpu.VMEM_SHARED((NP, D), jnp.float32),
            pltpu.SemaphoreType.DMA,
            pltpu.SemaphoreType.DMA,
        ],
    )
    def k(emb_hbm, feat_hbm, dst_hbm, za_hbm, ones_hbm,
          h0_out, deg_out, dst_v, ones_v, eidx, erows, deg_sh, sem, sege):
        c = lax.axis_index("c")
        s = lax.axis_index("s")
        wid = s * 2 + c

        pltpu.sync_copy(za_hbm.at[pl.ds(s * RPS, RPS)],
                        deg_sh.at[pl.ds(s * RPS, RPS)])
        pltpu.sync_copy(ones_hbm, ones_v)
        pltpu.sync_copy(dst_hbm.at[wid], dst_v)
        plsc.subcore_barrier()

        def one_wait():
            pltpu.make_async_copy(ones_v, deg_sh.at[dst_v.at[0]], sem).wait()

        def emb_chunk(kk):
            base = wid * (NP // NW) + kk * GCH
            pltpu.sync_copy(feat_hbm.at[pl.ds(base, GCH)], eidx)
            pltpu.async_copy(emb_hbm.at[eidx], erows, sege).wait()
            pltpu.sync_copy(erows, h0_out.at[pl.ds(base, GCH)])

        seg = NCH // NEC
        for kk in range(NEC):
            emb_chunk(kk)
            hi = (kk + 1) * seg if kk + 1 < NEC else NCH

            @pl.loop(kk * seg, hi, step=1)
            def _(j):
                pltpu.async_copy(ones_v, deg_sh.at[dst_v.at[j]], sem,
                                 add=True)

                @pl.when(j >= 8)
                def _():
                    one_wait()

        @pl.loop(0, 8, step=1)
        def _(j):
            one_wait()

        plsc.subcore_barrier()
        pltpu.sync_copy(deg_sh.at[pl.ds(s * RPS, RPS)],
                        deg_out.at[c].at[pl.ds(s * RPS, RPS)])

    return k(emb, featp, dst3, za, ones_e)


NCH = EW // CH


def _agg_pass(h, src3, dst3, za):
    @functools.partial(
        pl.kernel,
        out_type=jax.ShapeDtypeStruct((2, NP, D), jnp.float32),
        mesh=_mesh(),
        scratch_types=[
            pltpu.VMEM((NCH, CH), jnp.int32),
            pltpu.VMEM((CH,), jnp.int32),
            pltpu.VMEM((CH,), jnp.int32),
            pltpu.VMEM((CH, D), jnp.float32),
            pltpu.VMEM((CH, D), jnp.float32),
            pltpu.VMEM_SHARED((NP, D), jnp.float32),
            pltpu.SemaphoreType.DMA,
            pltpu.SemaphoreType.DMA,
            pltpu.SemaphoreType.DMA,
            pltpu.SemaphoreType.DMA,
        ],
    )
    def k(h_hbm, src_hbm, dst_hbm, za_hbm, agg_out,
          dst_v, srcb0, srcb1, rows_a, rows_b, agg_sh, sa, sb, sl0, sl1):
        c = lax.axis_index("c")
        s = lax.axis_index("s")
        wid = s * 2 + c

        def ld_start(j, sbuf, sem):
            pltpu.async_copy(src_hbm.at[wid].at[j], sbuf, sem)

        def ld_wait(j, sbuf, sem):
            pltpu.make_async_copy(src_hbm.at[wid].at[j], sbuf, sem).wait()

        def g_start(sbuf, buf, sem):
            pltpu.async_copy(h_hbm.at[sbuf], buf, sem)

        def g_wait(sbuf, buf, sem):
            pltpu.make_async_copy(h_hbm.at[sbuf], buf, sem).wait()

        def s_start(buf, j, sem):
            pltpu.async_copy(buf, agg_sh.at[dst_v.at[j]], sem, add=True)

        def s_wait(buf, j, sem):
            pltpu.make_async_copy(buf, agg_sh.at[dst_v.at[j]], sem).wait()

        pltpu.sync_copy(src_hbm.at[wid].at[0], srcb0)
        g_start(srcb0, rows_a, sa)
        ld_start(1, srcb1, sl1)

        pltpu.sync_copy(za_hbm.at[pl.ds(s * RPS, RPS)],
                        agg_sh.at[pl.ds(s * RPS, RPS)])
        pltpu.sync_copy(dst_hbm.at[wid], dst_v)
        plsc.subcore_barrier()

        g_wait(srcb0, rows_a, sa)
        s_start(rows_a, 0, sa)
        ld_wait(1, srcb1, sl1)
        g_start(srcb1, rows_b, sb)
        ld_start(2, srcb0, sl0)
        g_wait(srcb1, rows_b, sb)
        s_start(rows_b, 1, sb)
        ld_wait(2, srcb0, sl0)
        s_wait(rows_a, 0, sa)
        g_start(srcb0, rows_a, sa)
        ld_start(3, srcb1, sl1)

        @pl.loop(2, NCH - 1, step=2)
        def _(j):
            ld_wait(j + 1, srcb1, sl1)
            s_wait(rows_b, j - 1, sb)
            g_start(srcb1, rows_b, sb)
            g_wait(srcb0, rows_a, sa)
            s_start(rows_a, j, sa)
            ld_start(j + 2, srcb0, sl0)
            ld_wait(j + 2, srcb0, sl0)
            s_wait(rows_a, j, sa)
            g_start(srcb0, rows_a, sa)
            g_wait(srcb1, rows_b, sb)
            s_start(rows_b, j + 1, sb)
            ld_start(j + 3, srcb1, sl1)

        g_wait(srcb0, rows_a, sa)
        s_start(rows_a, NCH - 1, sa)
        ld_wait(NCH, srcb1, sl1)
        s_wait(rows_b, NCH - 2, sb)
        s_wait(rows_a, NCH - 1, sa)

        plsc.subcore_barrier()
        pltpu.sync_copy(agg_sh.at[pl.ds(s * RPS, RPS)],
                        agg_out.at[c].at[pl.ds(s * RPS, RPS)])

    return k(h, src3, dst3, za)


BLK = 2560


def _dense_body(h_ref, agg_ref, deg_ref, ws_ref, wn_ref, b_ref, out_ref):
    a = agg_ref[0] + agg_ref[1]
    d = deg_ref[0, :, 0:1] + deg_ref[1, :, 0:1]
    hn = a / jnp.maximum(d, 1.0)
    z = (jnp.dot(h_ref[...], ws_ref[...], precision=_HIGH)
         + jnp.dot(hn, wn_ref[...], precision=_HIGH)
         + b_ref[...])
    out_ref[...] = jnp.maximum(z, 0.0)


def _dense(h, agg, deg, ws, wn, b):
    return pl.pallas_call(
        _dense_body,
        grid=(NP // BLK,),
        in_specs=[
            pl.BlockSpec((BLK, D), lambda i: (i, 0)),
            pl.BlockSpec((2, BLK, D), lambda i: (0, i, 0)),
            pl.BlockSpec((2, BLK, D), lambda i: (0, i, 0)),
            pl.BlockSpec((D, D), lambda i: (0, 0)),
            pl.BlockSpec((D, D), lambda i: (0, 0)),
            pl.BlockSpec((1, D), lambda i: (0, 0)),
        ],
        out_specs=pl.BlockSpec((BLK, D), lambda i: (i, 0)),
        out_shape=jax.ShapeDtypeStruct((NP, D), jnp.float32),
    )(h, agg, deg, ws, wn, b)


def _readout_body(h_ref, gid_ref, e1w, e1b, e2w, e2b, e3w, e3b, e4w, e4b,
                  pw, pb, logp_ref, hid_ref):
    gid = gid_ref[...]
    gi = jax.lax.broadcasted_iota(jnp.int32, (NP, G), 1)
    oh = (gid == gi).astype(jnp.float32)
    h = h_ref[...]
    dn = (((0,), (0,)), ((), ()))
    hg_sum = jax.lax.dot_general(oh, h, dn, precision=_HIGH)
    gram = jax.lax.dot_general(oh, oh, dn, precision=_HIGH)
    eye = (jax.lax.broadcasted_iota(jnp.int32, (G, G), 0)
           == jax.lax.broadcasted_iota(jnp.int32, (G, G), 1)
           ).astype(jnp.float32)
    cnt = jnp.sum(gram * eye, axis=1, keepdims=True)
    hg = hg_sum / jnp.maximum(cnt, 1.0)
    hid = jnp.maximum(jnp.dot(hg, e1w[...], precision=_HIGH) + e1b[...], 0.0)
    h2 = jnp.maximum(jnp.dot(hid, e2w[...], precision=_HIGH) + e2b[...], 0.0)
    h3 = jnp.maximum(jnp.dot(h2, e3w[...], precision=_HIGH) + e3b[...], 0.0)
    h4 = jnp.maximum(jnp.dot(h3, e4w[...], precision=_HIGH) + e4b[...], 0.0)
    y = jnp.dot(h4, pw[...], precision=_HIGH) + pb[...]
    m = jnp.max(y, axis=1, keepdims=True)
    z = y - m
    lse = jnp.log(jnp.sum(jnp.exp(z), axis=1, keepdims=True))
    logp_ref[...] = z - lse
    hid_ref[...] = hid


def _readout(h2, gidp, e1w, e1b, e2w, e2b, e3w, e3b, e4w, e4b, pw, pb):
    return pl.pallas_call(
        _readout_body,
        out_shape=(jax.ShapeDtypeStruct((G, C), jnp.float32),
                   jax.ShapeDtypeStruct((G, D), jnp.float32)),
    )(h2, gidp, e1w, e1b, e2w, e2b, e3w, e3b, e4w, e4b, pw, pb)


def kernel(feat, edge_index, graph_ids, emb,
           W_self0, b_self0, W_neigh0, b_neigh0,
           W_self1, b_self1, W_neigh1, b_neigh1,
           e1_W, e1_b, e2_W, e2_b, e3_W, e3_b, e4_W, e4_b,
           pred_W, pred_b):
    src = edge_index[0]
    dst = edge_index[1]
    pe = E_PAD - E
    srcp = jnp.concatenate(
        [src, (jnp.arange(pe, dtype=jnp.int32) * 37) % N])
    dstp = jnp.concatenate(
        [dst, N + (jnp.arange(pe, dtype=jnp.int32) % 16)])
    featp = jnp.concatenate([feat, jnp.zeros((NP - N,), jnp.int32)])
    gidp = jnp.concatenate(
        [graph_ids, jnp.full((NP - N,), G, jnp.int32)]).reshape(NP, 1)
    za = jnp.zeros((NP, D), jnp.float32)
    ones_e = jnp.ones((CH, D), jnp.float32)
    b0 = (b_self0 + b_neigh0).reshape(1, D)
    b1 = (b_self1 + b_neigh1).reshape(1, D)

    src3 = jnp.concatenate(
        [srcp.reshape(NW, NCH, CH), jnp.zeros((NW, 1, CH), jnp.int32)], axis=1)
    dst3 = dstp.reshape(NW, NCH, CH)
    h0, deg2 = _emb_deg_pass(emb, featp, dst3, za, ones_e)
    agg0 = _agg_pass(h0, src3, dst3, za)
    h1 = _dense(h0, agg0, deg2, W_self0, W_neigh0, b0)
    agg1 = _agg_pass(h1, src3, dst3, za)
    h2 = _dense(h1, agg1, deg2, W_self1, W_neigh1, b1)
    logp, hidden = _readout(h2, gidp,
                            e1_W, e1_b.reshape(1, D), e2_W, e2_b.reshape(1, D),
                            e3_W, e3_b.reshape(1, D), e4_W, e4_b.reshape(1, D),
                            pred_W, pred_b.reshape(1, C))
    return (logp, hidden)

# --- scband reference (transcript-rebuilt; emitter-appended) ---
"""Pipeline reference for scband-gnns-75763223102156 (READ-ONLY COPY).

The authoritative reference and input builder live on the scoring server;
editing this copy changes nothing except your own understanding.
"""

import jax, jax.numpy as jnp
import numpy as np

N = 10000
E = 320000
D = 128
V = 100000
G = 16
C = 8

def setup_inputs(seed: int = 0) -> dict:
    key = jax.random.key(seed)
    ks = jax.random.split(key, 32)
    inp = {}
    inp["feat"] = jax.random.randint(ks[0], (N,), 0, V, dtype=jnp.int32)
    inp["edge_index"] = jax.random.randint(ks[1], (2, E), 0, N, dtype=jnp.int32)
    inp["graph_ids"] = jnp.sort(jax.random.randint(ks[2], (N,), 0, G, dtype=jnp.int32))
    inp["emb"] = jax.random.normal(ks[3], (V, D), dtype=jnp.float32) * 0.02
    s = 1.0 / np.sqrt(D)
    inp["W_self0"] = jax.random.uniform(ks[4], (D, D), minval=-s, maxval=s)
    inp["b_self0"] = jnp.zeros((D,), dtype=jnp.float32)
    inp["W_neigh0"] = jax.random.uniform(ks[5], (D, D), minval=-s, maxval=s)
    inp["b_neigh0"] = jnp.zeros((D,), dtype=jnp.float32)
    inp["W_self1"] = jax.random.uniform(ks[6], (D, D), minval=-s, maxval=s)
    inp["b_self1"] = jnp.zeros((D,), dtype=jnp.float32)
    inp["W_neigh1"] = jax.random.uniform(ks[7], (D, D), minval=-s, maxval=s)
    inp["b_neigh1"] = jnp.zeros((D,), dtype=jnp.float32)
    inp["e1_W"] = jax.random.uniform(ks[8], (D, D), minval=-s, maxval=s)
    inp["e1_b"] = jnp.zeros((D,), dtype=jnp.float32)
    inp["e2_W"] = jax.random.uniform(ks[9], (D, D), minval=-s, maxval=s)
    inp["e2_b"] = jnp.zeros((D,), dtype=jnp.float32)
    inp["e3_W"] = jax.random.uniform(ks[10], (D, D), minval=-s, maxval=s)
    inp["e3_b"] = jnp.zeros((D,), dtype=jnp.float32)
    inp["e4_W"] = jax.random.uniform(ks[11], (D, D), minval=-s, maxval=s)
    inp["e4_b"] = jnp.zeros((D,), dtype=jnp.float32)
    inp["pred_W"] = jax.random.uniform(ks[12], (D, C), minval=-s, maxval=s)
    inp["pred_b"] = jnp.zeros((C,), dtype=jnp.float32)
    return inp

def reference(feat, edge_index, graph_ids, emb,
              W_self0, b_self0, W_neigh0, b_neigh0,
              W_self1, b_self1, W_neigh1, b_neigh1,
              e1_W, e1_b, e2_W, e2_b, e3_W, e3_b, e4_W, e4_b,
              pred_W, pred_b):
    # src_emb lookup on integer node features
    h = jnp.take(emb, feat, axis=0)
    src = edge_index[0]
    dst = edge_index[1]
    deg = jnp.zeros((N,), dtype=jnp.float32).at[dst].add(1.0)
    deg = jnp.clip(deg, 1.0)[:, None]
    layers = [(W_self0, b_self0, W_neigh0, b_neigh0),
              (W_self1, b_self1, W_neigh1, b_neigh1)]
    for (Ws, bs, Wn, bn) in layers:
        # SAGEConv mean aggregator: mean of incoming neighbor messages
        agg = jnp.zeros((N, D), dtype=jnp.float32).at[dst].add(h[src])
        h_neigh = agg / deg
        h = jax.nn.relu(h @ Ws + bs + h_neigh @ Wn + bn)
    # dgl.mean_nodes: per-graph mean readout
    hg_sum = jax.ops.segment_sum(h, graph_ids, num_segments=G)
    cnt = jax.ops.segment_sum(jnp.ones((N,), dtype=jnp.float32), graph_ids, num_segments=G)
    hg = hg_sum / jnp.clip(cnt, 1.0)[:, None]
    hidden = jax.nn.relu(hg @ e1_W + e1_b)
    h2 = jax.nn.relu(hidden @ e2_W + e2_b)
    h3 = jax.nn.relu(h2 @ e3_W + e3_b)
    h4 = jax.nn.relu(h3 @ e4_W + e4_b)
    y = h4 @ pred_W + pred_b
    logp = jax.nn.log_softmax(y, axis=1)
    return (logp, hidden)

if __name__ == "__main__":
    import jax
    _d = setup_inputs()
    print(jax.jit(kernel)(*tuple(_d.values())))

</pallas_src>

<mosaic_0001>
#map = affine_map<(d0, d1) -> (0, 0)>
#map1 = affine_map<(d0, d1) -> (0, 0, 0)>
module attributes {stable_mosaic.version = 14 : i64} {
  func.func @k(%arg0: i32, %arg1: i32, %arg2: memref<10240x128xf32, #tpu.memory_space<hbm>>, %arg3: memref<32x80x128xi32, #tpu.memory_space<hbm>>, %arg4: memref<32x79x128xi32, #tpu.memory_space<hbm>>, %arg5: memref<10240x128xf32, #tpu.memory_space<hbm>>, %arg6: memref<2x10240x128xf32, #tpu.memory_space<hbm>>, %arg7: memref<79x128xi32, #tpu.memory_space<vmem>>, %arg8: memref<128xi32, #tpu.memory_space<vmem>>, %arg9: memref<128xi32, #tpu.memory_space<vmem>>, %arg10: memref<128x128xf32, #tpu.memory_space<vmem>>, %arg11: memref<128x128xf32, #tpu.memory_space<vmem>>, %arg12: memref<10240x128xf32, #tpu.memory_space<vmem_shared>>, %arg13: memref<!tpu.dma_semaphore, #tpu.memory_space<semaphore_mem>>, %arg14: memref<!tpu.dma_semaphore, #tpu.memory_space<semaphore_mem>>, %arg15: memref<!tpu.dma_semaphore, #tpu.memory_space<semaphore_mem>>, %arg16: memref<!tpu.dma_semaphore, #tpu.memory_space<semaphore_mem>>) attributes {dimension_semantics = [#tpu.dimension_semantics<core_parallel>, #tpu.dimension_semantics<subcore_parallel>], iteration_bounds = array<i64: 2, 16>, scalar_prefetch = 0 : i64, scratch_operands = 10 : i64, tpu.core_type = #tpu.core_type<sc_vector_subcore>, window_params = [{transform_indices = #map}, {transform_indices = #map1}, {transform_indices = #map1}, {transform_indices = #map}, {transform_indices = #map1}]} {
    %mul3A = arith.constant 2 : i32
    %mul3A_0 = arith.muli %arg1, %mul3A : i32
    %add3A = arith.addi %mul3A_0, %arg0 : i32
    %run_scoped3A = arith.constant 0 : i32
    "tpu.region"() ({
      %run_scoped3A_162 = tpu.sem_alloc : memref<!tpu.dma_semaphore, #tpu.memory_space<semaphore_mem>>
      %dma_start3A_163 = arith.constant 0 : i32
      %dma_start3A_164 = arith.constant 0 : i32
      %dma_start3A_165 = tpu.memref_slice %arg3[%add3A, %dma_start3A_163, %dma_start3A_164] : memref<32x80x128xi32, #tpu.memory_space<hbm>> -> memref<1x80x128xi32, #tpu.memory_space<hbm>>
      %dma_start3A_166 = tpu.memref_squeeze %dma_start3A_165 : memref<1x80x128xi32, #tpu.memory_space<hbm>> -> memref<80x128xi32, #tpu.memory_space<hbm>>
      %dma_start3A_167 = arith.constant 0 : i32
      %dma_start3A_168 = tpu.memref_slice %dma_start3A_166[%run_scoped3A, %dma_start3A_167] : memref<80x128xi32, #tpu.memory_space<hbm>> -> memref<1x128xi32, #tpu.memory_space<hbm>>
      %dma_start3A_169 = tpu.memref_squeeze %dma_start3A_168 : memref<1x128xi32, #tpu.memory_space<hbm>> -> memref<128xi32, #tpu.memory_space<hbm>>
      %dma_start3A_170 = arith.constant 0 : i32
      %dma_start3A_171 = arith.constant 0 : i32
      %dma_start3A_172 = tpu.memref_slice %arg3[%add3A, %dma_start3A_170, %dma_start3A_171] : memref<32x80x128xi32, #tpu.memory_space<hbm>> -> memref<1x80x128xi32, #tpu.memory_space<hbm>>
      %dma_start3A_173 = tpu.memref_squeeze %dma_start3A_172 : memref<1x80x128xi32, #tpu.memory_space<hbm>> -> memref<80x128xi32, #tpu.memory_space<hbm>>
      %dma_start3A_174 = arith.constant 0 : i32
      %dma_start3A_175 = tpu.memref_slice %dma_start3A_173[%run_scoped3A, %dma_start3A_174] : memref<80x128xi32, #tpu.memory_space<hbm>> -> memref<1x128xi32, #tpu.memory_space<hbm>>
      %dma_start3A_176 = tpu.memref_squeeze %dma_start3A_175 : memref<1x128xi32, #tpu.memory_space<hbm>> -> memref<128xi32, #tpu.memory_space<hbm>>
      tpu.enqueue_dma source(%dma_start3A_176 : memref<128xi32, #tpu.memory_space<hbm>>) target(%arg8 : memref<128xi32, #tpu.memory_space<vmem>>) target_semaphore(%run_scoped3A_162 : memref<!tpu.dma_semaphore, #tpu.memory_space<semaphore_mem>>)
      %dma_wait3A_177 = arith.constant 0 : i32
      %dma_wait3A_178 = arith.constant 0 : i32
      %dma_wait3A_179 = tpu.memref_slice %arg3[%add3A, %dma_wait3A_177, %dma_wait3A_178] : memref<32x80x128xi32, #tpu.memory_space<hbm>> -> memref<1x80x128xi32, #tpu.memory_space<hbm>>
      %dma_wait3A_180 = tpu.memref_squeeze %dma_wait3A_179 : memref<1x80x128xi32, #tpu.memory_space<hbm>> -> memref<80x128xi32, #tpu.memory_space<hbm>>
      %dma_wait3A_181 = arith.constant 0 : i32
      %dma_wait3A_182 = tpu.memref_slice %dma_wait3A_180[%run_scoped3A, %dma_wait3A_181] : memref<80x128xi32, #tpu.memory_space<hbm>> -> memref<1x128xi32, #tpu.memory_space<hbm>>
      %dma_wait3A_183 = tpu.memref_squeeze %dma_wait3A_182 : memref<1x128xi32, #tpu.memory_space<hbm>> -> memref<128xi32, #tpu.memory_space<hbm>>
      %dma_wait3A_184 = arith.constant 0 : i32
      %dma_wait3A_185 = arith.constant 0 : i32
      %dma_wait3A_186 = tpu.memref_slice %arg3[%add3A, %dma_wait3A_184, %dma_wait3A_185] : memref<32x80x128xi32, #tpu.memory_space<hbm>> -> memref<1x80x128xi32, #tpu.memory_space<hbm>>
      %dma_wait3A_187 = tpu.memref_squeeze %dma_wait3A_186 : memref<1x80x128xi32, #tpu.memory_space<hbm>> -> memref<80x128xi32, #tpu.memory_space<hbm>>
      %dma_wait3A_188 = arith.constant 0 : i32
      %dma_wait3A_189 = tpu.memref_slice %dma_wait3A_187[%run_scoped3A, %dma_wait3A_188] : memref<80x128xi32, #tpu.memory_space<hbm>> -> memref<1x128xi32, #tpu.memory_space<hbm>>
      %dma_wait3A_190 = tpu.memref_squeeze %dma_wait3A_189 : memref<1x128xi32, #tpu.memory_space<hbm>> -> memref<128xi32, #tpu.memory_space<hbm>>
      tpu.wait_dma2 semaphore(%run_scoped3A_162 : memref<!tpu.dma_semaphore, #tpu.memory_space<semaphore_mem>>) src(%dma_wait3A_190 : memref<128xi32, #tpu.memory_space<hbm>>) dst(%arg8 : memref<128xi32, #tpu.memory_space<vmem>>)
      tpu.yield
    }) : () -> ()
    %dma_start3A = arith.constant 0 : i32
    %dma_start3A_1 = arith.constant 0 : i32
    %dma_start3A_2 = tpu.memref_slice %arg2[%dma_start3A, %dma_start3A_1] : memref<10240x128xf32, #tpu.memory_space<hbm>> -> memref<10240x128xf32, #tpu.memory_space<hbm>>
    tpu.enqueue_indirect_dma source(%dma_start3A_2 : memref<10240x128xf32, #tpu.memory_space<hbm>>) target(%arg10 : memref<128x128xf32, #tpu.memory_space<vmem>>) offsets(%arg8 : memref<128xi32, #tpu.memory_space<vmem>>) semaphore(%arg13 : memref<!tpu.dma_semaphore, #tpu.memory_space<semaphore_mem>>)
    %dma_start3A_3 = arith.constant 1 : i32
    %dma_start3A_4 = arith.constant 0 : i32
    %dma_start3A_5 = arith.constant 0 : i32
    %dma_start3A_6 = tpu.memref_slice %arg3[%add3A, %dma_start3A_4, %dma_start3A_5] : memref<32x80x128xi32, #tpu.memory_space<hbm>> -> memref<1x80x128xi32, #tpu.memory_space<hbm>>
    %dma_start3A_7 = tpu.memref_squeeze %dma_start3A_6 : memref<1x80x128xi32, #tpu.memory_space<hbm>> -> memref<80x128xi32, #tpu.memory_space<hbm>>
    %dma_start3A_8 = arith.constant 0 : i32
    %dma_start3A_9 = tpu.memref_slice %dma_start3A_7[%dma_start3A_3, %dma_start3A_8] : memref<80x128xi32, #tpu.memory_space<hbm>> -> memref<1x128xi32, #tpu.memory_space<hbm>>
    %dma_start3A_10 = tpu.memref_squeeze %dma_start3A_9 : memref<1x128xi32, #tpu.memory_space<hbm>> -> memref<128xi32, #tpu.memory_space<hbm>>
    %dma_start3A_11 = arith.constant 0 : i32
    %dma_start3A_12 = arith.constant 0 : i32
    %dma_start3A_13 = tpu.memref_slice %arg3[%add3A, %dma_start3A_11, %dma_start3A_12] : memref<32x80x128xi32, #tpu.memory_space<hbm>> -> memref<1x80x128xi32, #tpu.memory_space<hbm>>
    %dma_start3A_14 = tpu.memref_squeeze %dma_start3A_13 : memref<1x80x128xi32, #tpu.memory_space<hbm>> -> memref<80x128xi32, #tpu.memory_space<hbm>>
    %dma_start3A_15 = arith.constant 0 : i32
    %dma_start3A_16 = tpu.memref_slice %dma_start3A_14[%dma_start3A_3, %dma_start3A_15] : memref<80x128xi32, #tpu.memory_space<hbm>> -> memref<1x128xi32, #tpu.memory_space<hbm>>
    %dma_start3A_17 = tpu.memref_squeeze %dma_start3A_16 : memref<1x128xi32, #tpu.memory_space<hbm>> -> memref<128xi32, #tpu.memory_space<hbm>>
    tpu.enqueue_dma source(%dma_start3A_17 : memref<128xi32, #tpu.memory_space<hbm>>) target(%arg9 : memref<128xi32, #tpu.memory_space<vmem>>) target_semaphore(%arg16 : memref<!tpu.dma_semaphore, #tpu.memory_space<semaphore_mem>>)
    %mul3A_18 = arith.constant 640 : i32
    %mul3A_19 = arith.muli %arg1, %mul3A_18 : i32
    %mul3A_20 = arith.constant 640 : i32
    %mul3A_21 = arith.muli %arg1, %mul3A_20 : i32
    "tpu.region"() ({
      %run_scoped3A_162 = tpu.sem_alloc : memref<!tpu.dma_semaphore, #tpu.memory_space<semaphore_mem>>
      %dma_start3A_163 = arith.constant 0 : i32
      %dma_start3A_164 = tpu.memref_slice %arg12[%mul3A_21, %dma_start3A_163] : memref<10240x128xf32, #tpu.memory_space<vmem_shared>> -> memref<640x128xf32, #tpu.memory_space<vmem_shared>>
      %dma_start3A_165 = arith.constant 0 : i32
      %dma_start3A_166 = tpu.memref_slice %arg5[%mul3A_19, %dma_start3A_165] : memref<10240x128xf32, #tpu.memory_space<hbm>> -> memref<640x128xf32, #tpu.memory_space<hbm>>
      tpu.enqueue_dma source(%dma_start3A_166 : memref<640x128xf32, #tpu.memory_space<hbm>>) target(%dma_start3A_164 : memref<640x128xf32, #tpu.memory_space<vmem_shared>>) target_semaphore(%run_scoped3A_162 : memref<!tpu.dma_semaphore, #tpu.memory_space<semaphore_mem>>)
      %dma_wait3A_167 = arith.constant 0 : i32
      %dma_wait3A_168 = tpu.memref_slice %arg12[%mul3A_21, %dma_wait3A_167] : memref<10240x128xf32, #tpu.memory_space<vmem_shared>> -> memref<640x128xf32, #tpu.memory_space<vmem_shared>>
      %dma_wait3A_169 = arith.constant 0 : i32
      %dma_wait3A_170 = tpu.memref_slice %arg5[%mul3A_19, %dma_wait3A_169] : memref<10240x128xf32, #tpu.memory_space<hbm>> -> memref<640x128xf32, #tpu.memory_space<hbm>>
      tpu.wait_dma2 semaphore(%run_scoped3A_162 : memref<!tpu.dma_semaphore, #tpu.memory_space<semaphore_mem>>) src(%dma_wait3A_170 : memref<640x128xf32, #tpu.memory_space<hbm>>) dst(%dma_wait3A_168 : memref<640x128xf32, #tpu.memory_space<vmem_shared>>)
      tpu.yield
    }) : () -> ()
    "tpu.region"() ({
      %run_scoped3A_162 = tpu.sem_alloc : memref<!tpu.dma_semaphore, #tpu.memory_space<semaphore_mem>>
      %dma_start3A_163 = arith.constant 0 : i32
      %dma_start3A_164 = arith.constant 0 : i32
      %dma_start3A_165 = tpu.memref_slice %arg4[%add3A, %dma_start3A_163, %dma_start3A_164] : memref<32x79x128xi32, #tpu.memory_space<hbm>> -> memref<1x79x128xi32, #tpu.memory_space<hbm>>
      %dma_start3A_166 = tpu.memref_squeeze %dma_start3A_165 : memref<1x79x128xi32, #tpu.memory_space<hbm>> -> memref<79x128xi32, #tpu.memory_space<hbm>>
      %dma_start3A_167 = arith.constant 0 : i32
      %dma_start3A_168 = arith.constant 0 : i32
      %dma_start3A_169 = tpu.memref_slice %arg4[%add3A, %dma_start3A_167, %dma_start3A_168] : memref<32x79x128xi32, #tpu.memory_space<hbm>> -> memref<1x79x128xi32, #tpu.memory_space<hbm>>
      %dma_start3A_170 = tpu.memref_squeeze %dma_start3A_169 : memref<1x79x128xi32, #tpu.memory_space<hbm>> -> memref<79x128xi32, #tpu.memory_space<hbm>>
      tpu.enqueue_dma source(%dma_start3A_170 : memref<79x128xi32, #tpu.memory_space<hbm>>) target(%arg7 : memref<79x128xi32, #tpu.memory_space<vmem>>) target_semaphore(%run_scoped3A_162 : memref<!tpu.dma_semaphore, #tpu.memory_space<semaphore_mem>>)
      %dma_wait3A_171 = arith.constant 0 : i32
      %dma_wait3A_172 = arith.constant 0 : i32
      %dma_wait3A_173 = tpu.memref_slice %arg4[%add3A, %dma_wait3A_171, %dma_wait3A_172] : memref<32x79x128xi32, #tpu.memory_space<hbm>> -> memref<1x79x128xi32, #tpu.memory_space<hbm>>
      %dma_wait3A_174 = tpu.memref_squeeze %dma_wait3A_173 : memref<1x79x128xi32, #tpu.memory_space<hbm>> -> memref<79x128xi32, #tpu.memory_space<hbm>>
      %dma_wait3A_175 = arith.constant 0 : i32
      %dma_wait3A_176 = arith.constant 0 : i32
      %dma_wait3A_177 = tpu.memref_slice %arg4[%add3A, %dma_wait3A_175, %dma_wait3A_176] : memref<32x79x128xi32, #tpu.memory_space<hbm>> -> memref<1x79x128xi32, #tpu.memory_space<hbm>>
      %dma_wait3A_178 = tpu.memref_squeeze %dma_wait3A_177 : memref<1x79x128xi32, #tpu.memory_space<hbm>> -> memref<79x128xi32, #tpu.memory_space<hbm>>
      tpu.wait_dma2 semaphore(%run_scoped3A_162 : memref<!tpu.dma_semaphore, #tpu.memory_space<semaphore_mem>>) src(%dma_wait3A_178 : memref<79x128xi32, #tpu.memory_space<hbm>>) dst(%arg7 : memref<79x128xi32, #tpu.memory_space<vmem>>)
      tpu.yield
    }) : () -> ()
    %barrier3A = arith.constant 0 : index
    tpu.barrier barrier_id(%barrier3A)
    %dma_wait3A = arith.constant 0 : i32
    %dma_wait3A_22 = arith.constant 0 : i32
    %dma_wait3A_23 = tpu.memref_slice %arg2[%dma_wait3A, %dma_wait3A_22] : memref<10240x128xf32, #tpu.memory_space<hbm>> -> memref<10240x128xf32, #tpu.memory_space<hbm>>
    tpu.wait_indirect_dma semaphore(%arg13 : memref<!tpu.dma_semaphore, #tpu.memory_space<semaphore_mem>>) src(%dma_wait3A_23 : memref<10240x128xf32, #tpu.memory_space<hbm>>) dst(%arg10 : memref<128x128xf32, #tpu.memory_space<vmem>>)
    %dma_start3A_24 = arith.constant 0 : i32
    %dma_start3A_25 = arith.constant 0 : i32
    %dma_start3A_26 = tpu.memref_slice %arg7[%dma_start3A_24, %dma_start3A_25] : memref<79x128xi32, #tpu.memory_space<vmem>> -> memref<1x128xi32, #tpu.memory_space<vmem>>
    %dma_start3A_27 = tpu.memref_squeeze %dma_start3A_26 : memref<1x128xi32, #tpu.memory_space<vmem>> -> memref<128xi32, #tpu.memory_space<vmem>>
    %dma_start3A_28 = arith.constant 0 : i32
    %dma_start3A_29 = arith.constant 0 : i32
    %dma_start3A_30 = tpu.memref_slice %arg12[%dma_start3A_28, %dma_start3A_29] : memref<10240x128xf32, #tpu.memory_space<vmem_shared>> -> memref<10240x128xf32, #tpu.memory_space<vmem_shared>>
    tpu.enqueue_indirect_dma source(%arg10 : memref<128x128xf32, #tpu.memory_space<vmem>>) target(%dma_start3A_30 : memref<10240x128xf32, #tpu.memory_space<vmem_shared>>) offsets(%dma_start3A_27 : memref<128xi32, #tpu.memory_space<vmem>>) semaphore(%arg13 : memref<!tpu.dma_semaphore, #tpu.memory_space<semaphore_mem>>) {add = true}
    %dma_wait3A_31 = arith.constant 1 : i32
    %dma_wait3A_32 = arith.constant 0 : i32
    %dma_wait3A_33 = arith.constant 0 : i32
    %dma_wait3A_34 = tpu.memref_slice %arg3[%add3A, %dma_wait3A_32, %dma_wait3A_33] : memref<32x80x128xi32, #tpu.memory_space<hbm>> -> memref<1x80x128xi32, #tpu.memory_space<hbm>>
    %dma_wait3A_35 = tpu.memref_squeeze %dma_wait3A_34 : memref<1x80x128xi32, #tpu.memory_space<hbm>> -> memref<80x128xi32, #tpu.memory_space<hbm>>
    %dma_wait3A_36 = arith.constant 0 : i32
    %dma_wait3A_37 = tpu.memref_slice %dma_wait3A_35[%dma_wait3A_31, %dma_wait3A_36] : memref<80x128xi32, #tpu.memory_space<hbm>> -> memref<1x128xi32, #tpu.memory_space<hbm>>
    %dma_wait3A_38 = tpu.memref_squeeze %dma_wait3A_37 : memref<1x128xi32, #tpu.memory_space<hbm>> -> memref<128xi32, #tpu.memory_space<hbm>>
    %dma_wait3A_39 = arith.constant 0 : i32
    %dma_wait3A_40 = arith.constant 0 : i32
    %dma_wait3A_41 = tpu.memref_slice %arg3[%add3A, %dma_wait3A_39, %dma_wait3A_40] : memref<32x80x128xi32, #tpu.memory_space<hbm>> -> memref<1x80x128xi32, #tpu.memory_space<hbm>>
    %dma_wait3A_42 = tpu.memref_squeeze %dma_wait3A_41 : memref<1x80x128xi32, #tpu.memory_space<hbm>> -> memref<80x128xi32, #tpu.memory_space<hbm>>
    %dma_wait3A_43 = arith.constant 0 : i32
    %dma_wait3A_44 = tpu.memref_slice %dma_wait3A_42[%dma_wait3A_31, %dma_wait3A_43] : memref<80x128xi32, #tpu.memory_space<hbm>> -> memref<1x128xi32, #tpu.memory_space<hbm>>
    %dma_wait3A_45 = tpu.memref_squeeze %dma_wait3A_44 : memref<1x128xi32, #tpu.memory_space<hbm>> -> memref<128xi32, #tpu.memory_space<hbm>>
    tpu.wait_dma2 semaphore(%arg16 : memref<!tpu.dma_semaphore, #tpu.memory_space<semaphore_mem>>) src(%dma_wait3A_45 : memref<128xi32, #tpu.memory_space<hbm>>) dst(%arg9 : memref<128xi32, #tpu.memory_space<vmem>>)
    %dma_start3A_46 = arith.constant 0 : i32
    %dma_start3A_47 = arith.constant 0 : i32
    %dma_start3A_48 = tpu.memref_slice %arg2[%dma_start3A_46, %dma_start3A_47] : memref<10240x128xf32, #tpu.memory_space<hbm>> -> memref<10240x128xf32, #tpu.memory_space<hbm>>
    tpu.enqueue_indirect_dma source(%dma_start3A_48 : memref<10240x128xf32, #tpu.memory_space<hbm>>) target(%arg11 : memref<128x128xf32, #tpu.memory_space<vmem>>) offsets(%arg9 : memref<128xi32, #tpu.memory_space<vmem>>) semaphore(%arg14 : memref<!tpu.dma_semaphore, #tpu.memory_space<semaphore_mem>>)
    %dma_start3A_49 = arith.constant 2 : i32
    %dma_start3A_50 = arith.constant 0 : i32
    %dma_start3A_51 = arith.constant 0 : i32
    %dma_start3A_52 = tpu.memref_slice %arg3[%add3A, %dma_start3A_50, %dma_start3A_51] : memref<32x80x128xi32, #tpu.memory_space<hbm>> -> memref<1x80x128xi32, #tpu.memory_space<hbm>>
    %dma_start3A_53 = tpu.memref_squeeze %dma_start3A_52 : memref<1x80x128xi32, #tpu.memory_space<hbm>> -> memref<80x128xi32, #tpu.memory_space<hbm>>
    %dma_start3A_54 = arith.constant 0 : i32
    %dma_start3A_55 = tpu.memref_slice %dma_start3A_53[%dma_start3A_49, %dma_start3A_54] : memref<80x128xi32, #tpu.memory_space<hbm>> -> memref<1x128xi32, #tpu.memory_space<hbm>>
    %dma_start3A_56 = tpu.memref_squeeze %dma_start3A_55 : memref<1x128xi32, #tpu.memory_space<hbm>> -> memref<128xi32, #tpu.memory_space<hbm>>
    %dma_start3A_57 = arith.constant 0 : i32
    %dma_start3A_58 = arith.constant 0 : i32
    %dma_start3A_59 = tpu.memref_slice %arg3[%add3A, %dma_start3A_57, %dma_start3A_58] : memref<32x80x128xi32, #tpu.memory_space<hbm>> -> memref<1x80x128xi32, #tpu.memory_space<hbm>>
    %dma_start3A_60 = tpu.memref_squeeze %dma_start3A_59 : memref<1x80x128xi32, #tpu.memory_space<hbm>> -> memref<80x128xi32, #tpu.memory_space<hbm>>
    %dma_start3A_61 = arith.constant 0 : i32
    %dma_start3A_62 = tpu.memref_slice %dma_start3A_60[%dma_start3A_49, %dma_start3A_61] : memref<80x128xi32, #tpu.memory_space<hbm>> -> memref<1x128xi32, #tpu.memory_space<hbm>>
    %dma_start3A_63 = tpu.memref_squeeze %dma_start3A_62 : memref<1x128xi32, #tpu.memory_space<hbm>> -> memref<128xi32, #tpu.memory_space<hbm>>
    tpu.enqueue_dma source(%dma_start3A_63 : memref<128xi32, #tpu.memory_space<hbm>>) target(%arg8 : memref<128xi32, #tpu.memory_space<vmem>>) target_semaphore(%arg15 : memref<!tpu.dma_semaphore, #tpu.memory_space<semaphore_mem>>)
    %dma_wait3A_64 = arith.constant 0 : i32
    %dma_wait3A_65 = arith.constant 0 : i32
    %dma_wait3A_66 = tpu.memref_slice %arg2[%dma_wait3A_64, %dma_wait3A_65] : memref<10240x128xf32, #tpu.memory_space<hbm>> -> memref<10240x128xf32, #tpu.memory_space<hbm>>
    tpu.wait_indirect_dma semaphore(%arg14 : memref<!tpu.dma_semaphore, #tpu.memory_space<semaphore_mem>>) src(%dma_wait3A_66 : memref<10240x128xf32, #tpu.memory_space<hbm>>) dst(%arg11 : memref<128x128xf32, #tpu.memory_space<vmem>>)
    %dma_start3A_67 = arith.constant 1 : i32
    %dma_start3A_68 = arith.constant 0 : i32
    %dma_start3A_69 = tpu.memref_slice %arg7[%dma_start3A_67, %dma_start3A_68] : memref<79x128xi32, #tpu.memory_space<vmem>> -> memref<1x128xi32, #tpu.memory_space<vmem>>
    %dma_start3A_70 = tpu.memref_squeeze %dma_start3A_69 : memref<1x128xi32, #tpu.memory_space<vmem>> -> memref<128xi32, #tpu.memory_space<vmem>>
    %dma_start3A_71 = arith.constant 0 : i32
    %dma_start3A_72 = arith.constant 0 : i32
    %dma_start3A_73 = tpu.memref_slice %arg12[%dma_start3A_71, %dma_start3A_72] : memref<10240x128xf32, #tpu.memory_space<vmem_shared>> -> memref<10240x128xf32, #tpu.memory_space<vmem_shared>>
    tpu.enqueue_indirect_dma source(%arg11 : memref<128x128xf32, #tpu.memory_space<vmem>>) target(%dma_start3A_73 : memref<10240x128xf32, #tpu.memory_space<vmem_shared>>) offsets(%dma_start3A_70 : memref<128xi32, #tpu.memory_space<vmem>>) semaphore(%arg14 : memref<!tpu.dma_semaphore, #tpu.memory_space<semaphore_mem>>) {add = true}
    %dma_wait3A_74 = arith.constant 2 : i32
    %dma_wait3A_75 = arith.constant 0 : i32
    %dma_wait3A_76 = arith.constant 0 : i32
    %dma_wait3A_77 = tpu.memref_slice %arg3[%add3A, %dma_wait3A_75, %dma_wait3A_76] : memref<32x80x128xi32, #tpu.memory_space<hbm>> -> memref<1x80x128xi32, #tpu.memory_space<hbm>>
    %dma_wait3A_78 = tpu.memref_squeeze %dma_wait3A_77 : memref<1x80x128xi32, #tpu.memory_space<hbm>> -> memref<80x128xi32, #tpu.memory_space<hbm>>
    %dma_wait3A_79 = arith.constant 0 : i32
    %dma_wait3A_80 = tpu.memref_slice %dma_wait3A_78[%dma_wait3A_74, %dma_wait3A_79] : memref<80x128xi32, #tpu.memory_space<hbm>> -> memref<1x128xi32, #tpu.memory_space<hbm>>
    %dma_wait3A_81 = tpu.memref_squeeze %dma_wait3A_80 : memref<1x128xi32, #tpu.memory_space<hbm>> -> memref<128xi32, #tpu.memory_space<hbm>>
    %dma_wait3A_82 = arith.constant 0 : i32
    %dma_wait3A_83 = arith.constant 0 : i32
    %dma_wait3A_84 = tpu.memref_slice %arg3[%add3A, %dma_wait3A_82, %dma_wait3A_83] : memref<32x80x128xi32, #tpu.memory_space<hbm>> -> memref<1x80x128xi32, #tpu.memory_space<hbm>>
    %dma_wait3A_85 = tpu.memref_squeeze %dma_wait3A_84 : memref<1x80x128xi32, #tpu.memory_space<hbm>> -> memref<80x128xi32, #tpu.memory_space<hbm>>
    %dma_wait3A_86 = arith.constant 0 : i32
    %dma_wait3A_87 = tpu.memref_slice %dma_wait3A_85[%dma_wait3A_74, %dma_wait3A_86] : memref<80x128xi32, #tpu.memory_space<hbm>> -> memref<1x128xi32, #tpu.memory_space<hbm>>
    %dma_wait3A_88 = tpu.memref_squeeze %dma_wait3A_87 : memref<1x128xi32, #tpu.memory_space<hbm>> -> memref<128xi32, #tpu.memory_space<hbm>>
    tpu.wait_dma2 semaphore(%arg15 : memref<!tpu.dma_semaphore, #tpu.memory_space<semaphore_mem>>) src(%dma_wait3A_88 : memref<128xi32, #tpu.memory_space<hbm>>) dst(%arg8 : memref<128xi32, #tpu.memory_space<vmem>>)
    %dma_wait3A_89 = arith.constant 0 : i32
    %dma_wait3A_90 = arith.constant 0 : i32
    %dma_wait3A_91 = tpu.memref_slice %arg7[%dma_wait3A_89, %dma_wait3A_90] : memref<79x128xi32, #tpu.memory_space<vmem>> -> memref<1x128xi32, #tpu.memory_space<vmem>>
    %dma_wait3A_92 = tpu.memref_squeeze %dma_wait3A_91 : memref<1x128xi32, #tpu.memory_space<vmem>> -> memref<128xi32, #tpu.memory_space<vmem>>
    %dma_wait3A_93 = arith.constant 0 : i32
    %dma_wait3A_94 = arith.constant 0 : i32
    %dma_wait3A_95 = tpu.memref_slice %arg12[%dma_wait3A_93, %dma_wait3A_94] : memref<10240x128xf32, #tpu.memory_space<vmem_shared>> -> memref<10240x128xf32, #tpu.memory_space<vmem_shared>>
    tpu.wait_indirect_dma semaphore(%arg13 : memref<!tpu.dma_semaphore, #tpu.memory_space<semaphore_mem>>) src(%arg10 : memref<128x128xf32, #tpu.memory_space<vmem>>) dst(%dma_wait3A_95 : memref<10240x128xf32, #tpu.memory_space<vmem_shared>>)
    %dma_start3A_96 = arith.constant 0 : i32
    %dma_start3A_97 = arith.constant 0 : i32
    %dma_start3A_98 = tpu.memref_slice %arg2[%dma_start3A_96, %dma_start3A_97] : memref<10240x128xf32, #tpu.memory_space<hbm>> -> memref<10240x128xf32, #tpu.memory_space<hbm>>
    tpu.enqueue_indirect_dma source(%dma_start3A_98 : memref<10240x128xf32, #tpu.memory_space<hbm>>) target(%arg10 : memref<128x128xf32, #tpu.memory_space<vmem>>) offsets(%arg8 : memref<128xi32, #tpu.memory_space<vmem>>) semaphore(%arg13 : memref<!tpu.dma_semaphore, #tpu.memory_space<semaphore_mem>>)
    %dma_start3A_99 = arith.constant 3 : i32
    %dma_start3A_100 = arith.constant 0 : i32
    %dma_start3A_101 = arith.constant 0 : i32
    %dma_start3A_102 = tpu.memref_slice %arg3[%add3A, %dma_start3A_100, %dma_start3A_101] : memref<32x80x128xi32, #tpu.memory_space<hbm>> -> memref<1x80x128xi32, #tpu.memory_space<hbm>>
    %dma_start3A_103 = tpu.memref_squeeze %dma_start3A_102 : memref<1x80x128xi32, #tpu.memory_space<hbm>> -> memref<80x128xi32, #tpu.memory_space<hbm>>
    %dma_start3A_104 = arith.constant 0 : i32
    %dma_start3A_105 = tpu.memref_slice %dma_start3A_103[%dma_start3A_99, %dma_start3A_104] : memref<80x128xi32, #tpu.memory_space<hbm>> -> memref<1x128xi32, #tpu.memory_space<hbm>>
    %dma_start3A_106 = tpu.memref_squeeze %dma_start3A_105 : memref<1x128xi32, #tpu.memory_space<hbm>> -> memref<128xi32, #tpu.memory_space<hbm>>
    %dma_start3A_107 = arith.constant 0 : i32
    %dma_start3A_108 = arith.constant 0 : i32
    %dma_start3A_109 = tpu.memref_slice %arg3[%add3A, %dma_start3A_107, %dma_start3A_108] : memref<32x80x128xi32, #tpu.memory_space<hbm>> -> memref<1x80x128xi32, #tpu.memory_space<hbm>>
    %dma_start3A_110 = tpu.memref_squeeze %dma_start3A_109 : memref<1x80x128xi32, #tpu.memory_space<hbm>> -> memref<80x128xi32, #tpu.memory_space<hbm>>
    %dma_start3A_111 = arith.constant 0 : i32
    %dma_start3A_112 = tpu.memref_slice %dma_start3A_110[%dma_start3A_99, %dma_start3A_111] : memref<80x128xi32, #tpu.memory_space<hbm>> -> memref<1x128xi32, #tpu.memory_space<hbm>>
    %dma_start3A_113 = tpu.memref_squeeze %dma_start3A_112 : memref<1x128xi32, #tpu.memory_space<hbm>> -> memref<128xi32, #tpu.memory_space<hbm>>
    tpu.enqueue_dma source(%dma_start3A_113 : memref<128xi32, #tpu.memory_space<hbm>>) target(%arg9 : memref<128xi32, #tpu.memory_space<vmem>>) target_semaphore(%arg16 : memref<!tpu.dma_semaphore, #tpu.memory_space<semaphore_mem>>)
    %scan3A = arith.constant 0 : i32
    %scan3A_114 = arith.constant 38 : i32
    %scan3A_115 = arith.addi %scan3A, %scan3A_114 : i32
    %scan3A_116 = arith.constant 1 : i32
    scf.for %scan3A_162 = %scan3A to %scan3A_115 step %scan3A_116  : i32 {
      %mul3A_163 = arith.constant 2 : i32
      %mul3A_164 = arith.muli %scan3A_162, %mul3A_163 : i32
      %add3A_165 = arith.constant 2 : i32
      %add3A_166 = arith.addi %add3A_165, %mul3A_164 : i32
      %add3A_167 = arith.constant 1 : i32
      %add3A_168 = arith.addi %add3A_166, %add3A_167 : i32
      %dma_wait3A_169 = arith.constant 0 : i32
      %dma_wait3A_170 = arith.constant 0 : i32
      %dma_wait3A_171 = tpu.memref_slice %arg3[%add3A, %dma_wait3A_169, %dma_wait3A_170] : memref<32x80x128xi32, #tpu.memory_space<hbm>> -> memref<1x80x128xi32, #tpu.memory_space<hbm>>
      %dma_wait3A_172 = tpu.memref_squeeze %dma_wait3A_171 : memref<1x80x128xi32, #tpu.memory_space<hbm>> -> memref<80x128xi32, #tpu.memory_space<hbm>>
      %dma_wait3A_173 = arith.constant 0 : i32
      %dma_wait3A_174 = tpu.memref_slice %dma_wait3A_172[%add3A_168, %dma_wait3A_173] : memref<80x128xi32, #tpu.memory_space<hbm>> -> memref<1x128xi32, #tpu.memory_space<hbm>>
      %dma_wait3A_175 = tpu.memref_squeeze %dma_wait3A_174 : memref<1x128xi32, #tpu.memory_space<hbm>> -> memref<128xi32, #tpu.memory_space<hbm>>
      %dma_wait3A_176 = arith.constant 0 : i32
      %dma_wait3A_177 = arith.constant 0 : i32
      %dma_wait3A_178 = tpu.memref_slice %arg3[%add3A, %dma_wait3A_176, %dma_wait3A_177] : memref<32x80x128xi32, #tpu.memory_space<hbm>> -> memref<1x80x128xi32, #tpu.memory_space<hbm>>
      %dma_wait3A_179 = tpu.memref_squeeze %dma_wait3A_178 : memref<1x80x128xi32, #tpu.memory_space<hbm>> -> memref<80x128xi32, #tpu.memory_space<hbm>>
      %dma_wait3A_180 = arith.constant 0 : i32
      %dma_wait3A_181 = tpu.memref_slice %dma_wait3A_179[%add3A_168, %dma_wait3A_180] : memref<80x128xi32, #tpu.memory_space<hbm>> -> memref<1x128xi32, #tpu.memory_space<hbm>>
      %dma_wait3A_182 = tpu.memref_squeeze %dma_wait3A_181 : memref<1x128xi32, #tpu.memory_space<hbm>> -> memref<128xi32, #tpu.memory_space<hbm>>
      tpu.wait_dma2 semaphore(%arg16 : memref<!tpu.dma_semaphore, #tpu.memory_space<semaphore_mem>>) src(%dma_wait3A_182 : memref<128xi32, #tpu.memory_space<hbm>>) dst(%arg9 : memref<128xi32, #tpu.memory_space<vmem>>)
      %sub3A = arith.constant 1 : i32
      %sub3A_183 = arith.subi %add3A_166, %sub3A : i32
      %dma_wait3A_184 = arith.constant 0 : i32
      %dma_wait3A_185 = tpu.memref_slice %arg7[%sub3A_183, %dma_wait3A_184] : memref<79x128xi32, #tpu.memory_space<vmem>> -> memref<1x128xi32, #tpu.memory_space<vmem>>
      %dma_wait3A_186 = tpu.memref_squeeze %dma_wait3A_185 : memref<1x128xi32, #tpu.memory_space<vmem>> -> memref<128xi32, #tpu.memory_space<vmem>>
      %dma_wait3A_187 = arith.constant 0 : i32
      %dma_wait3A_188 = arith.constant 0 : i32
      %dma_wait3A_189 = tpu.memref_slice %arg12[%dma_wait3A_187, %dma_wait3A_188] : memref<10240x128xf32, #tpu.memory_space<vmem_shared>> -> memref<10240x128xf32, #tpu.memory_space<vmem_shared>>
      tpu.wait_indirect_dma semaphore(%arg14 : memref<!tpu.dma_semaphore, #tpu.memory_space<semaphore_mem>>) src(%arg11 : memref<128x128xf32, #tpu.memory_space<vmem>>) dst(%dma_wait3A_189 : memref<10240x128xf32, #tpu.memory_space<vmem_shared>>)
      %dma_start3A_190 = arith.constant 0 : i32
      %dma_start3A_191 = arith.constant 0 : i32
      %dma_start3A_192 = tpu.memref_slice %arg2[%dma_start3A_190, %dma_start3A_191] : memref<10240x128xf32, #tpu.memory_space<hbm>> -> memref<10240x128xf32, #tpu.memory_space<hbm>>
      tpu.enqueue_indirect_dma source(%dma_start3A_192 : memref<10240x128xf32, #tpu.memory_space<hbm>>) target(%arg11 : memref<128x128xf32, #tpu.memory_space<vmem>>) offsets(%arg9 : memref<128xi32, #tpu.memory_space<vmem>>) semaphore(%arg14 : memref<!tpu.dma_semaphore, #tpu.memory_space<semaphore_mem>>)
      %dma_wait3A_193 = arith.constant 0 : i32
      %dma_wait3A_194 = arith.constant 0 : i32
      %dma_wait3A_195 = tpu.memref_slice %arg2[%dma_wait3A_193, %dma_wait3A_194] : memref<10240x128xf32, #tpu.memory_space<hbm>> -> memref<10240x128xf32, #tpu.memory_space<hbm>>
      tpu.wait_indirect_dma semaphore(%arg13 : memref<!tpu.dma_semaphore, #tpu.memory_space<semaphore_mem>>) src(%dma_wait3A_195 : memref<10240x128xf32, #tpu.memory_space<hbm>>) dst(%arg10 : memref<128x128xf32, #tpu.memory_space<vmem>>)
      %dma_start3A_196 = arith.constant 0 : i32
      %dma_start3A_197 = tpu.memref_slice %arg7[%add3A_166, %dma_start3A_196] : memref<79x128xi32, #tpu.memory_space<vmem>> -> memref<1x128xi32, #tpu.memory_space<vmem>>
      %dma_start3A_198 = tpu.memref_squeeze %dma_start3A_197 : memref<1x128xi32, #tpu.memory_space<vmem>> -> memref<128xi32, #tpu.memory_space<vmem>>
      %dma_start3A_199 = arith.constant 0 : i32
      %dma_start3A_200 = arith.constant 0 : i32
      %dma_start3A_201 = tpu.memref_slice %arg12[%dma_start3A_199, %dma_start3A_200] : memref<10240x128xf32, #tpu.memory_space<vmem_shared>> -> memref<10240x128xf32, #tpu.memory_space<vmem_shared>>
      tpu.enqueue_indirect_dma source(%arg10 : memref<128x128xf32, #tpu.memory_space<vmem>>) target(%dma_start3A_201 : memref<10240x128xf32, #tpu.memory_space<vmem_shared>>) offsets(%dma_start3A_198 : memref<128xi32, #tpu.memory_space<vmem>>) semaphore(%arg13 : memref<!tpu.dma_semaphore, #tpu.memory_space<semaphore_mem>>) {add = true}
      %add3A_202 = arith.constant 2 : i32
      %add3A_203 = arith.addi %add3A_166, %add3A_202 : i32
      %dma_start3A_204 = arith.constant 0 : i32
      %dma_start3A_205 = arith.constant 0 : i32
      %dma_start3A_206 = tpu.memref_slice %arg3[%add3A, %dma_start3A_204, %dma_start3A_205] : memref<32x80x128xi32, #tpu.memory_space<hbm>> -> memref<1x80x128xi32, #tpu.memory_space<hbm>>
      %dma_start3A_207 = tpu.memref_squeeze %dma_start3A_206 : memref<1x80x128xi32, #tpu.memory_space<hbm>> -> memref<80x128xi32, #tpu.memory_space<hbm>>
      %dma_start3A_208 = arith.constant 0 : i32
      %dma_start3A_209 = tpu.memref_slice %dma_start3A_207[%add3A_203, %dma_start3A_208] : memref<80x128xi32, #tpu.memory_space<hbm>> -> memref<1x128xi32, #tpu.memory_space<hbm>>
      %dma_start3A_210 = tpu.memref_squeeze %dma_start3A_209 : memref<1x128xi32, #tpu.memory_space<hbm>> -> memref<128xi32, #tpu.memory_space<hbm>>
      %dma_start3A_211 = arith.constant 0 : i32
      %dma_start3A_212 = arith.constant 0 : i32
      %dma_start3A_213 = tpu.memref_slice %arg3[%add3A, %dma_start3A_211, %dma_start3A_212] : memref<32x80x128xi32, #tpu.memory_space<hbm>> -> memref<1x80x128xi32, #tpu.memory_space<hbm>>
      %dma_start3A_214 = tpu.memref_squeeze %dma_start3A_213 : memref<1x80x128xi32, #tpu.memory_space<hbm>> -> memref<80x128xi32, #tpu.memory_space<hbm>>
      %dma_start3A_215 = arith.constant 0 : i32
      %dma_start3A_216 = tpu.memref_slice %dma_start3A_214[%add3A_203, %dma_start3A_215] : memref<80x128xi32, #tpu.memory_space<hbm>> -> memref<1x128xi32, #tpu.memory_space<hbm>>
      %dma_start3A_217 = tpu.memref_squeeze %dma_start3A_216 : memref<1x128xi32, #tpu.memory_space<hbm>> -> memref<128xi32, #tpu.memory_space<hbm>>
      tpu.enqueue_dma source(%dma_start3A_217 : memref<128xi32, #tpu.memory_space<hbm>>) target(%arg8 : memref<128xi32, #tpu.memory_space<vmem>>) target_semaphore(%arg15 : memref<!tpu.dma_semaphore, #tpu.memory_space<semaphore_mem>>)
      %add3A_218 = arith.constant 2 : i32
      %add3A_219 = arith.addi %add3A_166, %add3A_218 : i32
      %dma_wait3A_220 = arith.constant 0 : i32
      %dma_wait3A_221 = arith.constant 0 : i32
      %dma_wait3A_222 = tpu.memref_slice %arg3[%add3A, %dma_wait3A_220, %dma_wait3A_221] : memref<32x80x128xi32, #tpu.memory_space<hbm>> -> memref<1x80x128xi32, #tpu.memory_space<hbm>>
      %dma_wait3A_223 = tpu.memref_squeeze %dma_wait3A_222 : memref<1x80x128xi32, #tpu.memory_space<hbm>> -> memref<80x128xi32, #tpu.memory_space<hbm>>
      %dma_wait3A_224 = arith.constant 0 : i32
      %dma_wait3A_225 = tpu.memref_slice %dma_wait3A_223[%add3A_219, %dma_wait3A_224] : memref<80x128xi32, #tpu.memory_space<hbm>> -> memref<1x128xi32, #tpu.memory_space<hbm>>
      %dma_wait3A_226 = tpu.memref_squeeze %dma_wait3A_225 : memref<1x128xi32, #tpu.memory_space<hbm>> -> memref<128xi32, #tpu.memory_space<hbm>>
      %dma_wait3A_227 = arith.constant 0 : i32
      %dma_wait3A_228 = arith.constant 0 : i32
      %dma_wait3A_229 = tpu.memref_slice %arg3[%add3A, %dma_wait3A_227, %dma_wait3A_228] : memref<32x80x128xi32, #tpu.memory_space<hbm>> -> memref<1x80x128xi32, #tpu.memory_space<hbm>>
      %dma_wait3A_230 = tpu.memref_squeeze %dma_wait3A_229 : memref<1x80x128xi32, #tpu.memory_space<hbm>> -> memref<80x128xi32, #tpu.memory_space<hbm>>
      %dma_wait3A_231 = arith.constant 0 : i32
      %dma_wait3A_232 = tpu.memref_slice %dma_wait3A_230[%add3A_219, %dma_wait3A_231] : memref<80x128xi32, #tpu.memory_space<hbm>> -> memref<1x128xi32, #tpu.memory_space<hbm>>
      %dma_wait3A_233 = tpu.memref_squeeze %dma_wait3A_232 : memref<1x128xi32, #tpu.memory_space<hbm>> -> memref<128xi32, #tpu.memory_space<hbm>>
      tpu.wait_dma2 semaphore(%arg15 : memref<!tpu.dma_semaphore, #tpu.memory_space<semaphore_mem>>) src(%dma_wait3A_233 : memref<128xi32, #tpu.memory_space<hbm>>) dst(%arg8 : memref<128xi32, #tpu.memory_space<vmem>>)
      %dma_wait3A_234 = arith.constant 0 : i32
      %dma_wait3A_235 = tpu.memref_slice %arg7[%add3A_166, %dma_wait3A_234] : memref<79x128xi32, #tpu.memory_space<vmem>> -> memref<1x128xi32, #tpu.memory_space<vmem>>
      %dma_wait3A_236 = tpu.memref_squeeze %dma_wait3A_235 : memref<1x128xi32, #tpu.memory_space<vmem>> -> memref<128xi32, #tpu.memory_space<vmem>>
      %dma_wait3A_237 = arith.constant 0 : i32
      %dma_wait3A_238 = arith.constant 0 : i32
      %dma_wait3A_239 = tpu.memref_slice %arg12[%dma_wait3A_237, %dma_wait3A_238] : memref<10240x128xf32, #tpu.memory_space<vmem_shared>> -> memref<10240x128xf32, #tpu.memory_space<vmem_shared>>
      tpu.wait_indirect_dma semaphore(%arg13 : memref<!tpu.dma_semaphore, #tpu.memory_space<semaphore_mem>>) src(%arg10 : memref<128x128xf32, #tpu.memory_space<vmem>>) dst(%dma_wait3A_239 : memref<10240x128xf32, #tpu.memory_space<vmem_shared>>)
      %dma_start3A_240 = arith.constant 0 : i32
      %dma_start3A_241 = arith.constant 0 : i32
      %dma_start3A_242 = tpu.memref_slice %arg2[%dma_start3A_240, %dma_start3A_241] : memref<10240x128xf32, #tpu.memory_space<hbm>> -> memref<10240x128xf32, #tpu.memory_space<hbm>>
      tpu.enqueue_indirect_dma source(%dma_start3A_242 : memref<10240x128xf32, #tpu.memory_space<hbm>>) target(%arg10 : memref<128x128xf32, #tpu.memory_space<vmem>>) offsets(%arg8 : memref<128xi32, #tpu.memory_space<vmem>>) semaphore(%arg13 : memref<!tpu.dma_semaphore, #tpu.memory_space<semaphore_mem>>)
      %dma_wait3A_243 = arith.constant 0 : i32
      %dma_wait3A_244 = arith.constant 0 : i32
      %dma_wait3A_245 = tpu.memref_slice %arg2[%dma_wait3A_243, %dma_wait3A_244] : memref<10240x128xf32, #tpu.memory_space<hbm>> -> memref<10240x128xf32, #tpu.memory_space<hbm>>
      tpu.wait_indirect_dma semaphore(%arg14 : memref<!tpu.dma_semaphore, #tpu.memory_space<semaphore_mem>>) src(%dma_wait3A_245 : memref<10240x128xf32, #tpu.memory_space<hbm>>) dst(%arg11 : memref<128x128xf32, #tpu.memory_space<vmem>>)
      %add3A_246 = arith.constant 1 : i32
      %add3A_247 = arith.addi %add3A_166, %add3A_246 : i32
      %dma_start3A_248 = arith.constant 0 : i32
      %dma_start3A_249 = tpu.memref_slice %arg7[%add3A_247, %dma_start3A_248] : memref<79x128xi32, #tpu.memory_space<vmem>> -> memref<1x128xi32, #tpu.memory_space<vmem>>
      %dma_start3A_250 = tpu.memref_squeeze %dma_start3A_249 : memref<1x128xi32, #tpu.memory_space<vmem>> -> memref<128xi32, #tpu.memory_space<vmem>>
      %dma_start3A_251 = arith.constant 0 : i32
      %dma_start3A_252 = arith.constant 0 : i32
      %dma_start3A_253 = tpu.memref_slice %arg12[%dma_start3A_251, %dma_start3A_252] : memref<10240x128xf32, #tpu.memory_space<vmem_shared>> -> memref<10240x128xf32, #tpu.memory_space<vmem_shared>>
      tpu.enqueue_indirect_dma source(%arg11 : memref<128x128xf32, #tpu.memory_space<vmem>>) target(%dma_start3A_253 : memref<10240x128xf32, #tpu.memory_space<vmem_shared>>) offsets(%dma_start3A_250 : memref<128xi32, #tpu.memory_space<vmem>>) semaphore(%arg14 : memref<!tpu.dma_semaphore, #tpu.memory_space<semaphore_mem>>) {add = true}
      %add3A_254 = arith.constant 3 : i32
      %add3A_255 = arith.addi %add3A_166, %add3A_254 : i32
      %dma_start3A_256 = arith.constant 0 : i32
      %dma_start3A_257 = arith.constant 0 : i32
      %dma_start3A_258 = tpu.memref_slice %arg3[%add3A, %dma_start3A_256, %dma_start3A_257] : memref<32x80x128xi32, #tpu.memory_space<hbm>> -> memref<1x80x128xi32, #tpu.memory_space<hbm>>
      %dma_start3A_259 = tpu.memref_squeeze %dma_start3A_258 : memref<1x80x128xi32, #tpu.memory_space<hbm>> -> memref<80x128xi32, #tpu.memory_space<hbm>>
      %dma_start3A_260 = arith.constant 0 : i32
      %dma_start3A_261 = tpu.memref_slice %dma_start3A_259[%add3A_255, %dma_start3A_260] : memref<80x128xi32, #tpu.memory_space<hbm>> -> memref<1x128xi32, #tpu.memory_space<hbm>>
      %dma_start3A_262 = tpu.memref_squeeze %dma_start3A_261 : memref<1x128xi32, #tpu.memory_space<hbm>> -> memref<128xi32, #tpu.memory_space<hbm>>
      %dma_start3A_263 = arith.constant 0 : i32
      %dma_start3A_264 = arith.constant 0 : i32
      %dma_start3A_265 = tpu.memref_slice %arg3[%add3A, %dma_start3A_263, %dma_start3A_264] : memref<32x80x128xi32, #tpu.memory_space<hbm>> -> memref<1x80x128xi32, #tpu.memory_space<hbm>>
      %dma_start3A_266 = tpu.memref_squeeze %dma_start3A_265 : memref<1x80x128xi32, #tpu.memory_space<hbm>> -> memref<80x128xi32, #tpu.memory_space<hbm>>
      %dma_start3A_267 = arith.constant 0 : i32
      %dma_start3A_268 = tpu.memref_slice %dma_start3A_266[%add3A_255, %dma_start3A_267] : memref<80x128xi32, #tpu.memory_space<hbm>> -> memref<1x128xi32, #tpu.memory_space<hbm>>
      %dma_start3A_269 = tpu.memref_squeeze %dma_start3A_268 : memref<1x128xi32, #tpu.memory_space<hbm>> -> memref<128xi32, #tpu.memory_space<hbm>>
      tpu.enqueue_dma source(%dma_start3A_269 : memref<128xi32, #tpu.memory_space<hbm>>) target(%arg9 : memref<128xi32, #tpu.memory_space<vmem>>) target_semaphore(%arg16 : memref<!tpu.dma_semaphore, #tpu.memory_space<semaphore_mem>>)
    }
    %scan3A_117 = arith.constant 38 : i32
    %dma_wait3A_118 = arith.constant 0 : i32
    %dma_wait3A_119 = arith.constant 0 : i32
    %dma_wait3A_120 = tpu.memref_slice %arg2[%dma_wait3A_118, %dma_wait3A_119] : memref<10240x128xf32, #tpu.memory_space<hbm>> -> memref<10240x128xf32, #tpu.memory_space<hbm>>
    tpu.wait_indirect_dma semaphore(%arg13 : memref<!tpu.dma_semaphore, #tpu.memory_space<semaphore_mem>>) src(%dma_wait3A_120 : memref<10240x128xf32, #tpu.memory_space<hbm>>) dst(%arg10 : memref<128x128xf32, #tpu.memory_space<vmem>>)
    %dma_start3A_121 = arith.constant 78 : i32
    %dma_start3A_122 = arith.constant 0 : i32
    %dma_start3A_123 = tpu.memref_slice %arg7[%dma_start3A_121, %dma_start3A_122] : memref<79x128xi32, #tpu.memory_space<vmem>> -> memref<1x128xi32, #tpu.memory_space<vmem>>
    %dma_start3A_124 = tpu.memref_squeeze %dma_start3A_123 : memref<1x128xi32, #tpu.memory_space<vmem>> -> memref<128xi32, #tpu.memory_space<vmem>>
    %dma_start3A_125 = arith.constant 0 : i32
    %dma_start3A_126 = arith.constant 0 : i32
    %dma_start3A_127 = tpu.memref_slice %arg12[%dma_start3A_125, %dma_start3A_126] : memref<10240x128xf32, #tpu.memory_space<vmem_shared>> -> memref<10240x128xf32, #tpu.memory_space<vmem_shared>>
    tpu.enqueue_indirect_dma source(%arg10 : memref<128x128xf32, #tpu.memory_space<vmem>>) target(%dma_start3A_127 : memref<10240x128xf32, #tpu.memory_space<vmem_shared>>) offsets(%dma_start3A_124 : memref<128xi32, #tpu.memory_space<vmem>>) semaphore(%arg13 : memref<!tpu.dma_semaphore, #tpu.memory_space<semaphore_mem>>) {add = true}
    %dma_wait3A_128 = arith.constant 79 : i32
    %dma_wait3A_129 = arith.constant 0 : i32
    %dma_wait3A_130 = arith.constant 0 : i32
    %dma_wait3A_131 = tpu.memref_slice %arg3[%add3A, %dma_wait3A_129, %dma_wait3A_130] : memref<32x80x128xi32, #tpu.memory_space<hbm>> -> memref<1x80x128xi32, #tpu.memory_space<hbm>>
    %dma_wait3A_132 = tpu.memref_squeeze %dma_wait3A_131 : memref<1x80x128xi32, #tpu.memory_space<hbm>> -> memref<80x128xi32, #tpu.memory_space<hbm>>
    %dma_wait3A_133 = arith.constant 0 : i32
    %dma_wait3A_134 = tpu.memref_slice %dma_wait3A_132[%dma_wait3A_128, %dma_wait3A_133] : memref<80x128xi32, #tpu.memory_space<hbm>> -> memref<1x128xi32, #tpu.memory_space<hbm>>
    %dma_wait3A_135 = tpu.memref_squeeze %dma_wait3A_134 : memref<1x128xi32, #tpu.memory_space<hbm>> -> memref<128xi32, #tpu.memory_space<hbm>>
    %dma_wait3A_136 = arith.constant 0 : i32
    %dma_wait3A_137 = arith.constant 0 : i32
    %dma_wait3A_138 = tpu.memref_slice %arg3[%add3A, %dma_wait3A_136, %dma_wait3A_137] : memref<32x80x128xi32, #tpu.memory_space<hbm>> -> memref<1x80x128xi32, #tpu.memory_space<hbm>>
    %dma_wait3A_139 = tpu.memref_squeeze %dma_wait3A_138 : memref<1x80x128xi32, #tpu.memory_space<hbm>> -> memref<80x128xi32, #tpu.memory_space<hbm>>
    %dma_wait3A_140 = arith.constant 0 : i32
    %dma_wait3A_141 = tpu.memref_slice %dma_wait3A_139[%dma_wait3A_128, %dma_wait3A_140] : memref<80x128xi32, #tpu.memory_space<hbm>> -> memref<1x128xi32, #tpu.memory_space<hbm>>
    %dma_wait3A_142 = tpu.memref_squeeze %dma_wait3A_141 : memref<1x128xi32, #tpu.memory_space<hbm>> -> memref<128xi32, #tpu.memory_space<hbm>>
    tpu.wait_dma2 semaphore(%arg16 : memref<!tpu.dma_semaphore, #tpu.memory_space<semaphore_mem>>) src(%dma_wait3A_142 : memref<128xi32, #tpu.memory_space<hbm>>) dst(%arg9 : memref<128xi32, #tpu.memory_space<vmem>>)
    %dma_wait3A_143 = arith.constant 77 : i32
    %dma_wait3A_144 = arith.constant 0 : i32
    %dma_wait3A_145 = tpu.memref_slice %arg7[%dma_wait3A_143, %dma_wait3A_144] : memref<79x128xi32, #tpu.memory_space<vmem>> -> memref<1x128xi32, #tpu.memory_space<vmem>>
    %dma_wait3A_146 = tpu.memref_squeeze %dma_wait3A_145 : memref<1x128xi32, #tpu.memory_space<vmem>> -> memref<128xi32, #tpu.memory_space<vmem>>
    %dma_wait3A_147 = arith.constant 0 : i32
    %dma_wait3A_148 = arith.constant 0 : i32
    %dma_wait3A_149 = tpu.memref_slice %arg12[%dma_wait3A_147, %dma_wait3A_148] : memref<10240x128xf32, #tpu.memory_space<vmem_shared>> -> memref<10240x128xf32, #tpu.memory_space<vmem_shared>>
    tpu.wait_indirect_dma semaphore(%arg14 : memref<!tpu.dma_semaphore, #tpu.memory_space<semaphore_mem>>) src(%arg11 : memref<128x128xf32, #tpu.memory_space<vmem>>) dst(%dma_wait3A_149 : memref<10240x128xf32, #tpu.memory_space<vmem_shared>>)
    %dma_wait3A_150 = arith.constant 78 : i32
    %dma_wait3A_151 = arith.constant 0 : i32
    %dma_wait3A_152 = tpu.memref_slice %arg7[%dma_wait3A_150, %dma_wait3A_151] : memref<79x128xi32, #tpu.memory_space<vmem>> -> memref<1x128xi32, #tpu.memory_space<vmem>>
    %dma_wait3A_153 = tpu.memref_squeeze %dma_wait3A_152 : memref<1x128xi32, #tpu.memory_space<vmem>> -> memref<128xi32, #tpu.memory_space<vmem>>
    %dma_wait3A_154 = arith.constant 0 : i32
    %dma_wait3A_155 = arith.constant 0 : i32
    %dma_wait3A_156 = tpu.memref_slice %arg12[%dma_wait3A_154, %dma_wait3A_155] : memref<10240x128xf32, #tpu.memory_space<vmem_shared>> -> memref<10240x128xf32, #tpu.memory_space<vmem_shared>>
    tpu.wait_indirect_dma semaphore(%arg13 : memref<!tpu.dma_semaphore, #tpu.memory_space<semaphore_mem>>) src(%arg10 : memref<128x128xf32, #tpu.memory_space<vmem>>) dst(%dma_wait3A_156 : memref<10240x128xf32, #tpu.memory_space<vmem_shared>>)
    %barrier3A_157 = arith.constant 0 : index
    tpu.barrier barrier_id(%barrier3A_157)
    %mul3A_158 = arith.constant 640 : i32
    %mul3A_159 = arith.muli %arg1, %mul3A_158 : i32
    %mul3A_160 = arith.constant 640 : i32
    %mul3A_161 = arith.muli %arg1, %mul3A_160 : i32
    "tpu.region"() ({
      %run_scoped3A_162 = tpu.sem_alloc : memref<!tpu.dma_semaphore, #tpu.memory_space<semaphore_mem>>
      %dma_start3A_163 = arith.constant 0 : i32
      %dma_start3A_164 = arith.constant 0 : i32
      %dma_start3A_165 = tpu.memref_slice %arg6[%arg0, %dma_start3A_163, %dma_start3A_164] : memref<2x10240x128xf32, #tpu.memory_space<hbm>> -> memref<1x10240x128xf32, #tpu.memory_space<hbm>>
      %dma_start3A_166 = tpu.memref_squeeze %dma_start3A_165 : memref<1x10240x128xf32, #tpu.memory_space<hbm>> -> memref<10240x128xf32, #tpu.memory_space<hbm>>
      %dma_start3A_167 = arith.constant 0 : i32
      %dma_start3A_168 = tpu.memref_slice %dma_start3A_166[%mul3A_161, %dma_start3A_167] : memref<10240x128xf32, #tpu.memory_space<hbm>> -> memref<640x128xf32, #tpu.memory_space<hbm>>
      %dma_start3A_169 = arith.constant 0 : i32
      %dma_start3A_170 = tpu.memref_slice %arg12[%mul3A_159, %dma_start3A_169] : memref<10240x128xf32, #tpu.memory_space<vmem_shared>> -> memref<640x128xf32, #tpu.memory_space<vmem_shared>>
      tpu.enqueue_dma source(%dma_start3A_170 : memref<640x128xf32, #tpu.memory_space<vmem_shared>>) target(%dma_start3A_168 : memref<640x128xf32, #tpu.memory_space<hbm>>) target_semaphore(%run_scoped3A_162 : memref<!tpu.dma_semaphore, #tpu.memory_space<semaphore_mem>>)
      %dma_wait3A_171 = arith.constant 0 : i32
      %dma_wait3A_172 = arith.constant 0 : i32
      %dma_wait3A_173 = tpu.memref_slice %arg6[%arg0, %dma_wait3A_171, %dma_wait3A_172] : memref<2x10240x128xf32, #tpu.memory_space<hbm>> -> memref<1x10240x128xf32, #tpu.memory_space<hbm>>
      %dma_wait3A_174 = tpu.memref_squeeze %dma_wait3A_173 : memref<1x10240x128xf32, #tpu.memory_space<hbm>> -> memref<10240x128xf32, #tpu.memory_space<hbm>>
      %dma_wait3A_175 = arith.constant 0 : i32
      %dma_wait3A_176 = tpu.memref_slice %dma_wait3A_174[%mul3A_161, %dma_wait3A_175] : memref<10240x128xf32, #tpu.memory_space<hbm>> -> memref<640x128xf32, #tpu.memory_space<hbm>>
      %dma_wait3A_177 = arith.constant 0 : i32
      %dma_wait3A_178 = tpu.memref_slice %arg12[%mul3A_159, %dma_wait3A_177] : memref<10240x128xf32, #tpu.memory_space<vmem_shared>> -> memref<640x128xf32, #tpu.memory_space<vmem_shared>>
      tpu.wait_dma2 semaphore(%run_scoped3A_162 : memref<!tpu.dma_semaphore, #tpu.memory_space<semaphore_mem>>) src(%dma_wait3A_178 : memref<640x128xf32, #tpu.memory_space<vmem_shared>>) dst(%dma_wait3A_176 : memref<640x128xf32, #tpu.memory_space<hbm>>)
      tpu.yield
    }) : () -> ()
    return
  }
}

#map = affine_map<(d0, d1) -> (0, 0)>
#map1 = affine_map<(d0, d1) -> (0, 0, 0)>
module attributes {stable_mosaic.version = 14 : i64} {
  func.func @k(%arg0: i32, %arg1: i32, %arg2: memref<10240x128xf32, #tpu.memory_space<hbm>>, %arg3: memref<32x80x128xi32, #tpu.memory_space<hbm>>, %arg4: memref<32x79x128xi32, #tpu.memory_space<hbm>>, %arg5: memref<10240x128xf32, #tpu.memory_space<hbm>>, %arg6: memref<2x10240x128xf32, #tpu.memory_space<hbm>>, %arg7: memref<79x128xi32, #tpu.memory_space<vmem>>, %arg8: memref<128xi32, #tpu.memory_space<vmem>>, %arg9: memref<128xi32, #tpu.memory_space<vmem>>, %arg10: memref<128x128xf32, #tpu.memory_space<vmem>>, %arg11: memref<128x128xf32, #tpu.memory_space<vmem>>, %arg12: memref<10240x128xf32, #tpu.memory_space<vmem_shared>>, %arg13: memref<!tpu.dma_semaphore, #tpu.memory_space<semaphore_mem>>, %arg14: memref<!tpu.dma_semaphore, #tpu.memory_space<semaphore_mem>>, %arg15: memref<!tpu.dma_semaphore, #tpu.memory_space<semaphore_mem>>, %arg16: memref<!tpu.dma_semaphore, #tpu.memory_space<semaphore_mem>>) attributes {dimension_semantics = [#tpu.dimension_semantics<core_parallel>, #tpu.dimension_semantics<subcore_parallel>], iteration_bounds = array<i64: 2, 16>, scalar_prefetch = 0 : i64, scratch_operands = 10 : i64, tpu.core_type = #tpu.core_type<sc_vector_subcore>, window_params = [{transform_indices = #map}, {transform_indices = #map1}, {transform_indices = #map1}, {transform_indices = #map}, {transform_indices = #map1}]} {
    %mul3A = arith.constant 2 : i32
    %mul3A_0 = arith.muli %arg1, %mul3A : i32
    %add3A = arith.addi %mul3A_0, %arg0 : i32
    %run_scoped3A = arith.constant 0 : i32
    "tpu.region"() ({
      %run_scoped3A_162 = tpu.sem_alloc : memref<!tpu.dma_semaphore, #tpu.memory_space<semaphore_mem>>
      %dma_start3A_163 = arith.constant 0 : i32
      %dma_start3A_164 = arith.constant 0 : i32
      %dma_start3A_165 = tpu.memref_slice %arg3[%add3A, %dma_start3A_163, %dma_start3A_164] : memref<32x80x128xi32, #tpu.memory_space<hbm>> -> memref<1x80x128xi32, #tpu.memory_space<hbm>>
      %dma_start3A_166 = tpu.memref_squeeze %dma_start3A_165 : memref<1x80x128xi32, #tpu.memory_space<hbm>> -> memref<80x128xi32, #tpu.memory_space<hbm>>
      %dma_start3A_167 = arith.constant 0 : i32
      %dma_start3A_168 = tpu.memref_slice %dma_start3A_166[%run_scoped3A, %dma_start3A_167] : memref<80x128xi32, #tpu.memory_space<hbm>> -> memref<1x128xi32, #tpu.memory_space<hbm>>
      %dma_start3A_169 = tpu.memref_squeeze %dma_start3A_168 : memref<1x128xi32, #tpu.memory_space<hbm>> -> memref<128xi32, #tpu.memory_space<hbm>>
      %dma_start3A_170 = arith.constant 0 : i32
      %dma_start3A_171 = arith.constant 0 : i32
      %dma_start3A_172 = tpu.memref_slice %arg3[%add3A, %dma_start3A_170, %dma_start3A_171] : memref<32x80x128xi32, #tpu.memory_space<hbm>> -> memref<1x80x128xi32, #tpu.memory_space<hbm>>
      %dma_start3A_173 = tpu.memref_squeeze %dma_start3A_172 : memref<1x80x128xi32, #tpu.memory_space<hbm>> -> memref<80x128xi32, #tpu.memory_space<hbm>>
      %dma_start3A_174 = arith.constant 0 : i32
      %dma_start3A_175 = tpu.memref_slice %dma_start3A_173[%run_scoped3A, %dma_start3A_174] : memref<80x128xi32, #tpu.memory_space<hbm>> -> memref<1x128xi32, #tpu.memory_space<hbm>>
      %dma_start3A_176 = tpu.memref_squeeze %dma_start3A_175 : memref<1x128xi32, #tpu.memory_space<hbm>> -> memref<128xi32, #tpu.memory_space<hbm>>
      tpu.enqueue_dma source(%dma_start3A_176 : memref<128xi32, #tpu.memory_space<hbm>>) target(%arg8 : memref<128xi32, #tpu.memory_space<vmem>>) target_semaphore(%run_scoped3A_162 : memref<!tpu.dma_semaphore, #tpu.memory_space<semaphore_mem>>)
      %dma_wait3A_177 = arith.constant 0 : i32
      %dma_wait3A_178 = arith.constant 0 : i32
      %dma_wait3A_179 = tpu.memref_slice %arg3[%add3A, %dma_wait3A_177, %dma_wait3A_178] : memref<32x80x128xi32, #tpu.memory_space<hbm>> -> memref<1x80x128xi32, #tpu.memory_space<hbm>>
      %dma_wait3A_180 = tpu.memref_squeeze %dma_wait3A_179 : memref<1x80x128xi32, #tpu.memory_space<hbm>> -> memref<80x128xi32, #tpu.memory_space<hbm>>
      %dma_wait3A_181 = arith.constant 0 : i32
      %dma_wait3A_182 = tpu.memref_slice %dma_wait3A_180[%run_scoped3A, %dma_wait3A_181] : memref<80x128xi32, #tpu.memory_space<hbm>> -> memref<1x128xi32, #tpu.memory_space<hbm>>
      %dma_wait3A_183 = tpu.memref_squeeze %dma_wait3A_182 : memref<1x128xi32, #tpu.memory_space<hbm>> -> memref<128xi32, #tpu.memory_space<hbm>>
      %dma_wait3A_184 = arith.constant 0 : i32
      %dma_wait3A_185 = arith.constant 0 : i32
      %dma_wait3A_186 = tpu.memref_slice %arg3[%add3A, %dma_wait3A_184, %dma_wait3A_185] : memref<32x80x128xi32, #tpu.memory_space<hbm>> -> memref<1x80x128xi32, #tpu.memory_space<hbm>>
      %dma_wait3A_187 = tpu.memref_squeeze %dma_wait3A_186 : memref<1x80x128xi32, #tpu.memory_space<hbm>> -> memref<80x128xi32, #tpu.memory_space<hbm>>
      %dma_wait3A_188 = arith.constant 0 : i32
      %dma_wait3A_189 = tpu.memref_slice %dma_wait3A_187[%run_scoped3A, %dma_wait3A_188] : memref<80x128xi32, #tpu.memory_space<hbm>> -> memref<1x128xi32, #tpu.memory_space<hbm>>
      %dma_wait3A_190 = tpu.memref_squeeze %dma_wait3A_189 : memref<1x128xi32, #tpu.memory_space<hbm>> -> memref<128xi32, #tpu.memory_space<hbm>>
      tpu.wait_dma2 semaphore(%run_scoped3A_162 : memref<!tpu.dma_semaphore, #tpu.memory_space<semaphore_mem>>) src(%dma_wait3A_190 : memref<128xi32, #tpu.memory_space<hbm>>) dst(%arg8 : memref<128xi32, #tpu.memory_space<vmem>>)
      tpu.yield
    }) : () -> ()
    %dma_start3A = arith.constant 0 : i32
    %dma_start3A_1 = arith.constant 0 : i32
    %dma_start3A_2 = tpu.memref_slice %arg2[%dma_start3A, %dma_start3A_1] : memref<10240x128xf32, #tpu.memory_space<hbm>> -> memref<10240x128xf32, #tpu.memory_space<hbm>>
    tpu.enqueue_indirect_dma source(%dma_start3A_2 : memref<10240x128xf32, #tpu.memory_space<hbm>>) target(%arg10 : memref<128x128xf32, #tpu.memory_space<vmem>>) offsets(%arg8 : memref<128xi32, #tpu.memory_space<vmem>>) semaphore(%arg13 : memref<!tpu.dma_semaphore, #tpu.memory_space<semaphore_mem>>)
    %dma_start3A_3 = arith.constant 1 : i32
    %dma_start3A_4 = arith.constant 0 : i32
    %dma_start3A_5 = arith.constant 0 : i32
    %dma_start3A_6 = tpu.memref_slice %arg3[%add3A, %dma_start3A_4, %dma_start3A_5] : memref<32x80x128xi32, #tpu.memory_space<hbm>> -> memref<1x80x128xi32, #tpu.memory_space<hbm>>
    %dma_start3A_7 = tpu.memref_squeeze %dma_start3A_6 : memref<1x80x128xi32, #tpu.memory_space<hbm>> -> memref<80x128xi32, #tpu.memory_space<hbm>>
    %dma_start3A_8 = arith.constant 0 : i32
    %dma_start3A_9 = tpu.memref_slice %dma_start3A_7[%dma_start3A_3, %dma_start3A_8] : memref<80x128xi32, #tpu.memory_space<hbm>> -> memref<1x128xi32, #tpu.memory_space<hbm>>
    %dma_start3A_10 = tpu.memref_squeeze %dma_start3A_9 : memref<1x128xi32, #tpu.memory_space<hbm>> -> memref<128xi32, #tpu.memory_space<hbm>>
    %dma_start3A_11 = arith.constant 0 : i32
    %dma_start3A_12 = arith.constant 0 : i32
    %dma_start3A_13 = tpu.memref_slice %arg3[%add3A, %dma_start3A_11, %dma_start3A_12] : memref<32x80x128xi32, #tpu.memory_space<hbm>> -> memref<1x80x128xi32, #tpu.memory_space<hbm>>
    %dma_start3A_14 = tpu.memref_squeeze %dma_start3A_13 : memref<1x80x128xi32, #tpu.memory_space<hbm>> -> memref<80x128xi32, #tpu.memory_space<hbm>>
    %dma_start3A_15 = arith.constant 0 : i32
    %dma_start3A_16 = tpu.memref_slice %dma_start3A_14[%dma_start3A_3, %dma_start3A_15] : memref<80x128xi32, #tpu.memory_space<hbm>> -> memref<1x128xi32, #tpu.memory_space<hbm>>
    %dma_start3A_17 = tpu.memref_squeeze %dma_start3A_16 : memref<1x128xi32, #tpu.memory_space<hbm>> -> memref<128xi32, #tpu.memory_space<hbm>>
    tpu.enqueue_dma source(%dma_start3A_17 : memref<128xi32, #tpu.memory_space<hbm>>) target(%arg9 : memref<128xi32, #tpu.memory_space<vmem>>) target_semaphore(%arg16 : memref<!tpu.dma_semaphore, #tpu.memory_space<semaphore_mem>>)
    %mul3A_18 = arith.constant 640 : i32
    %mul3A_19 = arith.muli %arg1, %mul3A_18 : i32
    %mul3A_20 = arith.constant 640 : i32
    %mul3A_21 = arith.muli %arg1, %mul3A_20 : i32
    "tpu.region"() ({
      %run_scoped3A_162 = tpu.sem_alloc : memref<!tpu.dma_semaphore, #tpu.memory_space<semaphore_mem>>
      %dma_start3A_163 = arith.constant 0 : i32
      %dma_start3A_164 = tpu.memref_slice %arg12[%mul3A_21, %dma_start3A_163] : memref<10240x128xf32, #tpu.memory_space<vmem_shared>> -> memref<640x128xf32, #tpu.memory_space<vmem_shared>>
      %dma_start3A_165 = arith.constant 0 : i32
      %dma_start3A_166 = tpu.memref_slice %arg5[%mul3A_19, %dma_start3A_165] : memref<10240x128xf32, #tpu.memory_space<hbm>> -> memref<640x128xf32, #tpu.memory_space<hbm>>
      tpu.enqueue_dma source(%dma_start3A_166 : memref<640x128xf32, #tpu.memory_space<hbm>>) target(%dma_start3A_164 : memref<640x128xf32, #tpu.memory_space<vmem_shared>>) target_semaphore(%run_scoped3A_162 : memref<!tpu.dma_semaphore, #tpu.memory_space<semaphore_mem>>)
      %dma_wait3A_167 = arith.constant 0 : i32
      %dma_wait3A_168 = tpu.memref_slice %arg12[%mul3A_21, %dma_wait3A_167] : memref<10240x128xf32, #tpu.memory_space<vmem_shared>> -> memref<640x128xf32, #tpu.memory_space<vmem_shared>>
      %dma_wait3A_169 = arith.constant 0 : i32
      %dma_wait3A_170 = tpu.memref_slice %arg5[%mul3A_19, %dma_wait3A_169] : memref<10240x128xf32, #tpu.memory_space<hbm>> -> memref<640x128xf32, #tpu.memory_space<hbm>>
      tpu.wait_dma2 semaphore(%run_scoped3A_162 : memref<!tpu.dma_semaphore, #tpu.memory_space<semaphore_mem>>) src(%dma_wait3A_170 : memref<640x128xf32, #tpu.memory_space<hbm>>) dst(%dma_wait3A_168 : memref<640x128xf32, #tpu.memory_space<vmem_shared>>)
      tpu.yield
    }) : () -> ()
    "tpu.region"() ({
      %run_scoped3A_162 = tpu.sem_alloc : memref<!tpu.dma_semaphore, #tpu.memory_space<semaphore_mem>>
      %dma_start3A_163 = arith.constant 0 : i32
      %dma_start3A_164 = arith.constant 0 : i32
      %dma_start3A_165 = tpu.memref_slice %arg4[%add3A, %dma_start3A_163, %dma_start3A_164] : memref<32x79x128xi32, #tpu.memory_space<hbm>> -> memref<1x79x128xi32, #tpu.memory_space<hbm>>
      %dma_start3A_166 = tpu.memref_squeeze %dma_start3A_165 : memref<1x79x128xi32, #tpu.memory_space<hbm>> -> memref<79x128xi32, #tpu.memory_space<hbm>>
      %dma_start3A_167 = arith.constant 0 : i32
      %dma_start3A_168 = arith.constant 0 : i32
      %dma_start3A_169 = tpu.memref_slice %arg4[%add3A, %dma_start3A_167, %dma_start3A_168] : memref<32x79x128xi32, #tpu.memory_space<hbm>> -> memref<1x79x128xi32, #tpu.memory_space<hbm>>
      %dma_start3A_170 = tpu.memref_squeeze %dma_start3A_169 : memref<1x79x128xi32, #tpu.memory_space<hbm>> -> memref<79x128xi32, #tpu.memory_space<hbm>>
      tpu.enqueue_dma source(%dma_start3A_170 : memref<79x128xi32, #tpu.memory_space<hbm>>) target(%arg7 : memref<79x128xi32, #tpu.memory_space<vmem>>) target_semaphore(%run_scoped3A_162 : memref<!tpu.dma_semaphore, #tpu.memory_space<semaphore_mem>>)
      %dma_wait3A_171 = arith.constant 0 : i32
      %dma_wait3A_172 = arith.constant 0 : i32
      %dma_wait3A_173 = tpu.memref_slice %arg4[%add3A, %dma_wait3A_171, %dma_wait3A_172] : memref<32x79x128xi32, #tpu.memory_space<hbm>> -> memref<1x79x128xi32, #tpu.memory_space<hbm>>
      %dma_wait3A_174 = tpu.memref_squeeze %dma_wait3A_173 : memref<1x79x128xi32, #tpu.memory_space<hbm>> -> memref<79x128xi32, #tpu.memory_space<hbm>>
      %dma_wait3A_175 = arith.constant 0 : i32
      %dma_wait3A_176 = arith.constant 0 : i32
      %dma_wait3A_177 = tpu.memref_slice %arg4[%add3A, %dma_wait3A_175, %dma_wait3A_176] : memref<32x79x128xi32, #tpu.memory_space<hbm>> -> memref<1x79x128xi32, #tpu.memory_space<hbm>>
      %dma_wait3A_178 = tpu.memref_squeeze %dma_wait3A_177 : memref<1x79x128xi32, #tpu.memory_space<hbm>> -> memref<79x128xi32, #tpu.memory_space<hbm>>
      tpu.wait_dma2 semaphore(%run_scoped3A_162 : memref<!tpu.dma_semaphore, #tpu.memory_space<semaphore_mem>>) src(%dma_wait3A_178 : memref<79x128xi32, #tpu.memory_space<hbm>>) dst(%arg7 : memref<79x128xi32, #tpu.memory_space<vmem>>)
      tpu.yield
    }) : () -> ()
    %barrier3A = arith.constant 0 : index
    tpu.barrier barrier_id(%barrier3A)
    %dma_wait3A = arith.constant 0 : i32
    %dma_wait3A_22 = arith.constant 0 : i32
    %dma_wait3A_23 = tpu.memref_slice %arg2[%dma_wait3A, %dma_wait3A_22] : memref<10240x128xf32, #tpu.memory_space<hbm>> -> memref<10240x128xf32, #tpu.memory_space<hbm>>
    tpu.wait_indirect_dma semaphore(%arg13 : memref<!tpu.dma_semaphore, #tpu.memory_space<semaphore_mem>>) src(%dma_wait3A_23 : memref<10240x128xf32, #tpu.memory_space<hbm>>) dst(%arg10 : memref<128x128xf32, #tpu.memory_space<vmem>>)
    %dma_start3A_24 = arith.constant 0 : i32
    %dma_start3A_25 = arith.constant 0 : i32
    %dma_start3A_26 = tpu.memref_slice %arg7[%dma_start3A_24, %dma_start3A_25] : memref<79x128xi32, #tpu.memory_space<vmem>> -> memref<1x128xi32, #tpu.memory_space<vmem>>
    %dma_start3A_27 = tpu.memref_squeeze %dma_start3A_26 : memref<1x128xi32, #tpu.memory_space<vmem>> -> memref<128xi32, #tpu.memory_space<vmem>>
    %dma_start3A_28 = arith.constant 0 : i32
    %dma_start3A_29 = arith.constant 0 : i32
    %dma_start3A_30 = tpu.memref_slice %arg12[%dma_start3A_28, %dma_start3A_29] : memref<10240x128xf32, #tpu.memory_space<vmem_shared>> -> memref<10240x128xf32, #tpu.memory_space<vmem_shared>>
    tpu.enqueue_indirect_dma source(%arg10 : memref<128x128xf32, #tpu.memory_space<vmem>>) target(%dma_start3A_30 : memref<10240x128xf32, #tpu.memory_space<vmem_shared>>) offsets(%dma_start3A_27 : memref<128xi32, #tpu.memory_space<vmem>>) semaphore(%arg13 : memref<!tpu.dma_semaphore, #tpu.memory_space<semaphore_mem>>) {add = true}
    %dma_wait3A_31 = arith.constant 1 : i32
    %dma_wait3A_32 = arith.constant 0 : i32
    %dma_wait3A_33 = arith.constant 0 : i32
    %dma_wait3A_34 = tpu.memref_slice %arg3[%add3A, %dma_wait3A_32, %dma_wait3A_33] : memref<32x80x128xi32, #tpu.memory_space<hbm>> -> memref<1x80x128xi32, #tpu.memory_space<hbm>>
    %dma_wait3A_35 = tpu.memref_squeeze %dma_wait3A_34 : memref<1x80x128xi32, #tpu.memory_space<hbm>> -> memref<80x128xi32, #tpu.memory_space<hbm>>
    %dma_wait3A_36 = arith.constant 0 : i32
    %dma_wait3A_37 = tpu.memref_slice %dma_wait3A_35[%dma_wait3A_31, %dma_wait3A_36] : memref<80x128xi32, #tpu.memory_space<hbm>> -> memref<1x128xi32, #tpu.memory_space<hbm>>
    %dma_wait3A_38 = tpu.memref_squeeze %dma_wait3A_37 : memref<1x128xi32, #tpu.memory_space<hbm>> -> memref<128xi32, #tpu.memory_space<hbm>>
    %dma_wait3A_39 = arith.constant 0 : i32
    %dma_wait3A_40 = arith.constant 0 : i32
    %dma_wait3A_41 = tpu.memref_slice %arg3[%add3A, %dma_wait3A_39, %dma_wait3A_40] : memref<32x80x128xi32, #tpu.memory_space<hbm>> -> memref<1x80x128xi32, #tpu.memory_space<hbm>>
    %dma_wait3A_42 = tpu.memref_squeeze %dma_wait3A_41 : memref<1x80x128xi32, #tpu.memory_space<hbm>> -> memref<80x128xi32, #tpu.memory_space<hbm>>
    %dma_wait3A_43 = arith.constant 0 : i32
    %dma_wait3A_44 = tpu.memref_slice %dma_wait3A_42[%dma_wait3A_31, %dma_wait3A_43] : memref<80x128xi32, #tpu.memory_space<hbm>> -> memref<1x128xi32, #tpu.memory_space<hbm>>
    %dma_wait3A_45 = tpu.memref_squeeze %dma_wait3A_44 : memref<1x128xi32, #tpu.memory_space<hbm>> -> memref<128xi32, #tpu.memory_space<hbm>>
    tpu.wait_dma2 semaphore(%arg16 : memref<!tpu.dma_semaphore, #tpu.memory_space<semaphore_mem>>) src(%dma_wait3A_45 : memref<128xi32, #tpu.memory_space<hbm>>) dst(%arg9 : memref<128xi32, #tpu.memory_space<vmem>>)
    %dma_start3A_46 = arith.constant 0 : i32
    %dma_start3A_47 = arith.constant 0 : i32
    %dma_start3A_48 = tpu.memref_slice %arg2[%dma_start3A_46, %dma_start3A_47] : memref<10240x128xf32, #tpu.memory_space<hbm>> -> memref<10240x128xf32, #tpu.memory_space<hbm>>
    tpu.enqueue_indirect_dma source(%dma_start3A_48 : memref<10240x128xf32, #tpu.memory_space<hbm>>) target(%arg11 : memref<128x128xf32, #tpu.memory_space<vmem>>) offsets(%arg9 : memref<128xi32, #tpu.memory_space<vmem>>) semaphore(%arg14 : memref<!tpu.dma_semaphore, #tpu.memory_space<semaphore_mem>>)
    %dma_start3A_49 = arith.constant 2 : i32
    %dma_start3A_50 = arith.constant 0 : i32
    %dma_start3A_51 = arith.constant 0 : i32
    %dma_start3A_52 = tpu.memref_slice %arg3[%add3A, %dma_start3A_50, %dma_start3A_51] : memref<32x80x128xi32, #tpu.memory_space<hbm>> -> memref<1x80x128xi32, #tpu.memory_space<hbm>>
    %dma_start3A_53 = tpu.memref_squeeze %dma_start3A_52 : memref<1x80x128xi32, #tpu.memory_space<hbm>> -> memref<80x128xi32, #tpu.memory_space<hbm>>
    %dma_start3A_54 = arith.constant 0 : i32
    %dma_start3A_55 = tpu.memref_slice %dma_start3A_53[%dma_start3A_49, %dma_start3A_54] : memref<80x128xi32, #tpu.memory_space<hbm>> -> memref<1x128xi32, #tpu.memory_space<hbm>>
    %dma_start3A_56 = tpu.memref_squeeze %dma_start3A_55 : memref<1x128xi32, #tpu.memory_space<hbm>> -> memref<128xi32, #tpu.memory_space<hbm>>
    %dma_start3A_57 = arith.constant 0 : i32
    %dma_start3A_58 = arith.constant 0 : i32
    %dma_start3A_59 = tpu.memref_slice %arg3[%add3A, %dma_start3A_57, %dma_start3A_58] : memref<32x80x128xi32, #tpu.memory_space<hbm>> -> memref<1x80x128xi32, #tpu.memory_space<hbm>>
    %dma_start3A_60 = tpu.memref_squeeze %dma_start3A_59 : memref<1x80x128xi32, #tpu.memory_space<hbm>> -> memref<80x128xi32, #tpu.memory_space<hbm>>
    %dma_start3A_61 = arith.constant 0 : i32
    %dma_start3A_62 = tpu.memref_slice %dma_start3A_60[%dma_start3A_49, %dma_start3A_61] : memref<80x128xi32, #tpu.memory_space<hbm>> -> memref<1x128xi32, #tpu.memory_space<hbm>>
    %dma_start3A_63 = tpu.memref_squeeze %dma_start3A_62 : memref<1x128xi32, #tpu.memory_space<hbm>> -> memref<128xi32, #tpu.memory_space<hbm>>
    tpu.enqueue_dma source(%dma_start3A_63 : memref<128xi32, #tpu.memory_space<hbm>>) target(%arg8 : memref<128xi32, #tpu.memory_space<vmem>>) target_semaphore(%arg15 : memref<!tpu.dma_semaphore, #tpu.memory_space<semaphore_mem>>)
    %dma_wait3A_64 = arith.constant 0 : i32
    %dma_wait3A_65 = arith.constant 0 : i32
    %dma_wait3A_66 = tpu.memref_slice %arg2[%dma_wait3A_64, %dma_wait3A_65] : memref<10240x128xf32, #tpu.memory_space<hbm>> -> memref<10240x128xf32, #tpu.memory_space<hbm>>
    tpu.wait_indirect_dma semaphore(%arg14 : memref<!tpu.dma_semaphore, #tpu.memory_space<semaphore_mem>>) src(%dma_wait3A_66 : memref<10240x128xf32, #tpu.memory_space<hbm>>) dst(%arg11 : memref<128x128xf32, #tpu.memory_space<vmem>>)
    %dma_start3A_67 = arith.constant 1 : i32
    %dma_start3A_68 = arith.constant 0 : i32
    %dma_start3A_69 = tpu.memref_slice %arg7[%dma_start3A_67, %dma_start3A_68] : memref<79x128xi32, #tpu.memory_space<vmem>> -> memref<1x128xi32, #tpu.memory_space<vmem>>
    %dma_start3A_70 = tpu.memref_squeeze %dma_start3A_69 : memref<1x128xi32, #tpu.memory_space<vmem>> -> memref<128xi32, #tpu.memory_space<vmem>>
    %dma_start3A_71 = arith.constant 0 : i32
    %dma_start3A_72 = arith.constant 0 : i32
    %dma_start3A_73 = tpu.memref_slice %arg12[%dma_start3A_71, %dma_start3A_72] : memref<10240x128xf32, #tpu.memory_space<vmem_shared>> -> memref<10240x128xf32, #tpu.memory_space<vmem_shared>>
    tpu.enqueue_indirect_dma source(%arg11 : memref<128x128xf32, #tpu.memory_space<vmem>>) target(%dma_start3A_73 : memref<10240x128xf32, #tpu.memory_space<vmem_shared>>) offsets(%dma_start3A_70 : memref<128xi32, #tpu.memory_space<vmem>>) semaphore(%arg14 : memref<!tpu.dma_semaphore, #tpu.memory_space<semaphore_mem>>) {add = true}
    %dma_wait3A_74 = arith.constant 2 : i32
    %dma_wait3A_75 = arith.constant 0 : i32
    %dma_wait3A_76 = arith.constant 0 : i32
    %dma_wait3A_77 = tpu.memref_slice %arg3[%add3A, %dma_wait3A_75, %dma_wait3A_76] : memref<32x80x128xi32, #tpu.memory_space<hbm>> -> memref<1x80x128xi32, #tpu.memory_space<hbm>>
    %dma_wait3A_78 = tpu.memref_squeeze %dma_wait3A_77 : memref<1x80x128xi32, #tpu.memory_space<hbm>> -> memref<80x128xi32, #tpu.memory_space<hbm>>
    %dma_wait3A_79 = arith.constant 0 : i32
    %dma_wait3A_80 = tpu.memref_slice %dma_wait3A_78[%dma_wait3A_74, %dma_wait3A_79] : memref<80x128xi32, #tpu.memory_space<hbm>> -> memref<1x128xi32, #tpu.memory_space<hbm>>
    %dma_wait3A_81 = tpu.memref_squeeze %dma_wait3A_80 : memref<1x128xi32, #tpu.memory_space<hbm>> -> memref<128xi32, #tpu.memory_space<hbm>>
    %dma_wait3A_82 = arith.constant 0 : i32
    %dma_wait3A_83 = arith.constant 0 : i32
    %dma_wait3A_84 = tpu.memref_slice %arg3[%add3A, %dma_wait3A_82, %dma_wait3A_83] : memref<32x80x128xi32, #tpu.memory_space<hbm>> -> memref<1x80x128xi32, #tpu.memory_space<hbm>>
    %dma_wait3A_85 = tpu.memref_squeeze %dma_wait3A_84 : memref<1x80x128xi32, #tpu.memory_space<hbm>> -> memref<80x128xi32, #tpu.memory_space<hbm>>
    %dma_wait3A_86 = arith.constant 0 : i32
    %dma_wait3A_87 = tpu.memref_slice %dma_wait3A_85[%dma_wait3A_74, %dma_wait3A_86] : memref<80x128xi32, #tpu.memory_space<hbm>> -> memref<1x128xi32, #tpu.memory_space<hbm>>
    %dma_wait3A_88 = tpu.memref_squeeze %dma_wait3A_87 : memref<1x128xi32, #tpu.memory_space<hbm>> -> memref<128xi32, #tpu.memory_space<hbm>>
    tpu.wait_dma2 semaphore(%arg15 : memref<!tpu.dma_semaphore, #tpu.memory_space<semaphore_mem>>) src(%dma_wait3A_88 : memref<128xi32, #tpu.memory_space<hbm>>) dst(%arg8 : memref<128xi32, #tpu.memory_space<vmem>>)
    %dma_wait3A_89 = arith.constant 0 : i32
    %dma_wait3A_90 = arith.constant 0 : i32
    %dma_wait3A_91 = tpu.memref_slice %arg7[%dma_wait3A_89, %dma_wait3A_90] : memref<79x128xi32, #tpu.memory_space<vmem>> -> memref<1x128xi32, #tpu.memory_space<vmem>>
    %dma_wait3A_92 = tpu.memref_squeeze %dma_wait3A_91 : memref<1x128xi32, #tpu.memory_space<vmem>> -> memref<128xi32, #tpu.memory_space<vmem>>
    %dma_wait3A_93 = arith.constant 0 : i32
    %dma_wait3A_94 = arith.constant 0 : i32
    %dma_wait3A_95 = tpu.memref_slice %arg12[%dma_wait3A_93, %dma_wait3A_94] : memref<10240x128xf32, #tpu.memory_space<vmem_shared>> -> memref<10240x128xf32, #tpu.memory_space<vmem_shared>>
    tpu.wait_indirect_dma semaphore(%arg13 : memref<!tpu.dma_semaphore, #tpu.memory_space<semaphore_mem>>) src(%arg10 : memref<128x128xf32, #tpu.memory_space<vmem>>) dst(%dma_wait3A_95 : memref<10240x128xf32, #tpu.memory_space<vmem_shared>>)
    %dma_start3A_96 = arith.constant 0 : i32
    %dma_start3A_97 = arith.constant 0 : i32
    %dma_start3A_98 = tpu.memref_slice %arg2[%dma_start3A_96, %dma_start3A_97] : memref<10240x128xf32, #tpu.memory_space<hbm>> -> memref<10240x128xf32, #tpu.memory_space<hbm>>
    tpu.enqueue_indirect_dma source(%dma_start3A_98 : memref<10240x128xf32, #tpu.memory_space<hbm>>) target(%arg10 : memref<128x128xf32, #tpu.memory_space<vmem>>) offsets(%arg8 : memref<128xi32, #tpu.memory_space<vmem>>) semaphore(%arg13 : memref<!tpu.dma_semaphore, #tpu.memory_space<semaphore_mem>>)
    %dma_start3A_99 = arith.constant 3 : i32
    %dma_start3A_100 = arith.constant 0 : i32
    %dma_start3A_101 = arith.constant 0 : i32
    %dma_start3A_102 = tpu.memref_slice %arg3[%add3A, %dma_start3A_100, %dma_start3A_101] : memref<32x80x128xi32, #tpu.memory_space<hbm>> -> memref<1x80x128xi32, #tpu.memory_space<hbm>>
    %dma_start3A_103 = tpu.memref_squeeze %dma_start3A_102 : memref<1x80x128xi32, #tpu.memory_space<hbm>> -> memref<80x128xi32, #tpu.memory_space<hbm>>
    %dma_start3A_104 = arith.constant 0 : i32
    %dma_start3A_105 = tpu.memref_slice %dma_start3A_103[%dma_start3A_99, %dma_start3A_104] : memref<80x128xi32, #tpu.memory_space<hbm>> -> memref<1x128xi32, #tpu.memory_space<hbm>>
    %dma_start3A_106 = tpu.memref_squeeze %dma_start3A_105 : memref<1x128xi32, #tpu.memory_space<hbm>> -> memref<128xi32, #tpu.memory_space<hbm>>
    %dma_start3A_107 = arith.constant 0 : i32
    %dma_start3A_108 = arith.constant 0 : i32
    %dma_start3A_109 = tpu.memref_slice %arg3[%add3A, %dma_start3A_107, %dma_start3A_108] : memref<32x80x128xi32, #tpu.memory_space<hbm>> -> memref<1x80x128xi32, #tpu.memory_space<hbm>>
    %dma_start3A_110 = tpu.memref_squeeze %dma_start3A_109 : memref<1x80x128xi32, #tpu.memory_space<hbm>> -> memref<80x128xi32, #tpu.memory_space<hbm>>
    %dma_start3A_111 = arith.constant 0 : i32
    %dma_start3A_112 = tpu.memref_slice %dma_start3A_110[%dma_start3A_99, %dma_start3A_111] : memref<80x128xi32, #tpu.memory_space<hbm>> -> memref<1x128xi32, #tpu.memory_space<hbm>>
    %dma_start3A_113 = tpu.memref_squeeze %dma_start3A_112 : memref<1x128xi32, #tpu.memory_space<hbm>> -> memref<128xi32, #tpu.memory_space<hbm>>
    tpu.enqueue_dma source(%dma_start3A_113 : memref<128xi32, #tpu.memory_space<hbm>>) target(%arg9 : memref<128xi32, #tpu.memory_space<vmem>>) target_semaphore(%arg16 : memref<!tpu.dma_semaphore, #tpu.memory_space<semaphore_mem>>)
    %scan3A = arith.constant 0 : i32
    %scan3A_114 = arith.constant 38 : i32
    %scan3A_115 = arith.addi %scan3A, %scan3A_114 : i32
    %scan3A_116 = arith.constant 1 : i32
    scf.for %scan3A_162 = %scan3A to %scan3A_115 step %scan3A_116  : i32 {
      %mul3A_163 = arith.constant 2 : i32
      %mul3A_164 = arith.muli %scan3A_162, %mul3A_163 : i32
      %add3A_165 = arith.constant 2 : i32
      %add3A_166 = arith.addi %add3A_165, %mul3A_164 : i32
      %add3A_167 = arith.constant 1 : i32
      %add3A_168 = arith.addi %add3A_166, %add3A_167 : i32
      %dma_wait3A_169 = arith.constant 0 : i32
      %dma_wait3A_170 = arith.constant 0 : i32
      %dma_wait3A_171 = tpu.memref_slice %arg3[%add3A, %dma_wait3A_169, %dma_wait3A_170] : memref<32x80x128xi32, #tpu.memory_space<hbm>> -> memref<1x80x128xi32, #tpu.memory_space<hbm>>
      %dma_wait3A_172 = tpu.memref_squeeze %dma_wait3A_171 : memref<1x80x128xi32, #tpu.memory_space<hbm>> -> memref<80x128xi32, #tpu.memory_space<hbm>>
      %dma_wait3A_173 = arith.constant 0 : i32
      %dma_wait3A_174 = tpu.memref_slice %dma_wait3A_172[%add3A_168, %dma_wait3A_173] : memref<80x128xi32, #tpu.memory_space<hbm>> -> memref<1x128xi32, #tpu.memory_space<hbm>>
      %dma_wait3A_175 = tpu.memref_squeeze %dma_wait3A_174 : memref<1x128xi32, #tpu.memory_space<hbm>> -> memref<128xi32, #tpu.memory_space<hbm>>
      %dma_wait3A_176 = arith.constant 0 : i32
      %dma_wait3A_177 = arith.constant 0 : i32
      %dma_wait3A_178 = tpu.memref_slice %arg3[%add3A, %dma_wait3A_176, %dma_wait3A_177] : memref<32x80x128xi32, #tpu.memory_space<hbm>> -> memref<1x80x128xi32, #tpu.memory_space<hbm>>
      %dma_wait3A_179 = tpu.memref_squeeze %dma_wait3A_178 : memref<1x80x128xi32, #tpu.memory_space<hbm>> -> memref<80x128xi32, #tpu.memory_space<hbm>>
      %dma_wait3A_180 = arith.constant 0 : i32
      %dma_wait3A_181 = tpu.memref_slice %dma_wait3A_179[%add3A_168, %dma_wait3A_180] : memref<80x128xi32, #tpu.memory_space<hbm>> -> memref<1x128xi32, #tpu.memory_space<hbm>>
      %dma_wait3A_182 = tpu.memref_squeeze %dma_wait3A_181 : memref<1x128xi32, #tpu.memory_space<hbm>> -> memref<128xi32, #tpu.memory_space<hbm>>
      tpu.wait_dma2 semaphore(%arg16 : memref<!tpu.dma_semaphore, #tpu.memory_space<semaphore_mem>>) src(%dma_wait3A_182 : memref<128xi32, #tpu.memory_space<hbm>>) dst(%arg9 : memref<128xi32, #tpu.memory_space<vmem>>)
      %sub3A = arith.constant 1 : i32
      %sub3A_183 = arith.subi %add3A_166, %sub3A : i32
      %dma_wait3A_184 = arith.constant 0 : i32
      %dma_wait3A_185 = tpu.memref_slice %arg7[%sub3A_183, %dma_wait3A_184] : memref<79x128xi32, #tpu.memory_space<vmem>> -> memref<1x128xi32, #tpu.memory_space<vmem>>
      %dma_wait3A_186 = tpu.memref_squeeze %dma_wait3A_185 : memref<1x128xi32, #tpu.memory_space<vmem>> -> memref<128xi32, #tpu.memory_space<vmem>>
      %dma_wait3A_187 = arith.constant 0 : i32
      %dma_wait3A_188 = arith.constant 0 : i32
      %dma_wait3A_189 = tpu.memref_slice %arg12[%dma_wait3A_187, %dma_wait3A_188] : memref<10240x128xf32, #tpu.memory_space<vmem_shared>> -> memref<10240x128xf32, #tpu.memory_space<vmem_shared>>
      tpu.wait_indirect_dma semaphore(%arg14 : memref<!tpu.dma_semaphore, #tpu.memory_space<semaphore_mem>>) src(%arg11 : memref<128x128xf32, #tpu.memory_space<vmem>>) dst(%dma_wait3A_189 : memref<10240x128xf32, #tpu.memory_space<vmem_shared>>)
      %dma_start3A_190 = arith.constant 0 : i32
      %dma_start3A_191 = arith.constant 0 : i32
      %dma_start3A_192 = tpu.memref_slice %arg2[%dma_start3A_190, %dma_start3A_191] : memref<10240x128xf32, #tpu.memory_space<hbm>> -> memref<10240x128xf32, #tpu.memory_space<hbm>>
      tpu.enqueue_indirect_dma source(%dma_start3A_192 : memref<10240x128xf32, #tpu.memory_space<hbm>>) target(%arg11 : memref<128x128xf32, #tpu.memory_space<vmem>>) offsets(%arg9 : memref<128xi32, #tpu.memory_space<vmem>>) semaphore(%arg14 : memref<!tpu.dma_semaphore, #tpu.memory_space<semaphore_mem>>)
      %dma_wait3A_193 = arith.constant 0 : i32
      %dma_wait3A_194 = arith.constant 0 : i32
      %dma_wait3A_195 = tpu.memref_slice %arg2[%dma_wait3A_193, %dma_wait3A_194] : memref<10240x128xf32, #tpu.memory_space<hbm>> -> memref<10240x128xf32, #tpu.memory_space<hbm>>
      tpu.wait_indirect_dma semaphore(%arg13 : memref<!tpu.dma_semaphore, #tpu.memory_space<semaphore_mem>>) src(%dma_wait3A_195 : memref<10240x128xf32, #tpu.memory_space<hbm>>) dst(%arg10 : memref<128x128xf32, #tpu.memory_space<vmem>>)
      %dma_start3A_196 = arith.constant 0 : i32
      %dma_start3A_197 = tpu.memref_slice %arg7[%add3A_166, %dma_start3A_196] : memref<79x128xi32, #tpu.memory_space<vmem>> -> memref<1x128xi32, #tpu.memory_space<vmem>>
      %dma_start3A_198 = tpu.memref_squeeze %dma_start3A_197 : memref<1x128xi32, #tpu.memory_space<vmem>> -> memref<128xi32, #tpu.memory_space<vmem>>
      %dma_start3A_199 = arith.constant 0 : i32
      %dma_start3A_200 = arith.constant 0 : i32
      %dma_start3A_201 = tpu.memref_slice %arg12[%dma_start3A_199, %dma_start3A_200] : memref<10240x128xf32, #tpu.memory_space<vmem_shared>> -> memref<10240x128xf32, #tpu.memory_space<vmem_shared>>
      tpu.enqueue_indirect_dma source(%arg10 : memref<128x128xf32, #tpu.memory_space<vmem>>) target(%dma_start3A_201 : memref<10240x128xf32, #tpu.memory_space<vmem_shared>>) offsets(%dma_start3A_198 : memref<128xi32, #tpu.memory_space<vmem>>) semaphore(%arg13 : memref<!tpu.dma_semaphore, #tpu.memory_space<semaphore_mem>>) {add = true}
      %add3A_202 = arith.constant 2 : i32
      %add3A_203 = arith.addi %add3A_166, %add3A_202 : i32
      %dma_start3A_204 = arith.constant 0 : i32
      %dma_start3A_205 = arith.constant 0 : i32
      %dma_start3A_206 = tpu.memref_slice %arg3[%add3A, %dma_start3A_204, %dma_start3A_205] : memref<32x80x128xi32, #tpu.memory_space<hbm>> -> memref<1x80x128xi32, #tpu.memory_space<hbm>>
      %dma_start3A_207 = tpu.memref_squeeze %dma_start3A_206 : memref<1x80x128xi32, #tpu.memory_space<hbm>> -> memref<80x128xi32, #tpu.memory_space<hbm>>
      %dma_start3A_208 = arith.constant 0 : i32
      %dma_start3A_209 = tpu.memref_slice %dma_start3A_207[%add3A_203, %dma_start3A_208] : memref<80x128xi32, #tpu.memory_space<hbm>> -> memref<1x128xi32, #tpu.memory_space<hbm>>
      %dma_start3A_210 = tpu.memref_squeeze %dma_start3A_209 : memref<1x128xi32, #tpu.memory_space<hbm>> -> memref<128xi32, #tpu.memory_space<hbm>>
      %dma_start3A_211 = arith.constant 0 : i32
      %dma_start3A_212 = arith.constant 0 : i32
      %dma_start3A_213 = tpu.memref_slice %arg3[%add3A, %dma_start3A_211, %dma_start3A_212] : memref<32x80x128xi32, #tpu.memory_space<hbm>> -> memref<1x80x128xi32, #tpu.memory_space<hbm>>
      %dma_start3A_214 = tpu.memref_squeeze %dma_start3A_213 : memref<1x80x128xi32, #tpu.memory_space<hbm>> -> memref<80x128xi32, #tpu.memory_space<hbm>>
      %dma_start3A_215 = arith.constant 0 : i32
      %dma_start3A_216 = tpu.memref_slice %dma_start3A_214[%add3A_203, %dma_start3A_215] : memref<80x128xi32, #tpu.memory_space<hbm>> -> memref<1x128xi32, #tpu.memory_space<hbm>>
      %dma_start3A_217 = tpu.memref_squeeze %dma_start3A_216 : memref<1x128xi32, #tpu.memory_space<hbm>> -> memref<128xi32, #tpu.memory_space<hbm>>
      tpu.enqueue_dma source(%dma_start3A_217 : memref<128xi32, #tpu.memory_space<hbm>>) target(%arg8 : memref<128xi32, #tpu.memory_space<vmem>>) target_semaphore(%arg15 : memref<!tpu.dma_semaphore, #tpu.memory_space<semaphore_mem>>)
      %add3A_218 = arith.constant 2 : i32
      %add3A_219 = arith.addi %add3A_166, %add3A_218 : i32
      %dma_wait3A_220 = arith.constant 0 : i32
      %dma_wait3A_221 = arith.constant 0 : i32
      %dma_wait3A_222 = tpu.memref_slice %arg3[%add3A, %dma_wait3A_220, %dma_wait3A_221] : memref<32x80x128xi32, #tpu.memory_space<hbm>> -> memref<1x80x128xi32, #tpu.memory_space<hbm>>
      %dma_wait3A_223 = tpu.memref_squeeze %dma_wait3A_222 : memref<1x80x128xi32, #tpu.memory_space<hbm>> -> memref<80x128xi32, #tpu.memory_space<hbm>>
      %dma_wait3A_224 = arith.constant 0 : i32
      %dma_wait3A_225 = tpu.memref_slice %dma_wait3A_223[%add3A_219, %dma_wait3A_224] : memref<80x128xi32, #tpu.memory_space<hbm>> -> memref<1x128xi32, #tpu.memory_space<hbm>>
      %dma_wait3A_226 = tpu.memref_squeeze %dma_wait3A_225 : memref<1x128xi32, #tpu.memory_space<hbm>> -> memref<128xi32, #tpu.memory_space<hbm>>
      %dma_wait3A_227 = arith.constant 0 : i32
      %dma_wait3A_228 = arith.constant 0 : i32
      %dma_wait3A_229 = tpu.memref_slice %arg3[%add3A, %dma_wait3A_227, %dma_wait3A_228] : memref<32x80x128xi32, #tpu.memory_space<hbm>> -> memref<1x80x128xi32, #tpu.memory_space<hbm>>
      %dma_wait3A_230 = tpu.memref_squeeze %dma_wait3A_229 : memref<1x80x128xi32, #tpu.memory_space<hbm>> -> memref<80x128xi32, #tpu.memory_space<hbm>>
      %dma_wait3A_231 = arith.constant 0 : i32
      %dma_wait3A_232 = tpu.memref_slice %dma_wait3A_230[%add3A_219, %dma_wait3A_231] : memref<80x128xi32, #tpu.memory_space<hbm>> -> memref<1x128xi32, #tpu.memory_space<hbm>>
      %dma_wait3A_233 = tpu.memref_squeeze %dma_wait3A_232 : memref<1x128xi32, #tpu.memory_space<hbm>> -> memref<128xi32, #tpu.memory_space<hbm>>
      tpu.wait_dma2 semaphore(%arg15 : memref<!tpu.dma_semaphore, #tpu.memory_space<semaphore_mem>>) src(%dma_wait3A_233 : memref<128xi32, #tpu.memory_space<hbm>>) dst(%arg8 : memref<128xi32, #tpu.memory_space<vmem>>)
      %dma_wait3A_234 = arith.constant 0 : i32
      %dma_wait3A_235 = tpu.memref_slice %arg7[%add3A_166, %dma_wait3A_234] : memref<79x128xi32, #tpu.memory_space<vmem>> -> memref<1x128xi32, #tpu.memory_space<vmem>>
      %dma_wait3A_236 = tpu.memref_squeeze %dma_wait3A_235 : memref<1x128xi32, #tpu.memory_space<vmem>> -> memref<128xi32, #tpu.memory_space<vmem>>
      %dma_wait3A_237 = arith.constant 0 : i32
      %dma_wait3A_238 = arith.constant 0 : i32
      %dma_wait3A_239 = tpu.memref_slice %arg12[%dma_wait3A_237, %dma_wait3A_238] : memref<10240x128xf32, #tpu.memory_space<vmem_shared>> -> memref<10240x128xf32, #tpu.memory_space<vmem_shared>>
      tpu.wait_indirect_dma semaphore(%arg13 : memref<!tpu.dma_semaphore, #tpu.memory_space<semaphore_mem>>) src(%arg10 : memref<128x128xf32, #tpu.memory_space<vmem>>) dst(%dma_wait3A_239 : memref<10240x128xf32, #tpu.memory_space<vmem_shared>>)
      %dma_start3A_240 = arith.constant 0 : i32
      %dma_start3A_241 = arith.constant 0 : i32
      %dma_start3A_242 = tpu.memref_slice %arg2[%dma_start3A_240, %dma_start3A_241] : memref<10240x128xf32, #tpu.memory_space<hbm>> -> memref<10240x128xf32, #tpu.memory_space<hbm>>
      tpu.enqueue_indirect_dma source(%dma_start3A_242 : memref<10240x128xf32, #tpu.memory_space<hbm>>) target(%arg10 : memref<128x128xf32, #tpu.memory_space<vmem>>) offsets(%arg8 : memref<128xi32, #tpu.memory_space<vmem>>) semaphore(%arg13 : memref<!tpu.dma_semaphore, #tpu.memory_space<semaphore_mem>>)
      %dma_wait3A_243 = arith.constant 0 : i32
      %dma_wait3A_244 = arith.constant 0 : i32
      %dma_wait3A_245 = tpu.memref_slice %arg2[%dma_wait3A_243, %dma_wait3A_244] : memref<10240x128xf32, #tpu.memory_space<hbm>> -> memref<10240x128xf32, #tpu.memory_space<hbm>>
      tpu.wait_indirect_dma semaphore(%arg14 : memref<!tpu.dma_semaphore, #tpu.memory_space<semaphore_mem>>) src(%dma_wait3A_245 : memref<10240x128xf32, #tpu.memory_space<hbm>>) dst(%arg11 : memref<128x128xf32, #tpu.memory_space<vmem>>)
      %add3A_246 = arith.constant 1 : i32
      %add3A_247 = arith.addi %add3A_166, %add3A_246 : i32
      %dma_start3A_248 = arith.constant 0 : i32
      %dma_start3A_249 = tpu.memref_slice %arg7[%add3A_247, %dma_start3A_248] : memref<79x128xi32, #tpu.memory_space<vmem>> -> memref<1x128xi32, #tpu.memory_space<vmem>>
      %dma_start3A_250 = tpu.memref_squeeze %dma_start3A_249 : memref<1x128xi32, #tpu.memory_space<vmem>> -> memref<128xi32, #tpu.memory_space<vmem>>
      %dma_start3A_251 = arith.constant 0 : i32
      %dma_start3A_252 = arith.constant 0 : i32
      %dma_start3A_253 = tpu.memref_slice %arg12[%dma_start3A_251, %dma_start3A_252] : memref<10240x128xf32, #tpu.memory_space<vmem_shared>> -> memref<10240x128xf32, #tpu.memory_space<vmem_shared>>
      tpu.enqueue_indirect_dma source(%arg11 : memref<128x128xf32, #tpu.memory_space<vmem>>) target(%dma_start3A_253 : memref<10240x128xf32, #tpu.memory_space<vmem_shared>>) offsets(%dma_start3A_250 : memref<128xi32, #tpu.memory_space<vmem>>) semaphore(%arg14 : memref<!tpu.dma_semaphore, #tpu.memory_space<semaphore_mem>>) {add = true}
      %add3A_254 = arith.constant 3 : i32
      %add3A_255 = arith.addi %add3A_166, %add3A_254 : i32
      %dma_start3A_256 = arith.constant 0 : i32
      %dma_start3A_257 = arith.constant 0 : i32
      %dma_start3A_258 = tpu.memref_slice %arg3[%add3A, %dma_start3A_256, %dma_start3A_257] : memref<32x80x128xi32, #tpu.memory_space<hbm>> -> memref<1x80x128xi32, #tpu.memory_space<hbm>>
      %dma_start3A_259 = tpu.memref_squeeze %dma_start3A_258 : memref<1x80x128xi32, #tpu.memory_space<hbm>> -> memref<80x128xi32, #tpu.memory_space<hbm>>
      %dma_start3A_260 = arith.constant 0 : i32
      %dma_start3A_261 = tpu.memref_slice %dma_start3A_259[%add3A_255, %dma_start3A_260] : memref<80x128xi32, #tpu.memory_space<hbm>> -> memref<1x128xi32, #tpu.memory_space<hbm>>
      %dma_start3A_262 = tpu.memref_squeeze %dma_start3A_261 : memref<1x128xi32, #tpu.memory_space<hbm>> -> memref<128xi32, #tpu.memory_space<hbm>>
      %dma_start3A_263 = arith.constant 0 : i32
      %dma_start3A_264 = arith.constant 0 : i32
      %dma_start3A_265 = tpu.memref_slice %arg3[%add3A, %dma_start3A_263, %dma_start3A_264] : memref<32x80x128xi32, #tpu.memory_space<hbm>> -> memref<1x80x128xi32, #tpu.memory_space<hbm>>
      %dma_start3A_266 = tpu.memref_squeeze %dma_start3A_265 : memref<1x80x128xi32, #tpu.memory_space<hbm>> -> memref<80x128xi32, #tpu.memory_space<hbm>>
      %dma_start3A_267 = arith.constant 0 : i32
      %dma_start3A_268 = tpu.memref_slice %dma_start3A_266[%add3A_255, %dma_start3A_267] : memref<80x128xi32, #tpu.memory_space<hbm>> -> memref<1x128xi32, #tpu.memory_space<hbm>>
      %dma_start3A_269 = tpu.memref_squeeze %dma_start3A_268 : memref<1x128xi32, #tpu.memory_space<hbm>> -> memref<128xi32, #tpu.memory_space<hbm>>
      tpu.enqueue_dma source(%dma_start3A_269 : memref<128xi32, #tpu.memory_space<hbm>>) target(%arg9 : memref<128xi32, #tpu.memory_space<vmem>>) target_semaphore(%arg16 : memref<!tpu.dma_semaphore, #tpu.memory_space<semaphore_mem>>)
    }
    %scan3A_117 = arith.constant 38 : i32
    %dma_wait3A_118 = arith.constant 0 : i32
    %dma_wait3A_119 = arith.constant 0 : i32
    %dma_wait3A_120 = tpu.memref_slice %arg2[%dma_wait3A_118, %dma_wait3A_119] : memref<10240x128xf32, #tpu.memory_space<hbm>> -> memref<10240x128xf32, #tpu.memory_space<hbm>>
    tpu.wait_indirect_dma semaphore(%arg13 : memref<!tpu.dma_semaphore, #tpu.memory_space<semaphore_mem>>) src(%dma_wait3A_120 : memref<10240x128xf32, #tpu.memory_space<hbm>>) dst(%arg10 : memref<128x128xf32, #tpu.memory_space<vmem>>)
    %dma_start3A_121 = arith.constant 78 : i32
    %dma_start3A_122 = arith.constant 0 : i32
    %dma_start3A_123 = tpu.memref_slice %arg7[%dma_start3A_121, %dma_start3A_122] : memref<79x128xi32, #tpu.memory_space<vmem>> -> memref<1x128xi32, #tpu.memory_space<vmem>>
    %dma_start3A_124 = tpu.memref_squeeze %dma_start3A_123 : memref<1x128xi32, #tpu.memory_space<vmem>> -> memref<128xi32, #tpu.memory_space<vmem>>
    %dma_start3A_125 = arith.constant 0 : i32
    %dma_start3A_126 = arith.constant 0 : i32
    %dma_start3A_127 = tpu.memref_slice %arg12[%dma_start3A_125, %dma_start3A_126] : memref<10240x128xf32, #tpu.memory_space<vmem_shared>> -> memref<10240x128xf32, #tpu.memory_space<vmem_shared>>
    tpu.enqueue_indirect_dma source(%arg10 : memref<128x128xf32, #tpu.memory_space<vmem>>) target(%dma_start3A_127 : memref<10240x128xf32, #tpu.memory_space<vmem_shared>>) offsets(%dma_start3A_124 : memref<128xi32, #tpu.memory_space<vmem>>) semaphore(%arg13 : memref<!tpu.dma_semaphore, #tpu.memory_space<semaphore_mem>>) {add = true}
    %dma_wait3A_128 = arith.constant 79 : i32
    %dma_wait3A_129 = arith.constant 0 : i32
    %dma_wait3A_130 = arith.constant 0 : i32
    %dma_wait3A_131 = tpu.memref_slice %arg3[%add3A, %dma_wait3A_129, %dma_wait3A_130] : memref<32x80x128xi32, #tpu.memory_space<hbm>> -> memref<1x80x128xi32, #tpu.memory_space<hbm>>
    %dma_wait3A_132 = tpu.memref_squeeze %dma_wait3A_131 : memref<1x80x128xi32, #tpu.memory_space<hbm>> -> memref<80x128xi32, #tpu.memory_space<hbm>>
    %dma_wait3A_133 = arith.constant 0 : i32
    %dma_wait3A_134 = tpu.memref_slice %dma_wait3A_132[%dma_wait3A_128, %dma_wait3A_133] : memref<80x128xi32, #tpu.memory_space<hbm>> -> memref<1x128xi32, #tpu.memory_space<hbm>>
    %dma_wait3A_135 = tpu.memref_squeeze %dma_wait3A_134 : memref<1x128xi32, #tpu.memory_space<hbm>> -> memref<128xi32, #tpu.memory_space<hbm>>
    %dma_wait3A_136 = arith.constant 0 : i32
    %dma_wait3A_137 = arith.constant 0 : i32
    %dma_wait3A_138 = tpu.memref_slice %arg3[%add3A, %dma_wait3A_136, %dma_wait3A_137] : memref<32x80x128xi32, #tpu.memory_space<hbm>> -> memref<1x80x128xi32, #tpu.memory_space<hbm>>
    %dma_wait3A_139 = tpu.memref_squeeze %dma_wait3A_138 : memref<1x80x128xi32, #tpu.memory_space<hbm>> -> memref<80x128xi32, #tpu.memory_space<hbm>>
    %dma_wait3A_140 = arith.constant 0 : i32
    %dma_wait3A_141 = tpu.memref_slice %dma_wait3A_139[%dma_wait3A_128, %dma_wait3A_140] : memref<80x128xi32, #tpu.memory_space<hbm>> -> memref<1x128xi32, #tpu.memory_space<hbm>>
    %dma_wait3A_142 = tpu.memref_squeeze %dma_wait3A_141 : memref<1x128xi32, #tpu.memory_space<hbm>> -> memref<128xi32, #tpu.memory_space<hbm>>
    tpu.wait_dma2 semaphore(%arg16 : memref<!tpu.dma_semaphore, #tpu.memory_space<semaphore_mem>>) src(%dma_wait3A_142 : memref<128xi32, #tpu.memory_space<hbm>>) dst(%arg9 : memref<128xi32, #tpu.memory_space<vmem>>)
    %dma_wait3A_143 = arith.constant 77 : i32
    %dma_wait3A_144 = arith.constant 0 : i32
    %dma_wait3A_145 = tpu.memref_slice %arg7[%dma_wait3A_143, %dma_wait3A_144] : memref<79x128xi32, #tpu.memory_space<vmem>> -> memref<1x128xi32, #tpu.memory_space<vmem>>
    %dma_wait3A_146 = tpu.memref_squeeze %dma_wait3A_145 : memref<1x128xi32, #tpu.memory_space<vmem>> -> memref<128xi32, #tpu.memory_space<vmem>>
    %dma_wait3A_147 = arith.constant 0 : i32
    %dma_wait3A_148 = arith.constant 0 : i32
    %dma_wait3A_149 = tpu.memref_slice %arg12[%dma_wait3A_147, %dma_wait3A_148] : memref<10240x128xf32, #tpu.memory_space<vmem_shared>> -> memref<10240x128xf32, #tpu.memory_space<vmem_shared>>
    tpu.wait_indirect_dma semaphore(%arg14 : memref<!tpu.dma_semaphore, #tpu.memory_space<semaphore_mem>>) src(%arg11 : memref<128x128xf32, #tpu.memory_space<vmem>>) dst(%dma_wait3A_149 : memref<10240x128xf32, #tpu.memory_space<vmem_shared>>)
    %dma_wait3A_150 = arith.constant 78 : i32
    %dma_wait3A_151 = arith.constant 0 : i32
    %dma_wait3A_152 = tpu.memref_slice %arg7[%dma_wait3A_150, %dma_wait3A_151] : memref<79x128xi32, #tpu.memory_space<vmem>> -> memref<1x128xi32, #tpu.memory_space<vmem>>
    %dma_wait3A_153 = tpu.memref_squeeze %dma_wait3A_152 : memref<1x128xi32, #tpu.memory_space<vmem>> -> memref<128xi32, #tpu.memory_space<vmem>>
    %dma_wait3A_154 = arith.constant 0 : i32
    %dma_wait3A_155 = arith.constant 0 : i32
    %dma_wait3A_156 = tpu.memref_slice %arg12[%dma_wait3A_154, %dma_wait3A_155] : memref<10240x128xf32, #tpu.memory_space<vmem_shared>> -> memref<10240x128xf32, #tpu.memory_space<vmem_shared>>
    tpu.wait_indirect_dma semaphore(%arg13 : memref<!tpu.dma_semaphore, #tpu.memory_space<semaphore_mem>>) src(%arg10 : memref<128x128xf32, #tpu.memory_space<vmem>>) dst(%dma_wait3A_156 : memref<10240x128xf32, #tpu.memory_space<vmem_shared>>)
    %barrier3A_157 = arith.constant 0 : index
    tpu.barrier barrier_id(%barrier3A_157)
    %mul3A_158 = arith.constant 640 : i32
    %mul3A_159 = arith.muli %arg1, %mul3A_158 : i32
    %mul3A_160 = arith.constant 640 : i32
    %mul3A_161 = arith.muli %arg1, %mul3A_160 : i32
    "tpu.region"() ({
      %run_scoped3A_162 = tpu.sem_alloc : memref<!tpu.dma_semaphore, #tpu.memory_space<semaphore_mem>>
      %dma_start3A_163 = arith.constant 0 : i32
      %dma_start3A_164 = arith.constant 0 : i32
      %dma_start3A_165 = tpu.memref_slice %arg6[%arg0, %dma_start3A_163, %dma_start3A_164] : memref<2x10240x128xf32, #tpu.memory_space<hbm>> -> memref<1x10240x128xf32, #tpu.memory_space<hbm>>
      %dma_start3A_166 = tpu.memref_squeeze %dma_start3A_165 : memref<1x10240x128xf32, #tpu.memory_space<hbm>> -> memref<10240x128xf32, #tpu.memory_space<hbm>>
      %dma_start3A_167 = arith.constant 0 : i32
      %dma_start3A_168 = tpu.memref_slice %dma_start3A_166[%mul3A_161, %dma_start3A_167] : memref<10240x128xf32, #tpu.memory_space<hbm>> -> memref<640x128xf32, #tpu.memory_space<hbm>>
      %dma_start3A_169 = arith.constant 0 : i32
      %dma_start3A_170 = tpu.memref_slice %arg12[%mul3A_159, %dma_start3A_169] : memref<10240x128xf32, #tpu.memory_space<vmem_shared>> -> memref<640x128xf32, #tpu.memory_space<vmem_shared>>
      tpu.enqueue_dma source(%dma_start3A_170 : memref<640x128xf32, #tpu.memory_space<vmem_shared>>) target(%dma_start3A_168 : memref<640x128xf32, #tpu.memory_space<hbm>>) target_semaphore(%run_scoped3A_162 : memref<!tpu.dma_semaphore, #tpu.memory_space<semaphore_mem>>)
      %dma_wait3A_171 = arith.constant 0 : i32
      %dma_wait3A_172 = arith.constant 0 : i32
      %dma_wait3A_173 = tpu.memref_slice %arg6[%arg0, %dma_wait3A_171, %dma_wait3A_172] : memref<2x10240x128xf32, #tpu.memory_space<hbm>> -> memref<1x10240x128xf32, #tpu.memory_space<hbm>>
      %dma_wait3A_174 = tpu.memref_squeeze %dma_wait3A_173 : memref<1x10240x128xf32, #tpu.memory_space<hbm>> -> memref<10240x128xf32, #tpu.memory_space<hbm>>
      %dma_wait3A_175 = arith.constant 0 : i32
      %dma_wait3A_176 = tpu.memref_slice %dma_wait3A_174[%mul3A_161, %dma_wait3A_175] : memref<10240x128xf32, #tpu.memory_space<hbm>> -> memref<640x128xf32, #tpu.memory_space<hbm>>
      %dma_wait3A_177 = arith.constant 0 : i32
      %dma_wait3A_178 = tpu.memref_slice %arg12[%mul3A_159, %dma_wait3A_177] : memref<10240x128xf32, #tpu.memory_space<vmem_shared>> -> memref<640x128xf32, #tpu.memory_space<vmem_shared>>
      tpu.wait_dma2 semaphore(%run_scoped3A_162 : memref<!tpu.dma_semaphore, #tpu.memory_space<semaphore_mem>>) src(%dma_wait3A_178 : memref<640x128xf32, #tpu.memory_space<vmem_shared>>) dst(%dma_wait3A_176 : memref<640x128xf32, #tpu.memory_space<hbm>>)
      tpu.yield
    }) : () -> ()
    return
  }
}

#map = affine_map<(d0, d1) -> (0, 0)>
#map1 = affine_map<(d0, d1) -> (0)>
#map2 = affine_map<(d0, d1) -> (0, 0, 0)>
module attributes {stable_mosaic.version = 14 : i64} {
  func.func @k(%arg0: i32, %arg1: i32, %arg2: memref<100000x128xf32, #tpu.memory_space<hbm>>, %arg3: memref<10240xi32, #tpu.memory_space<hbm>>, %arg4: memref<32x79x128xi32, #tpu.memory_space<hbm>>, %arg5: memref<10240x128xf32, #tpu.memory_space<hbm>>, %arg6: memref<128x128xf32, #tpu.memory_space<hbm>>, %arg7: memref<10240x128xf32, #tpu.memory_space<hbm>>, %arg8: memref<2x10240x128xf32, #tpu.memory_space<hbm>>, %arg9: memref<79x128xi32, #tpu.memory_space<vmem>>, %arg10: memref<128x128xf32, #tpu.memory_space<vmem>>, %arg11: memref<80xi32, #tpu.memory_space<vmem>>, %arg12: memref<80x128xf32, #tpu.memory_space<vmem>>, %arg13: memref<10240x128xf32, #tpu.memory_space<vmem_shared>>, %arg14: memref<!tpu.dma_semaphore, #tpu.memory_space<semaphore_mem>>, %arg15: memref<!tpu.dma_semaphore, #tpu.memory_space<semaphore_mem>>) attributes {dimension_semantics = [#tpu.dimension_semantics<core_parallel>, #tpu.dimension_semantics<subcore_parallel>], iteration_bounds = array<i64: 2, 16>, scalar_prefetch = 0 : i64, scratch_operands = 7 : i64, tpu.core_type = #tpu.core_type<sc_vector_subcore>, window_params = [{transform_indices = #map}, {transform_indices = #map1}, {transform_indices = #map2}, {transform_indices = #map}, {transform_indices = #map}, {transform_indices = #map}, {transform_indices = #map2}]} {
    %mul3A = arith.constant 2 : i32
    %mul3A_0 = arith.muli %arg1, %mul3A : i32
    %add3A = arith.addi %mul3A_0, %arg0 : i32
    %mul3A_1 = arith.constant 640 : i32
    %mul3A_2 = arith.muli %arg1, %mul3A_1 : i32
    %mul3A_3 = arith.constant 640 : i32
    %mul3A_4 = arith.muli %arg1, %mul3A_3 : i32
    "tpu.region"() ({
      %run_scoped3A = tpu.sem_alloc : memref<!tpu.dma_semaphore, #tpu.memory_space<semaphore_mem>>
      %dma_start3A_72 = arith.constant 0 : i32
      %dma_start3A_73 = tpu.memref_slice %arg13[%mul3A_4, %dma_start3A_72] : memref<10240x128xf32, #tpu.memory_space<vmem_shared>> -> memref<640x128xf32, #tpu.memory_space<vmem_shared>>
      %dma_start3A_74 = arith.constant 0 : i32
      %dma_start3A_75 = tpu.memref_slice %arg5[%mul3A_2, %dma_start3A_74] : memref<10240x128xf32, #tpu.memory_space<hbm>> -> memref<640x128xf32, #tpu.memory_space<hbm>>
      tpu.enqueue_dma source(%dma_start3A_75 : memref<640x128xf32, #tpu.memory_space<hbm>>) target(%dma_start3A_73 : memref<640x128xf32, #tpu.memory_space<vmem_shared>>) target_semaphore(%run_scoped3A : memref<!tpu.dma_semaphore, #tpu.memory_space<semaphore_mem>>)
      %dma_wait3A_76 = arith.constant 0 : i32
      %dma_wait3A_77 = tpu.memref_slice %arg13[%mul3A_4, %dma_wait3A_76] : memref<10240x128xf32, #tpu.memory_space<vmem_shared>> -> memref<640x128xf32, #tpu.memory_space<vmem_shared>>
      %dma_wait3A_78 = arith.constant 0 : i32
      %dma_wait3A_79 = tpu.memref_slice %arg5[%mul3A_2, %dma_wait3A_78] : memref<10240x128xf32, #tpu.memory_space<hbm>> -> memref<640x128xf32, #tpu.memory_space<hbm>>
      tpu.wait_dma2 semaphore(%run_scoped3A : memref<!tpu.dma_semaphore, #tpu.memory_space<semaphore_mem>>) src(%dma_wait3A_79 : memref<640x128xf32, #tpu.memory_space<hbm>>) dst(%dma_wait3A_77 : memref<640x128xf32, #tpu.memory_space<vmem_shared>>)
      tpu.yield
    }) : () -> ()
    "tpu.region"() ({
      %run_scoped3A = tpu.sem_alloc : memref<!tpu.dma_semaphore, #tpu.memory_space<semaphore_mem>>
      tpu.enqueue_dma source(%arg6 : memref<128x128xf32, #tpu.memory_space<hbm>>) target(%arg10 : memref<128x128xf32, #tpu.memory_space<vmem>>) target_semaphore(%run_scoped3A : memref<!tpu.dma_semaphore, #tpu.memory_space<semaphore_mem>>)
      tpu.wait_dma2 semaphore(%run_scoped3A : memref<!tpu.dma_semaphore, #tpu.memory_space<semaphore_mem>>) src(%arg6 : memref<128x128xf32, #tpu.memory_space<hbm>>) dst(%arg10 : memref<128x128xf32, #tpu.memory_space<vmem>>)
      tpu.yield
    }) : () -> ()
    "tpu.region"() ({
      %run_scoped3A = tpu.sem_alloc : memref<!tpu.dma_semaphore, #tpu.memory_space<semaphore_mem>>
      %dma_start3A_72 = arith.constant 0 : i32
      %dma_start3A_73 = arith.constant 0 : i32
      %dma_start3A_74 = tpu.memref_slice %arg4[%add3A, %dma_start3A_72, %dma_start3A_73] : memref<32x79x128xi32, #tpu.memory_space<hbm>> -> memref<1x79x128xi32, #tpu.memory_space<hbm>>
      %dma_start3A_75 = tpu.memref_squeeze %dma_start3A_74 : memref<1x79x128xi32, #tpu.memory_space<hbm>> -> memref<79x128xi32, #tpu.memory_space<hbm>>
      %dma_start3A_76 = arith.constant 0 : i32
      %dma_start3A_77 = arith.constant 0 : i32
      %dma_start3A_78 = tpu.memref_slice %arg4[%add3A, %dma_start3A_76, %dma_start3A_77] : memref<32x79x128xi32, #tpu.memory_space<hbm>> -> memref<1x79x128xi32, #tpu.memory_space<hbm>>
      %dma_start3A_79 = tpu.memref_squeeze %dma_start3A_78 : memref<1x79x128xi32, #tpu.memory_space<hbm>> -> memref<79x128xi32, #tpu.memory_space<hbm>>
      tpu.enqueue_dma source(%dma_start3A_79 : memref<79x128xi32, #tpu.memory_space<hbm>>) target(%arg9 : memref<79x128xi32, #tpu.memory_space<vmem>>) target_semaphore(%run_scoped3A : memref<!tpu.dma_semaphore, #tpu.memory_space<semaphore_mem>>)
      %dma_wait3A_80 = arith.constant 0 : i32
      %dma_wait3A_81 = arith.constant 0 : i32
      %dma_wait3A_82 = tpu.memref_slice %arg4[%add3A, %dma_wait3A_80, %dma_wait3A_81] : memref<32x79x128xi32, #tpu.memory_space<hbm>> -> memref<1x79x128xi32, #tpu.memory_space<hbm>>
      %dma_wait3A_83 = tpu.memref_squeeze %dma_wait3A_82 : memref<1x79x128xi32, #tpu.memory_space<hbm>> -> memref<79x128xi32, #tpu.memory_space<hbm>>
      %dma_wait3A_84 = arith.constant 0 : i32
      %dma_wait3A_85 = arith.constant 0 : i32
      %dma_wait3A_86 = tpu.memref_slice %arg4[%add3A, %dma_wait3A_84, %dma_wait3A_85] : memref<32x79x128xi32, #tpu.memory_space<hbm>> -> memref<1x79x128xi32, #tpu.memory_space<hbm>>
      %dma_wait3A_87 = tpu.memref_squeeze %dma_wait3A_86 : memref<1x79x128xi32, #tpu.memory_space<hbm>> -> memref<79x128xi32, #tpu.memory_space<hbm>>
      tpu.wait_dma2 semaphore(%run_scoped3A : memref<!tpu.dma_semaphore, #tpu.memory_space<semaphore_mem>>) src(%dma_wait3A_87 : memref<79x128xi32, #tpu.memory_space<hbm>>) dst(%arg9 : memref<79x128xi32, #tpu.memory_space<vmem>>)
      tpu.yield
    }) : () -> ()
    %barrier3A = arith.constant 0 : index
    tpu.barrier barrier_id(%barrier3A)
    %mul3A_5 = arith.constant 320 : i32
    %mul3A_6 = arith.muli %add3A, %mul3A_5 : i32
    %add3A_7 = arith.constant 0 : i32
    %add3A_8 = arith.addi %mul3A_6, %add3A_7 : i32
    "tpu.region"() ({
      %run_scoped3A = tpu.sem_alloc : memref<!tpu.dma_semaphore, #tpu.memory_space<semaphore_mem>>
      %dma_start3A_72 = tpu.memref_slice %arg3[%add3A_8] : memref<10240xi32, #tpu.memory_space<hbm>> -> memref<80xi32, #tpu.memory_space<hbm>>
      %dma_start3A_73 = tpu.memref_slice %arg3[%add3A_8] : memref<10240xi32, #tpu.memory_space<hbm>> -> memref<80xi32, #tpu.memory_space<hbm>>
      tpu.enqueue_dma source(%dma_start3A_73 : memref<80xi32, #tpu.memory_space<hbm>>) target(%arg11 : memref<80xi32, #tpu.memory_space<vmem>>) target_semaphore(%run_scoped3A : memref<!tpu.dma_semaphore, #tpu.memory_space<semaphore_mem>>)
      %dma_wait3A_74 = tpu.memref_slice %arg3[%add3A_8] : memref<10240xi32, #tpu.memory_space<hbm>> -> memref<80xi32, #tpu.memory_space<hbm>>
      %dma_wait3A_75 = tpu.memref_slice %arg3[%add3A_8] : memref<10240xi32, #tpu.memory_space<hbm>> -> memref<80xi32, #tpu.memory_space<hbm>>
      tpu.wait_dma2 semaphore(%run_scoped3A : memref<!tpu.dma_semaphore, #tpu.memory_space<semaphore_mem>>) src(%dma_wait3A_75 : memref<80xi32, #tpu.memory_space<hbm>>) dst(%arg11 : memref<80xi32, #tpu.memory_space<vmem>>)
      tpu.yield
    }) : () -> ()
    %dma_start3A = arith.constant 0 : i32
    %dma_start3A_9 = arith.constant 0 : i32
    %dma_start3A_10 = tpu.memref_slice %arg2[%dma_start3A, %dma_start3A_9] : memref<100000x128xf32, #tpu.memory_space<hbm>> -> memref<100000x128xf32, #tpu.memory_space<hbm>>
    tpu.enqueue_indirect_dma source(%dma_start3A_10 : memref<100000x128xf32, #tpu.memory_space<hbm>>) target(%arg12 : memref<80x128xf32, #tpu.memory_space<vmem>>) offsets(%arg11 : memref<80xi32, #tpu.memory_space<vmem>>) semaphore(%arg15 : memref<!tpu.dma_semaphore, #tpu.memory_space<semaphore_mem>>)
    %dma_wait3A = arith.constant 0 : i32
    %dma_wait3A_11 = arith.constant 0 : i32
    %dma_wait3A_12 = tpu.memref_slice %arg2[%dma_wait3A, %dma_wait3A_11] : memref<100000x128xf32, #tpu.memory_space<hbm>> -> memref<100000x128xf32, #tpu.memory_space<hbm>>
    tpu.wait_indirect_dma semaphore(%arg15 : memref<!tpu.dma_semaphore, #tpu.memory_space<semaphore_mem>>) src(%dma_wait3A_12 : memref<100000x128xf32, #tpu.memory_space<hbm>>) dst(%arg12 : memref<80x128xf32, #tpu.memory_space<vmem>>)
    "tpu.region"() ({
      %run_scoped3A = tpu.sem_alloc : memref<!tpu.dma_semaphore, #tpu.memory_space<semaphore_mem>>
      %dma_start3A_72 = arith.constant 0 : i32
      %dma_start3A_73 = tpu.memref_slice %arg7[%add3A_8, %dma_start3A_72] : memref<10240x128xf32, #tpu.memory_space<hbm>> -> memref<80x128xf32, #tpu.memory_space<hbm>>
      %dma_start3A_74 = arith.constant 0 : i32
      %dma_start3A_75 = tpu.memref_slice %arg7[%add3A_8, %dma_start3A_74] : memref<10240x128xf32, #tpu.memory_space<hbm>> -> memref<80x128xf32, #tpu.memory_space<hbm>>
      tpu.enqueue_dma source(%arg12 : memref<80x128xf32, #tpu.memory_space<vmem>>) target(%dma_start3A_75 : memref<80x128xf32, #tpu.memory_space<hbm>>) target_semaphore(%run_scoped3A : memref<!tpu.dma_semaphore, #tpu.memory_space<semaphore_mem>>)
      %dma_wait3A_76 = arith.constant 0 : i32
      %dma_wait3A_77 = tpu.memref_slice %arg7[%add3A_8, %dma_wait3A_76] : memref<10240x128xf32, #tpu.memory_space<hbm>> -> memref<80x128xf32, #tpu.memory_space<hbm>>
      %dma_wait3A_78 = arith.constant 0 : i32
      %dma_wait3A_79 = tpu.memref_slice %arg7[%add3A_8, %dma_wait3A_78] : memref<10240x128xf32, #tpu.memory_space<hbm>> -> memref<80x128xf32, #tpu.memory_space<hbm>>
      tpu.wait_dma2 semaphore(%run_scoped3A : memref<!tpu.dma_semaphore, #tpu.memory_space<semaphore_mem>>) src(%arg12 : memref<80x128xf32, #tpu.memory_space<vmem>>) dst(%dma_wait3A_79 : memref<80x128xf32, #tpu.memory_space<hbm>>)
      tpu.yield
    }) : () -> ()
    %scan3A = arith.constant 0 : i32
    %scan3A_13 = arith.constant 19 : i32
    %scan3A_14 = arith.addi %scan3A, %scan3A_13 : i32
    %scan3A_15 = arith.constant 1 : i32
    scf.for %scan3A_72 = %scan3A to %scan3A_14 step %scan3A_15  : i32 {
      %mul3A_73 = arith.constant 1 : i32
      %mul3A_74 = arith.muli %scan3A_72, %mul3A_73 : i32
      %add3A_75 = arith.constant 0 : i32
      %add3A_76 = arith.addi %add3A_75, %mul3A_74 : i32
      %dma_start3A_77 = arith.constant 0 : i32
      %dma_start3A_78 = tpu.memref_slice %arg9[%add3A_76, %dma_start3A_77] : memref<79x128xi32, #tpu.memory_space<vmem>> -> memref<1x128xi32, #tpu.memory_space<vmem>>
      %dma_start3A_79 = tpu.memref_squeeze %dma_start3A_78 : memref<1x128xi32, #tpu.memory_space<vmem>> -> memref<128xi32, #tpu.memory_space<vmem>>
      %dma_start3A_80 = arith.constant 0 : i32
      %dma_start3A_81 = arith.constant 0 : i32
      %dma_start3A_82 = tpu.memref_slice %arg13[%dma_start3A_80, %dma_start3A_81] : memref<10240x128xf32, #tpu.memory_space<vmem_shared>> -> memref<10240x128xf32, #tpu.memory_space<vmem_shared>>
      tpu.enqueue_indirect_dma source(%arg10 : memref<128x128xf32, #tpu.memory_space<vmem>>) target(%dma_start3A_82 : memref<10240x128xf32, #tpu.memory_space<vmem_shared>>) offsets(%dma_start3A_79 : memref<128xi32, #tpu.memory_space<vmem>>) semaphore(%arg14 : memref<!tpu.dma_semaphore, #tpu.memory_space<semaphore_mem>>) {add = true}
      %ge3A = arith.constant 8 : i32
      %ge3A_83 = arith.cmpi sge, %add3A_76, %ge3A : i32
      %convert_element_type3A = arith.extui %ge3A_83 : i1 to i32
      %cond3A = arith.constant 0 : i32
      %cond3A_84 = arith.cmpi ne, %convert_element_type3A, %cond3A : i32
      scf.if %cond3A_84 {
        %dma_wait3A_85 = arith.constant 0 : i32
        %dma_wait3A_86 = arith.constant 0 : i32
        %dma_wait3A_87 = tpu.memref_slice %arg9[%dma_wait3A_85, %dma_wait3A_86] : memref<79x128xi32, #tpu.memory_space<vmem>> -> memref<1x128xi32, #tpu.memory_space<vmem>>
        %dma_wait3A_88 = tpu.memref_squeeze %dma_wait3A_87 : memref<1x128xi32, #tpu.memory_space<vmem>> -> memref<128xi32, #tpu.memory_space<vmem>>
        %dma_wait3A_89 = arith.constant 0 : i32
        %dma_wait3A_90 = arith.constant 0 : i32
        %dma_wait3A_91 = tpu.memref_slice %arg13[%dma_wait3A_89, %dma_wait3A_90] : memref<10240x128xf32, #tpu.memory_space<vmem_shared>> -> memref<10240x128xf32, #tpu.memory_space<vmem_shared>>
        tpu.wait_indirect_dma semaphore(%arg14 : memref<!tpu.dma_semaphore, #tpu.memory_space<semaphore_mem>>) src(%arg10 : memref<128x128xf32, #tpu.memory_space<vmem>>) dst(%dma_wait3A_91 : memref<10240x128xf32, #tpu.memory_space<vmem_shared>>)
      } else {
      }
    }
    %scan3A_16 = arith.constant 19 : i32
    %mul3A_17 = arith.constant 320 : i32
    %mul3A_18 = arith.muli %add3A, %mul3A_17 : i32
    %add3A_19 = arith.constant 80 : i32
    %add3A_20 = arith.addi %mul3A_18, %add3A_19 : i32
    "tpu.region"() ({
      %run_scoped3A = tpu.sem_alloc : memref<!tpu.dma_semaphore, #tpu.memory_space<semaphore_mem>>
      %dma_start3A_72 = tpu.memref_slice %arg3[%add3A_20] : memref<10240xi32, #tpu.memory_space<hbm>> -> memref<80xi32, #tpu.memory_space<hbm>>
      %dma_start3A_73 = tpu.memref_slice %arg3[%add3A_20] : memref<10240xi32, #tpu.memory_space<hbm>> -> memref<80xi32, #tpu.memory_space<hbm>>
      tpu.enqueue_dma source(%dma_start3A_73 : memref<80xi32, #tpu.memory_space<hbm>>) target(%arg11 : memref<80xi32, #tpu.memory_space<vmem>>) target_semaphore(%run_scoped3A : memref<!tpu.dma_semaphore, #tpu.memory_space<semaphore_mem>>)
      %dma_wait3A_74 = tpu.memref_slice %arg3[%add3A_20] : memref<10240xi32, #tpu.memory_space<hbm>> -> memref<80xi32, #tpu.memory_space<hbm>>
      %dma_wait3A_75 = tpu.memref_slice %arg3[%add3A_20] : memref<10240xi32, #tpu.memory_space<hbm>> -> memref<80xi32, #tpu.memory_space<hbm>>
      tpu.wait_dma2 semaphore(%run_scoped3A : memref<!tpu.dma_semaphore, #tpu.memory_space<semaphore_mem>>) src(%dma_wait3A_75 : memref<80xi32, #tpu.memory_space<hbm>>) dst(%arg11 : memref<80xi32, #tpu.memory_space<vmem>>)
      tpu.yield
    }) : () -> ()
    %dma_start3A_21 = arith.constant 0 : i32
    %dma_start3A_22 = arith.constant 0 : i32
    %dma_start3A_23 = tpu.memref_slice %arg2[%dma_start3A_21, %dma_start3A_22] : memref<100000x128xf32, #tpu.memory_space<hbm>> -> memref<100000x128xf32, #tpu.memory_space<hbm>>
    tpu.enqueue_indirect_dma source(%dma_start3A_23 : memref<100000x128xf32, #tpu.memory_space<hbm>>) target(%arg12 : memref<80x128xf32, #tpu.memory_space<vmem>>) offsets(%arg11 : memref<80xi32, #tpu.memory_space<vmem>>) semaphore(%arg15 : memref<!tpu.dma_semaphore, #tpu.memory_space<semaphore_mem>>)
    %dma_wait3A_24 = arith.constant 0 : i32
    %dma_wait3A_25 = arith.constant 0 : i32
    %dma_wait3A_26 = tpu.memref_slice %arg2[%dma_wait3A_24, %dma_wait3A_25] : memref<100000x128xf32, #tpu.memory_space<hbm>> -> memref<100000x128xf32, #tpu.memory_space<hbm>>
    tpu.wait_indirect_dma semaphore(%arg15 : memref<!tpu.dma_semaphore, #tpu.memory_space<semaphore_mem>>) src(%dma_wait3A_26 : memref<100000x128xf32, #tpu.memory_space<hbm>>) dst(%arg12 : memref<80x128xf32, #tpu.memory_space<vmem>>)
    "tpu.region"() ({
      %run_scoped3A = tpu.sem_alloc : memref<!tpu.dma_semaphore, #tpu.memory_space<semaphore_mem>>
      %dma_start3A_72 = arith.constant 0 : i32
      %dma_start3A_73 = tpu.memref_slice %arg7[%add3A_20, %dma_start3A_72] : memref<10240x128xf32, #tpu.memory_space<hbm>> -> memref<80x128xf32, #tpu.memory_space<hbm>>
      %dma_start3A_74 = arith.constant 0 : i32
      %dma_start3A_75 = tpu.memref_slice %arg7[%add3A_20, %dma_start3A_74] : memref<10240x128xf32, #tpu.memory_space<hbm>> -> memref<80x128xf32, #tpu.memory_space<hbm>>
      tpu.enqueue_dma source(%arg12 : memref<80x128xf32, #tpu.memory_space<vmem>>) target(%dma_start3A_75 : memref<80x128xf32, #tpu.memory_space<hbm>>) target_semaphore(%run_scoped3A : memref<!tpu.dma_semaphore, #tpu.memory_space<semaphore_mem>>)
      %dma_wait3A_76 = arith.constant 0 : i32
      %dma_wait3A_77 = tpu.memref_slice %arg7[%add3A_20, %dma_wait3A_76] : memref<10240x128xf32, #tpu.memory_space<hbm>> -> memref<80x128xf32, #tpu.memory_space<hbm>>
      %dma_wait3A_78 = arith.constant 0 : i32
      %dma_wait3A_79 = tpu.memref_slice %arg7[%add3A_20, %dma_wait3A_78] : memref<10240x128xf32, #tpu.memory_space<hbm>> -> memref<80x128xf32, #tpu.memory_space<hbm>>
      tpu.wait_dma2 semaphore(%run_scoped3A : memref<!tpu.dma_semaphore, #tpu.memory_space<semaphore_mem>>) src(%arg12 : memref<80x128xf32, #tpu.memory_space<vmem>>) dst(%dma_wait3A_79 : memref<80x128xf32, #tpu.memory_space<hbm>>)
      tpu.yield
    }) : () -> ()
    %scan3A_27 = arith.constant 0 : i32
    %scan3A_28 = arith.constant 19 : i32
    %scan3A_29 = arith.addi %scan3A_27, %scan3A_28 : i32
    %scan3A_30 = arith.constant 1 : i32
    scf.for %scan3A_72 = %scan3A_27 to %scan3A_29 step %scan3A_30  : i32 {
      %mul3A_73 = arith.constant 1 : i32
      %mul3A_74 = arith.muli %scan3A_72, %mul3A_73 : i32
      %add3A_75 = arith.constant 19 : i32
      %add3A_76 = arith.addi %add3A_75, %mul3A_74 : i32
      %dma_start3A_77 = arith.constant 0 : i32
      %dma_start3A_78 = tpu.memref_slice %arg9[%add3A_76, %dma_start3A_77] : memref<79x128xi32, #tpu.memory_space<vmem>> -> memref<1x128xi32, #tpu.memory_space<vmem>>
      %dma_start3A_79 = tpu.memref_squeeze %dma_start3A_78 : memref<1x128xi32, #tpu.memory_space<vmem>> -> memref<128xi32, #tpu.memory_space<vmem>>
      %dma_start3A_80 = arith.constant 0 : i32
      %dma_start3A_81 = arith.constant 0 : i32
      %dma_start3A_82 = tpu.memref_slice %arg13[%dma_start3A_80, %dma_start3A_81] : memref<10240x128xf32, #tpu.memory_space<vmem_shared>> -> memref<10240x128xf32, #tpu.memory_space<vmem_shared>>
      tpu.enqueue_indirect_dma source(%arg10 : memref<128x128xf32, #tpu.memory_space<vmem>>) target(%dma_start3A_82 : memref<10240x128xf32, #tpu.memory_space<vmem_shared>>) offsets(%dma_start3A_79 : memref<128xi32, #tpu.memory_space<vmem>>) semaphore(%arg14 : memref<!tpu.dma_semaphore, #tpu.memory_space<semaphore_mem>>) {add = true}
      %ge3A = arith.constant 8 : i32
      %ge3A_83 = arith.cmpi sge, %add3A_76, %ge3A : i32
      %convert_element_type3A = arith.extui %ge3A_83 : i1 to i32
      %cond3A = arith.constant 0 : i32
      %cond3A_84 = arith.cmpi ne, %convert_element_type3A, %cond3A : i32
      scf.if %cond3A_84 {
        %dma_wait3A_85 = arith.constant 0 : i32
        %dma_wait3A_86 = arith.constant 0 : i32
        %dma_wait3A_87 = tpu.memref_slice %arg9[%dma_wait3A_85, %dma_wait3A_86] : memref<79x128xi32, #tpu.memory_space<vmem>> -> memref<1x128xi32, #tpu.memory_space<vmem>>
        %dma_wait3A_88 = tpu.memref_squeeze %dma_wait3A_87 : memref<1x128xi32, #tpu.memory_space<vmem>> -> memref<128xi32, #tpu.memory_space<vmem>>
        %dma_wait3A_89 = arith.constant 0 : i32
        %dma_wait3A_90 = arith.constant 0 : i32
        %dma_wait3A_91 = tpu.memref_slice %arg13[%dma_wait3A_89, %dma_wait3A_90] : memref<10240x128xf32, #tpu.memory_space<vmem_shared>> -> memref<10240x128xf32, #tpu.memory_space<vmem_shared>>
        tpu.wait_indirect_dma semaphore(%arg14 : memref<!tpu.dma_semaphore, #tpu.memory_space<semaphore_mem>>) src(%arg10 : memref<128x128xf32, #tpu.memory_space<vmem>>) dst(%dma_wait3A_91 : memref<10240x128xf32, #tpu.memory_space<vmem_shared>>)
      } else {
      }
    }
    %scan3A_31 = arith.constant 19 : i32
    %mul3A_32 = arith.constant 320 : i32
    %mul3A_33 = arith.muli %add3A, %mul3A_32 : i32
    %add3A_34 = arith.constant 160 : i32
    %add3A_35 = arith.addi %mul3A_33, %add3A_34 : i32
    "tpu.region"() ({
      %run_scoped3A = tpu.sem_alloc : memref<!tpu.dma_semaphore, #tpu.memory_space<semaphore_mem>>
      %dma_start3A_72 = tpu.memref_slice %arg3[%add3A_35] : memref<10240xi32, #tpu.memory_space<hbm>> -> memref<80xi32, #tpu.memory_space<hbm>>
      %dma_start3A_73 = tpu.memref_slice %arg3[%add3A_35] : memref<10240xi32, #tpu.memory_space<hbm>> -> memref<80xi32, #tpu.memory_space<hbm>>
      tpu.enqueue_dma source(%dma_start3A_73 : memref<80xi32, #tpu.memory_space<hbm>>) target(%arg11 : memref<80xi32, #tpu.memory_space<vmem>>) target_semaphore(%run_scoped3A : memref<!tpu.dma_semaphore, #tpu.memory_space<semaphore_mem>>)
      %dma_wait3A_74 = tpu.memref_slice %arg3[%add3A_35] : memref<10240xi32, #tpu.memory_space<hbm>> -> memref<80xi32, #tpu.memory_space<hbm>>
      %dma_wait3A_75 = tpu.memref_slice %arg3[%add3A_35] : memref<10240xi32, #tpu.memory_space<hbm>> -> memref<80xi32, #tpu.memory_space<hbm>>
      tpu.wait_dma2 semaphore(%run_scoped3A : memref<!tpu.dma_semaphore, #tpu.memory_space<semaphore_mem>>) src(%dma_wait3A_75 : memref<80xi32, #tpu.memory_space<hbm>>) dst(%arg11 : memref<80xi32, #tpu.memory_space<vmem>>)
      tpu.yield
    }) : () -> ()
    %dma_start3A_36 = arith.constant 0 : i32
    %dma_start3A_37 = arith.constant 0 : i32
    %dma_start3A_38 = tpu.memref_slice %arg2[%dma_start3A_36, %dma_start3A_37] : memref<100000x128xf32, #tpu.memory_space<hbm>> -> memref<100000x128xf32, #tpu.memory_space<hbm>>
    tpu.enqueue_indirect_dma source(%dma_start3A_38 : memref<100000x128xf32, #tpu.memory_space<hbm>>) target(%arg12 : memref<80x128xf32, #tpu.memory_space<vmem>>) offsets(%arg11 : memref<80xi32, #tpu.memory_space<vmem>>) semaphore(%arg15 : memref<!tpu.dma_semaphore, #tpu.memory_space<semaphore_mem>>)
    %dma_wait3A_39 = arith.constant 0 : i32
    %dma_wait3A_40 = arith.constant 0 : i32
    %dma_wait3A_41 = tpu.memref_slice %arg2[%dma_wait3A_39, %dma_wait3A_40] : memref<100000x128xf32, #tpu.memory_space<hbm>> -> memref<100000x128xf32, #tpu.memory_space<hbm>>
    tpu.wait_indirect_dma semaphore(%arg15 : memref<!tpu.dma_semaphore, #tpu.memory_space<semaphore_mem>>) src(%dma_wait3A_41 : memref<100000x128xf32, #tpu.memory_space<hbm>>) dst(%arg12 : memref<80x128xf32, #tpu.memory_space<vmem>>)
    "tpu.region"() ({
      %run_scoped3A = tpu.sem_alloc : memref<!tpu.dma_semaphore, #tpu.memory_space<semaphore_mem>>
      %dma_start3A_72 = arith.constant 0 : i32
      %dma_start3A_73 = tpu.memref_slice %arg7[%add3A_35, %dma_start3A_72] : memref<10240x128xf32, #tpu.memory_space<hbm>> -> memref<80x128xf32, #tpu.memory_space<hbm>>
      %dma_start3A_74 = arith.constant 0 : i32
      %dma_start3A_75 = tpu.memref_slice %arg7[%add3A_35, %dma_start3A_74] : memref<10240x128xf32, #tpu.memory_space<hbm>> -> memref<80x128xf32, #tpu.memory_space<hbm>>
      tpu.enqueue_dma source(%arg12 : memref<80x128xf32, #tpu.memory_space<vmem>>) target(%dma_start3A_75 : memref<80x128xf32, #tpu.memory_space<hbm>>) target_semaphore(%run_scoped3A : memref<!tpu.dma_semaphore, #tpu.memory_space<semaphore_mem>>)
      %dma_wait3A_76 = arith.constant 0 : i32
      %dma_wait3A_77 = tpu.memref_slice %arg7[%add3A_35, %dma_wait3A_76] : memref<10240x128xf32, #tpu.memory_space<hbm>> -> memref<80x128xf32, #tpu.memory_space<hbm>>
      %dma_wait3A_78 = arith.constant 0 : i32
      %dma_wait3A_79 = tpu.memref_slice %arg7[%add3A_35, %dma_wait3A_78] : memref<10240x128xf32, #tpu.memory_space<hbm>> -> memref<80x128xf32, #tpu.memory_space<hbm>>
      tpu.wait_dma2 semaphore(%run_scoped3A : memref<!tpu.dma_semaphore, #tpu.memory_space<semaphore_mem>>) src(%arg12 : memref<80x128xf32, #tpu.memory_space<vmem>>) dst(%dma_wait3A_79 : memref<80x128xf32, #tpu.memory_space<hbm>>)
      tpu.yield
    }) : () -> ()
    %scan3A_42 = arith.constant 0 : i32
    %scan3A_43 = arith.constant 19 : i32
    %scan3A_44 = arith.addi %scan3A_42, %scan3A_43 : i32
    %scan3A_45 = arith.constant 1 : i32
    scf.for %scan3A_72 = %scan3A_42 to %scan3A_44 step %scan3A_45  : i32 {
      %mul3A_73 = arith.constant 1 : i32
      %mul3A_74 = arith.muli %scan3A_72, %mul3A_73 : i32
      %add3A_75 = arith.constant 38 : i32
      %add3A_76 = arith.addi %add3A_75, %mul3A_74 : i32
      %dma_start3A_77 = arith.constant 0 : i32
      %dma_start3A_78 = tpu.memref_slice %arg9[%add3A_76, %dma_start3A_77] : memref<79x128xi32, #tpu.memory_space<vmem>> -> memref<1x128xi32, #tpu.memory_space<vmem>>
      %dma_start3A_79 = tpu.memref_squeeze %dma_start3A_78 : memref<1x128xi32, #tpu.memory_space<vmem>> -> memref<128xi32, #tpu.memory_space<vmem>>
      %dma_start3A_80 = arith.constant 0 : i32
      %dma_start3A_81 = arith.constant 0 : i32
      %dma_start3A_82 = tpu.memref_slice %arg13[%dma_start3A_80, %dma_start3A_81] : memref<10240x128xf32, #tpu.memory_space<vmem_shared>> -> memref<10240x128xf32, #tpu.memory_space<vmem_shared>>
      tpu.enqueue_indirect_dma source(%arg10 : memref<128x128xf32, #tpu.memory_space<vmem>>) target(%dma_start3A_82 : memref<10240x128xf32, #tpu.memory_space<vmem_shared>>) offsets(%dma_start3A_79 : memref<128xi32, #tpu.memory_space<vmem>>) semaphore(%arg14 : memref<!tpu.dma_semaphore, #tpu.memory_space<semaphore_mem>>) {add = true}
      %ge3A = arith.constant 8 : i32
      %ge3A_83 = arith.cmpi sge, %add3A_76, %ge3A : i32
      %convert_element_type3A = arith.extui %ge3A_83 : i1 to i32
      %cond3A = arith.constant 0 : i32
      %cond3A_84 = arith.cmpi ne, %convert_element_type3A, %cond3A : i32
      scf.if %cond3A_84 {
        %dma_wait3A_85 = arith.constant 0 : i32
        %dma_wait3A_86 = arith.constant 0 : i32
        %dma_wait3A_87 = tpu.memref_slice %arg9[%dma_wait3A_85, %dma_wait3A_86] : memref<79x128xi32, #tpu.memory_space<vmem>> -> memref<1x128xi32, #tpu.memory_space<vmem>>
        %dma_wait3A_88 = tpu.memref_squeeze %dma_wait3A_87 : memref<1x128xi32, #tpu.memory_space<vmem>> -> memref<128xi32, #tpu.memory_space<vmem>>
        %dma_wait3A_89 = arith.constant 0 : i32
        %dma_wait3A_90 = arith.constant 0 : i32
        %dma_wait3A_91 = tpu.memref_slice %arg13[%dma_wait3A_89, %dma_wait3A_90] : memref<10240x128xf32, #tpu.memory_space<vmem_shared>> -> memref<10240x128xf32, #tpu.memory_space<vmem_shared>>
        tpu.wait_indirect_dma semaphore(%arg14 : memref<!tpu.dma_semaphore, #tpu.memory_space<semaphore_mem>>) src(%arg10 : memref<128x128xf32, #tpu.memory_space<vmem>>) dst(%dma_wait3A_91 : memref<10240x128xf32, #tpu.memory_space<vmem_shared>>)
      } else {
      }
    }
    %scan3A_46 = arith.constant 19 : i32
    %mul3A_47 = arith.constant 320 : i32
    %mul3A_48 = arith.muli %add3A, %mul3A_47 : i32
    %add3A_49 = arith.constant 240 : i32
    %add3A_50 = arith.addi %mul3A_48, %add3A_49 : i32
    "tpu.region"() ({
      %run_scoped3A = tpu.sem_alloc : memref<!tpu.dma_semaphore, #tpu.memory_space<semaphore_mem>>
      %dma_start3A_72 = tpu.memref_slice %arg3[%add3A_50] : memref<10240xi32, #tpu.memory_space<hbm>> -> memref<80xi32, #tpu.memory_space<hbm>>
      %dma_start3A_73 = tpu.memref_slice %arg3[%add3A_50] : memref<10240xi32, #tpu.memory_space<hbm>> -> memref<80xi32, #tpu.memory_space<hbm>>
      tpu.enqueue_dma source(%dma_start3A_73 : memref<80xi32, #tpu.memory_space<hbm>>) target(%arg11 : memref<80xi32, #tpu.memory_space<vmem>>) target_semaphore(%run_scoped3A : memref<!tpu.dma_semaphore, #tpu.memory_space<semaphore_mem>>)
      %dma_wait3A_74 = tpu.memref_slice %arg3[%add3A_50] : memref<10240xi32, #tpu.memory_space<hbm>> -> memref<80xi32, #tpu.memory_space<hbm>>
      %dma_wait3A_75 = tpu.memref_slice %arg3[%add3A_50] : memref<10240xi32, #tpu.memory_space<hbm>> -> memref<80xi32, #tpu.memory_space<hbm>>
      tpu.wait_dma2 semaphore(%run_scoped3A : memref<!tpu.dma_semaphore, #tpu.memory_space<semaphore_mem>>) src(%dma_wait3A_75 : memref<80xi32, #tpu.memory_space<hbm>>) dst(%arg11 : memref<80xi32, #tpu.memory_space<vmem>>)
      tpu.yield
    }) : () -> ()
    %dma_start3A_51 = arith.constant 0 : i32
    %dma_start3A_52 = arith.constant 0 : i32
    %dma_start3A_53 = tpu.memref_slice %arg2[%dma_start3A_51, %dma_start3A_52] : memref<100000x128xf32, #tpu.memory_space<hbm>> -> memref<100000x128xf32, #tpu.memory_space<hbm>>
    tpu.enqueue_indirect_dma source(%dma_start3A_53 : memref<100000x128xf32, #tpu.memory_space<hbm>>) target(%arg12 : memref<80x128xf32, #tpu.memory_space<vmem>>) offsets(%arg11 : memref<80xi32, #tpu.memory_space<vmem>>) semaphore(%arg15 : memref<!tpu.dma_semaphore, #tpu.memory_space<semaphore_mem>>)
    %dma_wait3A_54 = arith.constant 0 : i32
    %dma_wait3A_55 = arith.constant 0 : i32
    %dma_wait3A_56 = tpu.memref_slice %arg2[%dma_wait3A_54, %dma_wait3A_55] : memref<100000x128xf32, #tpu.memory_space<hbm>> -> memref<100000x128xf32, #tpu.memory_space<hbm>>
    tpu.wait_indirect_dma semaphore(%arg15 : memref<!tpu.dma_semaphore, #tpu.memory_space<semaphore_mem>>) src(%dma_wait3A_56 : memref<100000x128xf32, #tpu.memory_space<hbm>>) dst(%arg12 : memref<80x128xf32, #tpu.memory_space<vmem>>)
    "tpu.region"() ({
      %run_scoped3A = tpu.sem_alloc : memref<!tpu.dma_semaphore, #tpu.memory_space<semaphore_mem>>
      %dma_start3A_72 = arith.constant 0 : i32
      %dma_start3A_73 = tpu.memref_slice %arg7[%add3A_50, %dma_start3A_72] : memref<10240x128xf32, #tpu.memory_space<hbm>> -> memref<80x128xf32, #tpu.memory_space<hbm>>
      %dma_start3A_74 = arith.constant 0 : i32
      %dma_start3A_75 = tpu.memref_slice %arg7[%add3A_50, %dma_start3A_74] : memref<10240x128xf32, #tpu.memory_space<hbm>> -> memref<80x128xf32, #tpu.memory_space<hbm>>
      tpu.enqueue_dma source(%arg12 : memref<80x128xf32, #tpu.memory_space<vmem>>) target(%dma_start3A_75 : memref<80x128xf32, #tpu.memory_space<hbm>>) target_semaphore(%run_scoped3A : memref<!tpu.dma_semaphore, #tpu.memory_space<semaphore_mem>>)
      %dma_wait3A_76 = arith.constant 0 : i32
      %dma_wait3A_77 = tpu.memref_slice %arg7[%add3A_50, %dma_wait3A_76] : memref<10240x128xf32, #tpu.memory_space<hbm>> -> memref<80x128xf32, #tpu.memory_space<hbm>>
      %dma_wait3A_78 = arith.constant 0 : i32
      %dma_wait3A_79 = tpu.memref_slice %arg7[%add3A_50, %dma_wait3A_78] : memref<10240x128xf32, #tpu.memory_space<hbm>> -> memref<80x128xf32, #tpu.memory_space<hbm>>
      tpu.wait_dma2 semaphore(%run_scoped3A : memref<!tpu.dma_semaphore, #tpu.memory_space<semaphore_mem>>) src(%arg12 : memref<80x128xf32, #tpu.memory_space<vmem>>) dst(%dma_wait3A_79 : memref<80x128xf32, #tpu.memory_space<hbm>>)
      tpu.yield
    }) : () -> ()
    %scan3A_57 = arith.constant 0 : i32
    %scan3A_58 = arith.constant 22 : i32
    %scan3A_59 = arith.addi %scan3A_57, %scan3A_58 : i32
    %scan3A_60 = arith.constant 1 : i32
    scf.for %scan3A_72 = %scan3A_57 to %scan3A_59 step %scan3A_60  : i32 {
      %mul3A_73 = arith.constant 1 : i32
      %mul3A_74 = arith.muli %scan3A_72, %mul3A_73 : i32
      %add3A_75 = arith.constant 57 : i32
      %add3A_76 = arith.addi %add3A_75, %mul3A_74 : i32
      %dma_start3A_77 = arith.constant 0 : i32
      %dma_start3A_78 = tpu.memref_slice %arg9[%add3A_76, %dma_start3A_77] : memref<79x128xi32, #tpu.memory_space<vmem>> -> memref<1x128xi32, #tpu.memory_space<vmem>>
      %dma_start3A_79 = tpu.memref_squeeze %dma_start3A_78 : memref<1x128xi32, #tpu.memory_space<vmem>> -> memref<128xi32, #tpu.memory_space<vmem>>
      %dma_start3A_80 = arith.constant 0 : i32
      %dma_start3A_81 = arith.constant 0 : i32
      %dma_start3A_82 = tpu.memref_slice %arg13[%dma_start3A_80, %dma_start3A_81] : memref<10240x128xf32, #tpu.memory_space<vmem_shared>> -> memref<10240x128xf32, #tpu.memory_space<vmem_shared>>
      tpu.enqueue_indirect_dma source(%arg10 : memref<128x128xf32, #tpu.memory_space<vmem>>) target(%dma_start3A_82 : memref<10240x128xf32, #tpu.memory_space<vmem_shared>>) offsets(%dma_start3A_79 : memref<128xi32, #tpu.memory_space<vmem>>) semaphore(%arg14 : memref<!tpu.dma_semaphore, #tpu.memory_space<semaphore_mem>>) {add = true}
      %ge3A = arith.constant 8 : i32
      %ge3A_83 = arith.cmpi sge, %add3A_76, %ge3A : i32
      %convert_element_type3A = arith.extui %ge3A_83 : i1 to i32
      %cond3A = arith.constant 0 : i32
      %cond3A_84 = arith.cmpi ne, %convert_element_type3A, %cond3A : i32
      scf.if %cond3A_84 {
        %dma_wait3A_85 = arith.constant 0 : i32
        %dma_wait3A_86 = arith.constant 0 : i32
        %dma_wait3A_87 = tpu.memref_slice %arg9[%dma_wait3A_85, %dma_wait3A_86] : memref<79x128xi32, #tpu.memory_space<vmem>> -> memref<1x128xi32, #tpu.memory_space<vmem>>
        %dma_wait3A_88 = tpu.memref_squeeze %dma_wait3A_87 : memref<1x128xi32, #tpu.memory_space<vmem>> -> memref<128xi32, #tpu.memory_space<vmem>>
        %dma_wait3A_89 = arith.constant 0 : i32
        %dma_wait3A_90 = arith.constant 0 : i32
        %dma_wait3A_91 = tpu.memref_slice %arg13[%dma_wait3A_89, %dma_wait3A_90] : memref<10240x128xf32, #tpu.memory_space<vmem_shared>> -> memref<10240x128xf32, #tpu.memory_space<vmem_shared>>
        tpu.wait_indirect_dma semaphore(%arg14 : memref<!tpu.dma_semaphore, #tpu.memory_space<semaphore_mem>>) src(%arg10 : memref<128x128xf32, #tpu.memory_space<vmem>>) dst(%dma_wait3A_91 : memref<10240x128xf32, #tpu.memory_space<vmem_shared>>)
      } else {
      }
    }
    %scan3A_61 = arith.constant 22 : i32
    %scan3A_62 = arith.constant 0 : i32
    %scan3A_63 = arith.constant 8 : i32
    %scan3A_64 = arith.addi %scan3A_62, %scan3A_63 : i32
    %scan3A_65 = arith.constant 1 : i32
    scf.for %scan3A_72 = %scan3A_62 to %scan3A_64 step %scan3A_65  : i32 {
      %mul3A_73 = arith.constant 1 : i32
      %mul3A_74 = arith.muli %scan3A_72, %mul3A_73 : i32
      %add3A_75 = arith.constant 0 : i32
      %add3A_76 = arith.addi %add3A_75, %mul3A_74 : i32
      %dma_wait3A_77 = arith.constant 0 : i32
      %dma_wait3A_78 = arith.constant 0 : i32
      %dma_wait3A_79 = tpu.memref_slice %arg9[%dma_wait3A_77, %dma_wait3A_78] : memref<79x128xi32, #tpu.memory_space<vmem>> -> memref<1x128xi32, #tpu.memory_space<vmem>>
      %dma_wait3A_80 = tpu.memref_squeeze %dma_wait3A_79 : memref<1x128xi32, #tpu.memory_space<vmem>> -> memref<128xi32, #tpu.memory_space<vmem>>
      %dma_wait3A_81 = arith.constant 0 : i32
      %dma_wait3A_82 = arith.constant 0 : i32
      %dma_wait3A_83 = tpu.memref_slice %arg13[%dma_wait3A_81, %dma_wait3A_82] : memref<10240x128xf32, #tpu.memory_space<vmem_shared>> -> memref<10240x128xf32, #tpu.memory_space<vmem_shared>>
      tpu.wait_indirect_dma semaphore(%arg14 : memref<!tpu.dma_semaphore, #tpu.memory_space<semaphore_mem>>) src(%arg10 : memref<128x128xf32, #tpu.memory_space<vmem>>) dst(%dma_wait3A_83 : memref<10240x128xf32, #tpu.memory_space<vmem_shared>>)
    }
    %scan3A_66 = arith.constant 8 : i32
    %barrier3A_67 = arith.constant 0 : index
    tpu.barrier barrier_id(%barrier3A_67)
    %mul3A_68 = arith.constant 640 : i32
    %mul3A_69 = arith.muli %arg1, %mul3A_68 : i32
    %mul3A_70 = arith.constant 640 : i32
    %mul3A_71 = arith.muli %arg1, %mul3A_70 : i32
    "tpu.region"() ({
      %run_scoped3A = tpu.sem_alloc : memref<!tpu.dma_semaphore, #tpu.memory_space<semaphore_mem>>
      %dma_start3A_72 = arith.constant 0 : i32
      %dma_start3A_73 = arith.constant 0 : i32
      %dma_start3A_74 = tpu.memref_slice %arg8[%arg0, %dma_start3A_72, %dma_start3A_73] : memref<2x10240x128xf32, #tpu.memory_space<hbm>> -> memref<1x10240x128xf32, #tpu.memory_space<hbm>>
      %dma_start3A_75 = tpu.memref_squeeze %dma_start3A_74 : memref<1x10240x128xf32, #tpu.memory_space<hbm>> -> memref<10240x128xf32, #tpu.memory_space<hbm>>
      %dma_start3A_76 = arith.constant 0 : i32
      %dma_start3A_77 = tpu.memref_slice %dma_start3A_75[%mul3A_71, %dma_start3A_76] : memref<10240x128xf32, #tpu.memory_space<hbm>> -> memref<640x128xf32, #tpu.memory_space<hbm>>
      %dma_start3A_78 = arith.constant 0 : i32
      %dma_start3A_79 = tpu.memref_slice %arg13[%mul3A_69, %dma_start3A_78] : memref<10240x128xf32, #tpu.memory_space<vmem_shared>> -> memref<640x128xf32, #tpu.memory_space<vmem_shared>>
      tpu.enqueue_dma source(%dma_start3A_79 : memref<640x128xf32, #tpu.memory_space<vmem_shared>>) target(%dma_start3A_77 : memref<640x128xf32, #tpu.memory_space<hbm>>) target_semaphore(%run_scoped3A : memref<!tpu.dma_semaphore, #tpu.memory_space<semaphore_mem>>)
      %dma_wait3A_80 = arith.constant 0 : i32
      %dma_wait3A_81 = arith.constant 0 : i32
      %dma_wait3A_82 = tpu.memref_slice %arg8[%arg0, %dma_wait3A_80, %dma_wait3A_81] : memref<2x10240x128xf32, #tpu.memory_space<hbm>> -> memref<1x10240x128xf32, #tpu.memory_space<hbm>>
      %dma_wait3A_83 = tpu.memref_squeeze %dma_wait3A_82 : memref<1x10240x128xf32, #tpu.memory_space<hbm>> -> memref<10240x128xf32, #tpu.memory_space<hbm>>
      %dma_wait3A_84 = arith.constant 0 : i32
      %dma_wait3A_85 = tpu.memref_slice %dma_wait3A_83[%mul3A_71, %dma_wait3A_84] : memref<10240x128xf32, #tpu.memory_space<hbm>> -> memref<640x128xf32, #tpu.memory_space<hbm>>
      %dma_wait3A_86 = arith.constant 0 : i32
      %dma_wait3A_87 = tpu.memref_slice %arg13[%mul3A_69, %dma_wait3A_86] : memref<10240x128xf32, #tpu.memory_space<vmem_shared>> -> memref<640x128xf32, #tpu.memory_space<vmem_shared>>
      tpu.wait_dma2 semaphore(%run_scoped3A : memref<!tpu.dma_semaphore, #tpu.memory_space<semaphore_mem>>) src(%dma_wait3A_87 : memref<640x128xf32, #tpu.memory_space<vmem_shared>>) dst(%dma_wait3A_85 : memref<640x128xf32, #tpu.memory_space<hbm>>)
      tpu.yield
    }) : () -> ()
    return
  }
}

module attributes {stable_mosaic.version = 14 : i64} {
  func.func @_dense_body(%arg0: i32, %arg1: memref<2560x128xf32, #tpu.memory_space<vmem>>, %arg2: memref<2x2560x128xf32, #tpu.memory_space<vmem>>, %arg3: memref<2x2560x128xf32, #tpu.memory_space<vmem>>, %arg4: memref<128x128xf32, #tpu.memory_space<vmem>>, %arg5: memref<128x128xf32, #tpu.memory_space<vmem>>, %arg6: memref<1x128xf32, #tpu.memory_space<vmem>>, %arg7: memref<2560x128xf32, #tpu.memory_space<vmem>>) attributes {dimension_semantics = [#tpu.dimension_semantics<arbitrary>], iteration_bounds = array<i64: 4>, scalar_prefetch = 0 : i64, scratch_operands = 0 : i64, tpu.core_type = #tpu.core_type<tc>, window_params = [{transform_indices = @transform_0, window_bounds = array<i64: 2560, 128>}, {transform_indices = @transform_1, window_bounds = array<i64: 2, 2560, 128>}, {transform_indices = @transform_2, window_bounds = array<i64: 2, 2560, 128>}, {pipeline_mode = #tpu.pipeline_mode<synchronous>, transform_indices = @transform_3, window_bounds = array<i64: 128, 128>}, {pipeline_mode = #tpu.pipeline_mode<synchronous>, transform_indices = @transform_4, window_bounds = array<i64: 128, 128>}, {pipeline_mode = #tpu.pipeline_mode<synchronous>, transform_indices = @transform_5, window_bounds = array<i64: 1, 128>}, {transform_indices = @transform_6, window_bounds = array<i64: 2560, 128>}]} {
    %get3A = arith.constant 0 : index
    %get3A_0 = arith.constant 0 : index
    %get3A_1 = arith.constant 0 : index
    %get3A_2 = vector.load %arg2[%get3A, %get3A_0, %get3A_1] : memref<2x2560x128xf32, #tpu.memory_space<vmem>>, vector<1x2560x128xf32>
    %get3A_3 = vector.shape_cast %get3A_2 : vector<1x2560x128xf32> to vector<2560x128xf32>
    %get3A_4 = arith.constant 1 : index
    %get3A_5 = arith.constant 0 : index
    %get3A_6 = arith.constant 0 : index
    %get3A_7 = vector.load %arg2[%get3A_4, %get3A_5, %get3A_6] : memref<2x2560x128xf32, #tpu.memory_space<vmem>>, vector<1x2560x128xf32>
    %get3A_8 = vector.shape_cast %get3A_7 : vector<1x2560x128xf32> to vector<2560x128xf32>
    %add3A = arith.addf %get3A_3, %get3A_8 : vector<2560x128xf32>
    %get3A_9 = arith.constant 0 : index
    %get3A_10 = arith.constant 0 : index
    %get3A_11 = arith.constant 0 : index
    %get3A_12 = vector.load %arg3[%get3A_9, %get3A_10, %get3A_11] : memref<2x2560x128xf32, #tpu.memory_space<vmem>>, vector<1x2560x1xf32>
    %get3A_13 = vector.shape_cast %get3A_12 : vector<1x2560x1xf32> to vector<2560x1xf32>
    %get3A_14 = arith.constant 1 : index
    %get3A_15 = arith.constant 0 : index
    %get3A_16 = arith.constant 0 : index
    %get3A_17 = vector.load %arg3[%get3A_14, %get3A_15, %get3A_16] : memref<2x2560x128xf32, #tpu.memory_space<vmem>>, vector<1x2560x1xf32>
    %get3A_18 = vector.shape_cast %get3A_17 : vector<1x2560x1xf32> to vector<2560x1xf32>
    %add3A_19 = arith.addf %get3A_13, %get3A_18 : vector<2560x1xf32>
    %max3A = arith.constant 1.000000e+00 : f32
    %max3A_20 = vector.broadcast %max3A : f32 to vector<2560x1xf32>
    %max3A_21 = arith.maximumf %add3A_19, %max3A_20 : vector<2560x1xf32>
    %div3A = vector.broadcast %max3A_21 : vector<2560x1xf32> to vector<2560x128xf32>
    %div3A_22 = arith.divf %add3A, %div3A : vector<2560x128xf32>
    %get3A_23 = arith.constant 0 : index
    %get3A_24 = arith.constant 0 : index
    %get3A_25 = vector.load %arg1[%get3A_23, %get3A_24] : memref<2560x128xf32, #tpu.memory_space<vmem>>, vector<2560x128xf32>
    %get3A_26 = arith.constant 0 : index
    %get3A_27 = arith.constant 0 : index
    %get3A_28 = vector.load %arg4[%get3A_26, %get3A_27] : memref<128x128xf32, #tpu.memory_space<vmem>>, vector<128x128xf32>
    %dot_general3A = arith.constant dense<0.000000e+00> : vector<2560x128xf32>
    %dot_general3A_29 = tpu.matmul %get3A_25, %get3A_28, %dot_general3A {dimension_numbers = #tpu.dot_dimension_numbers<[1], [0], [0], [1], [0, 0, 1, 1], [], []>, precision = #tpu.contract_precision<fp32>, transpose_lhs_hint = false} : vector<2560x128xf32>, vector<128x128xf32>, vector<2560x128xf32> -> vector<2560x128xf32>
    %get3A_30 = arith.constant 0 : index
    %get3A_31 = arith.constant 0 : index
    %get3A_32 = vector.load %arg5[%get3A_30, %get3A_31] : memref<128x128xf32, #tpu.memory_space<vmem>>, vector<128x128xf32>
    %dot_general3A_33 = arith.constant dense<0.000000e+00> : vector<2560x128xf32>
    %dot_general3A_34 = tpu.matmul %div3A_22, %get3A_32, %dot_general3A_33 {dimension_numbers = #tpu.dot_dimension_numbers<[1], [0], [0], [1], [0, 0, 1, 1], [], []>, precision = #tpu.contract_precision<fp32>, transpose_lhs_hint = false} : vector<2560x128xf32>, vector<128x128xf32>, vector<2560x128xf32> -> vector<2560x128xf32>
    %add3A_35 = arith.addf %dot_general3A_29, %dot_general3A_34 : vector<2560x128xf32>
    %get3A_36 = arith.constant 0 : index
    %get3A_37 = arith.constant 0 : index
    %get3A_38 = vector.load %arg6[%get3A_36, %get3A_37] : memref<1x128xf32, #tpu.memory_space<vmem>>, vector<1x128xf32>
    %add3A_39 = vector.broadcast %get3A_38 : vector<1x128xf32> to vector<2560x128xf32>
    %add3A_40 = arith.addf %add3A_35, %add3A_39 : vector<2560x128xf32>
    %max3A_41 = arith.constant 0.000000e+00 : f32
    %max3A_42 = vector.broadcast %max3A_41 : f32 to vector<2560x128xf32>
    %max3A_43 = arith.maximumf %add3A_40, %max3A_42 : vector<2560x128xf32>
    %swap3A = arith.constant 0 : index
    %swap3A_44 = arith.constant 0 : index
    %swap3A_45 = vector.load %arg7[%swap3A, %swap3A_44] : memref<2560x128xf32, #tpu.memory_space<vmem>>, vector<2560x128xf32>
    tpu.vector_store %arg7[%swap3A, %swap3A_44], %max3A_43 {strides = array<i32>} : memref<2560x128xf32, #tpu.memory_space<vmem>>, vector<2560x128xf32>,
    return
  }
  func.func @transform_0(%arg0: i32) -> (i32, i32) {
    %c0_i32 = arith.constant 0 : i32
    %c0_i32_0 = arith.constant 0 : i32
    return %arg0, %c0_i32 : i32, i32
  }
  func.func @transform_1(%arg0: i32) -> (i32, i32, i32) {
    %c0_i32 = arith.constant 0 : i32
    %c0_i32_0 = arith.constant 0 : i32
    %c0_i32_1 = arith.constant 0 : i32
    return %c0_i32, %arg0, %c0_i32_0 : i32, i32, i32
  }
  func.func @transform_2(%arg0: i32) -> (i32, i32, i32) {
    %c0_i32 = arith.constant 0 : i32
    %c0_i32_0 = arith.constant 0 : i32
    %c0_i32_1 = arith.constant 0 : i32
    return %c0_i32, %arg0, %c0_i32_0 : i32, i32, i32
  }
  func.func @transform_3(%arg0: i32) -> (i32, i32) {
    %c0_i32 = arith.constant 0 : i32
    %c0_i32_0 = arith.constant 0 : i32
    %c0_i32_1 = arith.constant 0 : i32
    return %c0_i32, %c0_i32_0 : i32, i32
  }
  func.func @transform_4(%arg0: i32) -> (i32, i32) {
    %c0_i32 = arith.constant 0 : i32
    %c0_i32_0 = arith.constant 0 : i32
    %c0_i32_1 = arith.constant 0 : i32
    return %c0_i32, %c0_i32_0 : i32, i32
  }
  func.func @transform_5(%arg0: i32) -> (i32, i32) {
    %c0_i32 = arith.constant 0 : i32
    %c0_i32_0 = arith.constant 0 : i32
    %c0_i32_1 = arith.constant 0 : i32
    return %c0_i32, %c0_i32_0 : i32, i32
  }
  func.func @transform_6(%arg0: i32) -> (i32, i32) {
    %c0_i32 = arith.constant 0 : i32
    %c0_i32_0 = arith.constant 0 : i32
    return %arg0, %c0_i32 : i32, i32
  }
}

module attributes {stable_mosaic.version = 14 : i64} {
  func.func @_readout_body(%arg0: memref<10240x128xf32, #tpu.memory_space<vmem>>, %arg1: memref<10240x1xi32, #tpu.memory_space<vmem>>, %arg2: memref<128x128xf32, #tpu.memory_space<vmem>>, %arg3: memref<1x128xf32, #tpu.memory_space<vmem>>, %arg4: memref<128x128xf32, #tpu.memory_space<vmem>>, %arg5: memref<1x128xf32, #tpu.memory_space<vmem>>, %arg6: memref<128x128xf32, #tpu.memory_space<vmem>>, %arg7: memref<1x128xf32, #tpu.memory_space<vmem>>, %arg8: memref<128x128xf32, #tpu.memory_space<vmem>>, %arg9: memref<1x128xf32, #tpu.memory_space<vmem>>, %arg10: memref<128x8xf32, #tpu.memory_space<vmem>>, %arg11: memref<1x8xf32, #tpu.memory_space<vmem>>, %arg12: memref<16x8xf32, #tpu.memory_space<vmem>>, %arg13: memref<16x128xf32, #tpu.memory_space<vmem>>) attributes {dimension_semantics = [], scalar_prefetch = 0 : i64, scratch_operands = 0 : i64, tpu.core_type = #tpu.core_type<tc>} {
    %get3A = arith.constant 0 : index
    %get3A_0 = arith.constant 0 : index
    %get3A_1 = vector.load %arg1[%get3A, %get3A_0] : memref<10240x1xi32, #tpu.memory_space<vmem>>, vector<10240x1xi32>
    %iota3A = tpu.iota {dimensions = array<i32: 1>} : vector<10240x16xi32>
    %eq3A = vector.broadcast %get3A_1 : vector<10240x1xi32> to vector<10240x16xi32>
    %eq3A_2 = arith.cmpi eq, %eq3A, %iota3A : vector<10240x16xi32>
    %convert_element_type3A = arith.extui %eq3A_2 : vector<10240x16xi1> to vector<10240x16xi32>
    %convert_element_type3A_3 = arith.sitofp %convert_element_type3A : vector<10240x16xi32> to vector<10240x16xf32>
    %get3A_4 = arith.constant 0 : index
    %get3A_5 = arith.constant 0 : index
    %get3A_6 = vector.load %arg0[%get3A_4, %get3A_5] : memref<10240x128xf32, #tpu.memory_space<vmem>>, vector<10240x128xf32>
    %dot_general3A = arith.constant dense<0.000000e+00> : vector<16x128xf32>
    %dot_general3A_7 = tpu.matmul %convert_element_type3A_3, %get3A_6, %dot_general3A {dimension_numbers = #tpu.dot_dimension_numbers<[0], [0], [1], [1], [0, 1, 1, 1], [], []>, precision = #tpu.contract_precision<fp32>, transpose_lhs_hint = false} : vector<10240x16xf32>, vector<10240x128xf32>, vector<16x128xf32> -> vector<16x128xf32>
    %dot_general3A_8 = arith.constant dense<0.000000e+00> : vector<16x16xf32>
    %dot_general3A_9 = tpu.matmul %convert_element_type3A_3, %convert_element_type3A_3, %dot_general3A_8 {dimension_numbers = #tpu.dot_dimension_numbers<[0], [0], [1], [1], [0, 1, 1, 1], [], []>, precision = #tpu.contract_precision<fp32>, transpose_lhs_hint = false} : vector<10240x16xf32>, vector<10240x16xf32>, vector<16x16xf32> -> vector<16x16xf32>
    %iota3A_10 = tpu.iota {dimensions = array<i32: 0>} : vector<16x16xi32>
    %iota3A_11 = tpu.iota {dimensions = array<i32: 1>} : vector<16x16xi32>
    %eq3A_12 = arith.cmpi eq, %iota3A_10, %iota3A_11 : vector<16x16xi32>
    %convert_element_type3A_13 = arith.extui %eq3A_12 : vector<16x16xi1> to vector<16x16xi32>
    %convert_element_type3A_14 = arith.sitofp %convert_element_type3A_13 : vector<16x16xi32> to vector<16x16xf32>
    %mul3A = arith.mulf %dot_general3A_9, %convert_element_type3A_14 : vector<16x16xf32>
    %reduce_sum3A = arith.constant dense<0.000000e+00> : vector<16xf32>
    %reduce_sum3A_15 = vector.multi_reduction <add>, %mul3A, %reduce_sum3A [1] : vector<16x16xf32> to vector<16xf32>
    %broadcast_in_dim3A = vector.shape_cast %reduce_sum3A_15 : vector<16xf32> to vector<16x1xf32>
    %max3A = arith.constant 1.000000e+00 : f32
    %max3A_16 = vector.broadcast %max3A : f32 to vector<16x1xf32>
    %max3A_17 = arith.maximumf %broadcast_in_dim3A, %max3A_16 : vector<16x1xf32>
    %div3A = vector.broadcast %max3A_17 : vector<16x1xf32> to vector<16x128xf32>
    %div3A_18 = arith.divf %dot_general3A_7, %div3A : vector<16x128xf32>
    %get3A_19 = arith.constant 0 : index
    %get3A_20 = arith.constant 0 : index
    %get3A_21 = vector.load %arg2[%get3A_19, %get3A_20] : memref<128x128xf32, #tpu.memory_space<vmem>>, vector<128x128xf32>
    %dot_general3A_22 = arith.constant dense<0.000000e+00> : vector<16x128xf32>
    %dot_general3A_23 = tpu.matmul %div3A_18, %get3A_21, %dot_general3A_22 {dimension_numbers = #tpu.dot_dimension_numbers<[1], [0], [0], [1], [0, 0, 1, 1], [], []>, precision = #tpu.contract_precision<fp32>, transpose_lhs_hint = false} : vector<16x128xf32>, vector<128x128xf32>, vector<16x128xf32> -> vector<16x128xf32>
    %get3A_24 = arith.constant 0 : index
    %get3A_25 = arith.constant 0 : index
    %get3A_26 = vector.load %arg3[%get3A_24, %get3A_25] : memref<1x128xf32, #tpu.memory_space<vmem>>, vector<1x128xf32>
    %add3A = vector.broadcast %get3A_26 : vector<1x128xf32> to vector<16x128xf32>
    %add3A_27 = arith.addf %dot_general3A_23, %add3A : vector<16x128xf32>
    %max3A_28 = arith.constant 0.000000e+00 : f32
    %max3A_29 = vector.broadcast %max3A_28 : f32 to vector<16x128xf32>
    %max3A_30 = arith.maximumf %add3A_27, %max3A_29 : vector<16x128xf32>
    %get3A_31 = arith.constant 0 : index
    %get3A_32 = arith.constant 0 : index
    %get3A_33 = vector.load %arg4[%get3A_31, %get3A_32] : memref<128x128xf32, #tpu.memory_space<vmem>>, vector<128x128xf32>
    %dot_general3A_34 = arith.constant dense<0.000000e+00> : vector<16x128xf32>
    %dot_general3A_35 = tpu.matmul %max3A_30, %get3A_33, %dot_general3A_34 {dimension_numbers = #tpu.dot_dimension_numbers<[1], [0], [0], [1], [0, 0, 1, 1], [], []>, precision = #tpu.contract_precision<fp32>, transpose_lhs_hint = false} : vector<16x128xf32>, vector<128x128xf32>, vector<16x128xf32> -> vector<16x128xf32>
    %get3A_36 = arith.constant 0 : index
    %get3A_37 = arith.constant 0 : index
    %get3A_38 = vector.load %arg5[%get3A_36, %get3A_37] : memref<1x128xf32, #tpu.memory_space<vmem>>, vector<1x128xf32>
    %add3A_39 = vector.broadcast %get3A_38 : vector<1x128xf32> to vector<16x128xf32>
    %add3A_40 = arith.addf %dot_general3A_35, %add3A_39 : vector<16x128xf32>
    %max3A_41 = arith.constant 0.000000e+00 : f32
    %max3A_42 = vector.broadcast %max3A_41 : f32 to vector<16x128xf32>
    %max3A_43 = arith.maximumf %add3A_40, %max3A_42 : vector<16x128xf32>
    %get3A_44 = arith.constant 0 : index
    %get3A_45 = arith.constant 0 : index
    %get3A_46 = vector.load %arg6[%get3A_44, %get3A_45] : memref<128x128xf32, #tpu.memory_space<vmem>>, vector<128x128xf32>
    %dot_general3A_47 = arith.constant dense<0.000000e+00> : vector<16x128xf32>
    %dot_general3A_48 = tpu.matmul %max3A_43, %get3A_46, %dot_general3A_47 {dimension_numbers = #tpu.dot_dimension_numbers<[1], [0], [0], [1], [0, 0, 1, 1], [], []>, precision = #tpu.contract_precision<fp32>, transpose_lhs_hint = false} : vector<16x128xf32>, vector<128x128xf32>, vector<16x128xf32> -> vector<16x128xf32>
    %get3A_49 = arith.constant 0 : index
    %get3A_50 = arith.constant 0 : index
    %get3A_51 = vector.load %arg7[%get3A_49, %get3A_50] : memref<1x128xf32, #tpu.memory_space<vmem>>, vector<1x128xf32>
    %add3A_52 = vector.broadcast %get3A_51 : vector<1x128xf32> to vector<16x128xf32>
    %add3A_53 = arith.addf %dot_general3A_48, %add3A_52 : vector<16x128xf32>
    %max3A_54 = arith.constant 0.000000e+00 : f32
    %max3A_55 = vector.broadcast %max3A_54 : f32 to vector<16x128xf32>
    %max3A_56 = arith.maximumf %add3A_53, %max3A_55 : vector<16x128xf32>
    %get3A_57 = arith.constant 0 : index
    %get3A_58 = arith.constant 0 : index
    %get3A_59 = vector.load %arg8[%get3A_57, %get3A_58] : memref<128x128xf32, #tpu.memory_space<vmem>>, vector<128x128xf32>
    %dot_general3A_60 = arith.constant dense<0.000000e+00> : vector<16x128xf32>
    %dot_general3A_61 = tpu.matmul %max3A_56, %get3A_59, %dot_general3A_60 {dimension_numbers = #tpu.dot_dimension_numbers<[1], [0], [0], [1], [0, 0, 1, 1], [], []>, precision = #tpu.contract_precision<fp32>, transpose_lhs_hint = false} : vector<16x128xf32>, vector<128x128xf32>, vector<16x128xf32> -> vector<16x128xf32>
    %get3A_62 = arith.constant 0 : index
    %get3A_63 = arith.constant 0 : index
    %get3A_64 = vector.load %arg9[%get3A_62, %get3A_63] : memref<1x128xf32, #tpu.memory_space<vmem>>, vector<1x128xf32>
    %add3A_65 = vector.broadcast %get3A_64 : vector<1x128xf32> to vector<16x128xf32>
    %add3A_66 = arith.addf %dot_general3A_61, %add3A_65 : vector<16x128xf32>
    %max3A_67 = arith.constant 0.000000e+00 : f32
    %max3A_68 = vector.broadcast %max3A_67 : f32 to vector<16x128xf32>
    %max3A_69 = arith.maximumf %add3A_66, %max3A_68 : vector<16x128xf32>
    %get3A_70 = arith.constant 0 : index
    %get3A_71 = arith.constant 0 : index
    %get3A_72 = vector.load %arg10[%get3A_70, %get3A_71] : memref<128x8xf32, #tpu.memory_space<vmem>>, vector<128x8xf32>
    %dot_general3A_73 = arith.constant dense<0.000000e+00> : vector<16x8xf32>
    %dot_general3A_74 = tpu.matmul %max3A_69, %get3A_72, %dot_general3A_73 {dimension_numbers = #tpu.dot_dimension_numbers<[1], [0], [0], [1], [0, 0, 1, 1], [], []>, precision = #tpu.contract_precision<fp32>, transpose_lhs_hint = false} : vector<16x128xf32>, vector<128x8xf32>, vector<16x8xf32> -> vector<16x8xf32>
    %get3A_75 = arith.constant 0 : index
    %get3A_76 = arith.constant 0 : index
    %get3A_77 = vector.load %arg11[%get3A_75, %get3A_76] : memref<1x8xf32, #tpu.memory_space<vmem>>, vector<1x8xf32>
    %add3A_78 = vector.broadcast %get3A_77 : vector<1x8xf32> to vector<16x8xf32>
    %add3A_79 = arith.addf %dot_general3A_74, %add3A_78 : vector<16x8xf32>
    %reduce_max3A = arith.constant dense<0xFF800000> : vector<16xf32>
    %reduce_max3A_80 = vector.multi_reduction <maximumf>, %add3A_79, %reduce_max3A [1] : vector<16x8xf32> to vector<16xf32>
    %broadcast_in_dim3A_81 = vector.shape_cast %reduce_max3A_80 : vector<16xf32> to vector<16x1xf32>
    %sub3A = vector.broadcast %broadcast_in_dim3A_81 : vector<16x1xf32> to vector<16x8xf32>
    %sub3A_82 = arith.subf %add3A_79, %sub3A : vector<16x8xf32>
    %exp3A = math.exp %sub3A_82 : vector<16x8xf32>
    %reduce_sum3A_83 = arith.constant dense<0.000000e+00> : vector<16xf32>
    %reduce_sum3A_84 = vector.multi_reduction <add>, %exp3A, %reduce_sum3A_83 [1] : vector<16x8xf32> to vector<16xf32>
    %broadcast_in_dim3A_85 = vector.shape_cast %reduce_sum3A_84 : vector<16xf32> to vector<16x1xf32>
    %log3A = math.log %broadcast_in_dim3A_85 : vector<16x1xf32>
    %sub3A_86 = vector.broadcast %log3A : vector<16x1xf32> to vector<16x8xf32>
    %sub3A_87 = arith.subf %sub3A_82, %sub3A_86 : vector<16x8xf32>
    %swap3A = arith.constant 0 : index
    %swap3A_88 = arith.constant 0 : index
    %swap3A_89 = vector.load %arg12[%swap3A, %swap3A_88] : memref<16x8xf32, #tpu.memory_space<vmem>>, vector<16x8xf32>
    tpu.vector_store %arg12[%swap3A, %swap3A_88], %sub3A_87 {strides = array<i32>} : memref<16x8xf32, #tpu.memory_space<vmem>>, vector<16x8xf32>,
    %swap3A_90 = arith.constant 0 : index
    %swap3A_91 = arith.constant 0 : index
    %swap3A_92 = vector.load %arg13[%swap3A_90, %swap3A_91] : memref<16x128xf32, #tpu.memory_space<vmem>>, vector<16x128xf32>
    tpu.vector_store %arg13[%swap3A_90, %swap3A_91], %max3A_30 {strides = array<i32>} : memref<16x128xf32, #tpu.memory_space<vmem>>, vector<16x128xf32>,
    return
  }
}

</mosaic_0001>

<sc_bundles>
// kernel: kernel.11.cloned.1.call-start
scs
__scs_entry_jumppad:
0x0: {  	(pc) =	sbr.rel $0x88, $3  }
0x1: {  	(tag) =	ssettag $0x0;
	lr =	simm.s32 $0x1  }
0x2: {  	[smem:$0x3F8B] =	sst lr;
	_ =	strace $0xD0000000  }
0x3: {  	_ = 	snop  }
0x4: {  	_ = 	snop  }
0x5: {  	_ = 	snop  }
0x6: {  	_ = 	snop  }
0x7: {  	_ = 	snop  }
__scs_overlays_trampoline_lowered:
0x8: {  	[smem:$0x3F9A] =	sst s0  }
0x9: {  	[smem:$0x3F9B] =	sst s1  }
0xa: {  	[smem:$0x3F9C] =	sst s2  }
0xb: {  	[smem:$0x3F9D] =	sst s3  }
0xc: {  	[smem:$0x3F9E] =	sst s4  }
0xd: {  	[smem:$0x3F9F] =	sst s5  }
0xe: {  	[smem:$0x3FA0] =	sst s6  }
0xf: {  	[smem:$0x3FA1] =	sst s7  }
0x10: {  	[smem:$0x3FA2] =	sst s8  }
0x11: {  	[smem:$0x3FA3] =	sst s9;
	s0 =	simm.s32 @!p0 $0x0  }
0x12: {  	s1 =	sld [smem:$0x3F89];
	s0 =	simm.s32 @p0 $0x1  }
0x13: {  	[smem:$0x3FA4] =	sst s0;
	s0 =	simm.s32 @!p1 $0x0  }
0x14: {  	s2 =	sld [smem:$0x3F88];
	s0 =	simm.s32 @p1 $0x1  }
0x15: {  	[smem:$0x3FA5] =	sst s0;
	s0 =	simm.s32 @!p2 $0x0  }
0x16: {  	s3 =	sld [smem:$0x3FDB];
	s0 =	simm.s32 @p2 $0x1  }
0x17: {  	s4 =	simm.s32 $0x1BF5;
	[smem:$0x3FA7] =	sst s0  }
0x18: {  	s0 =	sld [smem:$0x3F8A];
	_ =	swait.ge [sflag:s4], $0x0  }
0x19: {  	s7 =	sld [smem:$0x3F8B]  }
0x1a: {  	s8 =	sadd.s32 $0xFFFFE003, lr  }
0x1b: {  	s9 =	sadd.s32 $0xFFFFFEF7, lr;
	s5 =	simm.s32 $0xFFFFFFFF;
	p2 =	slt.u32 s8, $0xFFFFF086  }
0x1c: {  	p1 =	slt.u32 s9, $0xF7A;
	s5 =	simm.s32 @!p2 $0x0  }
0x1d: {  	s5 =	simm.s32 @p1 $0x1;
	p0 =	seq.s32 s7, s2  }
0x1e: {  	s7 =	smul.u32 @!p0 $0xF7A, s2;
	p2 =	seq.s32 @!p0 s5, $0x0  }
0x1f: {  	s9 =	smul.u32 $0xF7A, s1;
	s8 =	simm.s32 @!p0 $0x1BF5;
	p2 =	por !p2, p0  }
0x20: {  	[sflag:s8] =	ssyncset.s32 @!p0 $0xFFFFF086;
	s6 =	sadd.s32 @!p0 s3, s7;
	s7 =	simm.s32 @!p0 $0x108  }
0x21: {  	s3 =	sadd.s32 s3, s9;
	s6 =	sadd.s32 @!p0 $0x88, s6;
	s7 =	simm.s32 @p2 $0x1082  }
0x22: {  	[simem:s7], [sflag:s8] =	dma.local @!p0 [hbm:s6], $0xF7A  }
0x23: {  	s9 =	sor.u32 $0xD0000000, s2;
	s6 =	simm.s32 $0x108;
	_ =	swait.ge @!p0 [sflag:s8], $0x0  }
0x24: {  	s3 =	sadd.s32 $0x88, s3;
	s6 =	simm.s32 @!p1 $0x1082;
	[sflag:s4] =	ssyncset.s32 $0xFFFFF086  }
0x25: {  	[simem:s6], [sflag:s4] =	dma.local [hbm:s3], $0xF7A  }
0x26: {  	[smem:$0x3F8B] =	sst s1;
	(tag) =	ssettag s2;
	_ =	strace s9  }
0x27: {  	s1 =	sld [smem:$0x3F9B]  }
0x28: {  	s2 =	sld [smem:$0x3F9C]  }
0x29: {  	s4 =	sld [smem:$0x3F9E]  }
0x2a: {  	p0 =	seq.s32 s5, $0x0;
	s5 =	sld [smem:$0x3F9F]  }
0x2b: {  	s6 =	sld [smem:$0x3FA0]  }
0x2c: {  	s7 =	sld [smem:$0x3FA1]  }
0x2d: {  	s3 =	simm.s32 $0x108;
	s8 =	sld [smem:$0x3FA2]  }
0x2e: {  	s3 =	simm.s32 @!p0 $0x1082;
	s9 =	sld [smem:$0x3FA3]  }
0x2f: {  	lr =	sadd.s32 s0, s3;
	s0 =	sld [smem:$0x3F9A]  }
0x30: {  	s3 =	sld [smem:$0x3F9D]  }
0x31: {  	[smem:$0x3FA6] =	sst s10  }
0x32: {  	s10 =	sld [smem:$0x3FA4];
	_ =	sdelay $0x3  }
0x33: {  	p0 =	seq.s32 s10, $0x1;
	s10 =	sld [smem:$0x3FA6];
	_ =	sdelay $0x3  }
0x34: {  	[smem:$0x3FA6] =	sst s10  }
0x35: {  	s10 =	sld [smem:$0x3FA5];
	_ =	sdelay $0x3  }
0x36: {  	p1 =	seq.s32 s10, $0x1;
	s10 =	sld [smem:$0x3FA6];
	_ =	sdelay $0x3  }
0x37: {  	[smem:$0x3FA6] =	sst s10  }
0x38: {  	s10 =	sld [smem:$0x3FA7]  }
0x39: {  	_ = 	snop;
	(pc) =	sbr.ind lr, $3  }
0x3a: {  	_ = 	snop  }
0x3b: {  	_ = 	snop  }
0x3c: {  	p2 =	seq.s32 s10, $0x1;
	s10 =	sld [smem:$0x3FA6]  }
0x3d: {  	_ =	shalt  }
0x3e: {  	_ =	shalt  }
0x3f: {  	_ =	shalt  }
0x40: {  	_ =	shalt  }
0x41: {  	_ =	shalt  }
0x42: {  	_ =	shalt  }
0x43: {  	_ =	shalt  }
0x44: {  	_ =	shalt  }
0x45: {  	_ =	shalt  }
0x46: {  	_ =	shalt  }
0x47: {  	_ =	shalt  }
0x48: {  	_ =	shalt  }
0x49: {  	_ =	shalt  }
0x4a: {  	_ =	shalt  }
0x4b: {  	_ =	shalt  }
0x4c: {  	_ =	shalt  }
0x4d: {  	_ =	shalt  }
0x4e: {  	_ =	shalt  }
0x4f: {  	_ =	shalt  }
0x50: {  	_ =	shalt  }
0x51: {  	_ =	shalt  }
0x52: {  	_ =	shalt  }
0x53: {  	_ =	shalt  }
0x54: {  	_ =	shalt  }
0x55: {  	_ =	shalt  }
0x56: {  	_ =	shalt  }
0x57: {  	_ =	shalt  }
0x58: {  	_ =	shalt  }
0x59: {  	_ =	shalt  }
0x5a: {  	_ =	shalt  }
0x5b: {  	_ =	shalt  }
0x5c: {  	_ =	shalt  }
0x5d: {  	_ =	shalt  }
0x5e: {  	_ =	shalt  }
0x5f: {  	_ =	shalt  }
0x60: {  	_ =	shalt  }
0x61: {  	_ =	shalt  }
0x62: {  	_ =	shalt  }
0x63: {  	_ =	shalt  }
0x64: {  	_ =	shalt  }
0x65: {  	_ =	shalt  }
0x66: {  	_ =	shalt  }
0x67: {  	_ =	shalt  }
0x68: {  	_ =	shalt  }
0x69: {  	_ =	shalt  }
0x6a: {  	_ =	shalt  }
0x6b: {  	_ =	shalt  }
0x6c: {  	_ =	shalt  }
0x6d: {  	_ =	shalt  }
0x6e: {  	_ =	shalt  }
0x6f: {  	_ =	shalt  }
0x70: {  	_ =	shalt  }
0x71: {  	_ =	shalt  }
0x72: {  	_ =	shalt  }
0x73: {  	_ =	shalt  }
0x74: {  	_ =	shalt  }
0x75: {  	_ =	shalt  }
0x76: {  	_ =	shalt  }
0x77: {  	_ =	shalt  }
0x78: {  	_ =	shalt  }
0x79: {  	_ =	shalt  }
0x7a: {  	_ =	shalt  }
0x7b: {  	_ =	shalt  }
0x7c: {  	_ =	shalt  }
0x7d: {  	_ =	shalt  }
0x7e: {  	_ =	shalt  }
0x7f: {  	_ =	shalt  }
0x80: {  	_ =	shalt  }
0x81: {  	_ =	shalt  }
0x82: {  	_ =	shalt  }
0x83: {  	_ =	shalt  }
0x84: {  	_ =	shalt  }
0x85: {  	_ =	shalt  }
0x86: {  	_ =	shalt  }
0x87: {  	_ =	shalt  }
.Lfunc_end0:
.L_simem_size_0:
called_computation.1_lowered:
.L_overlay_start_0:
0x88: {  	s2 =	sld [smem:$0x3FD9]  }
0x89: {  	s3 =	sld [smem:$0x3FFE];
	_ =	sdelay $0x1  }
0x8a: {  	s1 =	srdreg.scid  }
0x8b: {  	s0 =	sand.u32 $0x1, s1  }
0x8c: {  	s16 =	sshll.u32 s0, $0xA;
	s2 =	sadd.s32 s3, s2  }
0x8d: {  	s2 =	sadd.s32 s2, s16  }
0x8e: {  	[smem:$0x3FB2] =	sst s2  }
0x8f: {  	_ = 	snop  }
0x90: {  	(tm) =	ssettm $0x1  }
0x91: {  	s17 =	sld [smem:$0x3FFB];
	_ =	sdelay $0x3  }
0x92: {  	_ =	strace s17  }
0x93: {  	s2 =	sld [smem:$0x3FFC];
	_ =	sdelay $0x3  }
0x94: {  	_ =	strace s2  }
0x95: {  	s2 =	sld [smem:$0x3FFD];
	_ =	sdelay $0x3  }
0x96: {  	_ =	strace s2  }
0x97: {  	_ =	strace $0x8FFFFFFF  }
0x98: {  	s18 =	sld [smem:$0x3FDB];
	_ =	sdelay $0x1  }
0x99: {  	s19 =	simm.s32 $_scs_section_size  }
0x9a: {  	s4 =	simm.s32 $_size__tile_overlayer_lowered;
	s5 =	simm.s32 $_tile_overlayer_lowered  }
0x9b: {  	s22 =	simm.s32 $0x1BFF;
	s21 =	sshll.u32 s5, $0x1;
	s2 =	sadd.s32 s19, s18  }
0x9c: {  	s6 =	simm.s32 $0x0;
	s20 =	sshll.u32 s4, $0x1;
	s4 =	sadd.s32 s21, s2  }
0x9d: {  	[timem:s6], [sflag:s22] =	dma.local [hbm:s4], s20  }
0x9e: {  	_ =	swait.ge [sflag:s22], s20  }
0x9f: {  	s3 =	ssub.s32 $0x0, s20;
	[sflag:s22] =	ssyncset.done $0x0  }
0xa0: {  	[sflag:s22] =	ssyncadd.s32 s3;
	_ =	sdelay $0x1  }
0xa1: {  	s23 =	simm.s32 $0x1B8B  }
0xa2: {  	_ =	swait.ge [sflag:s23], $0x1  }
0xa3: {  	[sflag:s23] =	ssyncset.done $0x0  }
0xa4: {  	s25 =	simm.s32 $0x1B8E;
	s24 =	sld [smem:$0x3FFE];
	[sflag:s23] =	ssyncadd.s32 $0xFFFFFFFF  }
0xa5: {  	s26 =	simm.s32 $execute0_lowered;
	[smem:$0x3FD2] =	sst s25  }
0xa6: {  	s4 =	sshll.u32 s26, $0x1;
	_ =	strace $0x80000049;
	[dreg:$0x1] =	wrdreg $0xFFFFFFFF  }
0xa7: {  	s28 =	simm.s32 $_size_execute0_lowered;
	s2 =	sadd.s32 s2, s4;
	[dreg:$0x0] =	wrdreg $0x0  }
0xa8: {  	s4 =	sshll.u32 s28, $0x1;
	[dreg:$0x2] =	wrdreg s2  }
0xa9: {  	[dreg:$0x3] =	wrdreg s4  }
0xaa: {  	[dreg:$0x4] =	wrdreg $0xC0  }
0xab: {  	_ =	task [dreg:s6], $0x5FFFF  }
0xac: {  	[dreg:$0x1] =	wrdreg $0xFFFFFFFF  }
0xad: {  	[dreg:$0x0] =	wrdreg $0x60  }
0xae: {  	[dreg:$0x2] =	wrdreg s24  }
0xaf: {  	[dreg:$0x3] =	wrdreg $0xA9000  }
0xb0: {  	[dreg:$0x4] =	wrdreg $0x9  }
0xb1: {  	_ =	task.clear_ibuf [dreg:s6], $0x5FFFF;
	_ =	strace $0x90000049  }
0xb2: {  	s29 =	simm.s32 $0x9;
	_ =	strace $0x8000004B  }
0xb3: {  	_ =	swait.ge [sflag:s29], $0x1  }
0xb4: {  	[sflag:s29] =	ssyncadd.s32 $0xFFFFFFFF  }
0xb5: {  	_ =	strace $0x9000004B  }
0xb6: {  	_ =	sfence  }
0xb7: {  	s30 =	sld [smem:$0x0];
	_ =	sdelay $0x2  }
0xb8: {  	s31 =	sshll.u32 s1, $0xD;
	s1 =	sshrl.u32 s1, $0x2  }
0xb9: {  	s3 =	sand.u32 $0x4000, s31;
	s1 =	sadd.s32 s1, s30  }
0xba: {  	s0 =	sor.u32 s3, s0;
	s1 =	sshll.u32 s1, $0x11  }
0xbb: {  	s0 =	sor.u32 s1, s0  }
0xbc: {  	s0 =	sadd.s32 $0x8F2B, s0  }
0xbd: {  	[sflag:s0] =	ssyncadd.remote.s32 $0x1  }
0xbe: {  	_ =	sfence.sel $0xFFFF  }
0xbf: {  	[dreg:$0x0] =	wrdreg $0xFFFFFFFF;
	(pc) =	sbr.abs _section_cstart, $3  }
0xc0: {  	[dreg:$0x1] =	wrdreg $0xFFFFFFFF  }
0xc1: {  	_ =	task.clear_ibuf [dreg:s6], $0x2FFFF;
	_ =	strace $0x9FFFFFFF  }
0xc2: {  	(tm) =	ssettm $0x7FFFFFFF  }
0xc3: {  	_ =	shalt  }
tec
execute0_lowered:
.L_overlay_start_1:
0x0: {  	(tag) =	ssettag $0x1  }
0x1: {  	s5 =	rddreg [dreg:$0x0]  }
0x2: {  	s1 =	srdreg.scid;
	s0 =	stileid.u32  }
0x3: {  	s2 =	rddreg [dreg:$0x1];
	s3 =	simm.s32 $0x0;
	s14 =	simm.s32 $0x5  }
0x4: {  	s15 =	simm.s32 $0x80;
	s16 =	simm.s32 $0x2900;
	s17 =	simm.s32 $0x2880  }
0x5: {  	s20 =	simm.s32 $0x1;
	s21 =	simm.s32 $0x4;
	s22 =	simm.s32 $0x6900  }
0x6: {  	s23 =	simm.s32 $0x2;
	s26 =	simm.s32 $0x2700;
	s28 =	simm.s32 $0x0  }
0x7: {  	s6 =	sand.u32 $0x1, s1;
	s4 =	sshll.u32 s0, $0x1;
	s24 =	smul.u32 $0x2800, s0  }
0x8: {  	[smem:$0x7FF] =	sst s3;
	s9 =	smul.u32 $0x50000, s0;
	s18 =	sshll.u32 s0, $0x6  }
0x9: {  	s4 =	sor.u32 s6, s4;
	_ =	strace $0x8000004A;
	s8 =	smul.u32 $0x28000, s6  }
0xa: {  	s6 =	ssub.s32 $0x2, s6;
	s18 =	sor.u32 $0x1C05, s18;
	s7 =	smul.u32 $0x500, s4  }
0xb: {  	s4 =	sadd.s32 $0x37200, s5;
	s30 =	sshrl.u32 s6, $0x1;
	s10 =	sadd.s32 s24, s5  }
0xc: {  	s31 =	sshrl.u32 s9, $0x2;
	s12 =	sadd.s32 s8, s5;
	s13 =	ssub.s32 s6, s30  }
0xd: {  	s19 =	sadd.s32 s31, s2;
	s11 =	sadd.s32 s7, s5;
	s7 =	sadd.s32 $0xEA00, s10  }
0xe: {  	s25 =	sadd.s32 $0xB9200, s12;
	s12 =	smax.u32 s13, $0x1;
	s13 =	simm.s32 $0x2800  }
0xf: {  	s19 =	sshrl.u32 s19, $0x3;
	s5 =	sadd.s32 $0xAF200, s11;
	s6 =	sadd.s32 $0xAF210, s11  }
0x10: {  	s8 =	sadd.s32 $0x4400, s11;
	s9 =	sadd.s32 $0xAF220, s11;
	s10 =	sadd.s32 $0xAF230, s11  }
0x11: {  	s11 =	sadd.s32 $0xAF240, s11;
	s24 =	sadd.s32 s24, s25;
	s25 =	simm.s32 $0x3  }
.LBB2_1:
0x12: {  	[tilespmem:s13], [sflag:$0x5] =	stream.linear.gather [hbm4b:s5+s3], $0x80, $0x38;
	[tilespmem:$0x1E900] =	vst v63  }
0x13: {  	_ =	swait.ge [sflag:s14], $0x80  }
0x14: {  	[sflag:s14] =	ssyncset.done $0x0  }
0x15: {  	[sflag:s14] =	ssyncadd.s32 $0xFFFFFF80  }
0x16: {  	[tilespmem:s16], [sflag:$0x1] =	stream.indirect.gather [hbm4b:s4+s15], $0x80, s13, s15, $0xb8;
	[tilespmem:$0x1E900] =	vst v63  }
0x17: {  	_ = 	snop  }
0x18: {  	[tilespmem:s17], [sflag:$0x4] =	stream.linear.gather [hbm4b:s6+s3], $0x80, $0x38;
	[tilespmem:$0x1E900] =	vst v63  }
0x19: {  	[spmem:s19], [sflag:s18] =	dma.local [hbm:s7], $0x2800  }
0x1a: {  	_ =	swait.ge [sflag:s14], $0x2800  }
0x1b: {  	[sflag:s14] =	ssyncset.done $0x0  }
0x1c: {  	[sflag:s14] =	ssyncadd.s32 $0xFFFFD800  }
0x1d: {  	[tilespmem:s3], [sflag:$0x5] =	stream.linear.gather [hbm4b:s8+s3], $0x2780, $0x38;
	[tilespmem:$0x1E900] =	vst v63  }
0x1e: {  	_ =	swait.ge [sflag:s14], $0x2780  }
0x1f: {  	[sflag:s14] =	ssyncset.done $0x0  }
0x20: {  	[sflag:s14] =	ssyncadd.s32 $0xFFFFD880  }
0x21: {  	[bflag:$0x0] =	sbarrier.arrive $0xFFFF  }
0x22: {  	_ =	swait.ge [sflag:s20], $0x4000  }
0x23: {  	[sflag:s20] =	ssyncset.done $0x0  }
0x24: {  	[sflag:s20] =	ssyncadd.s32 $0xFFFFC000  }
0x25: {  	[spmem:s2] =	stream.indirect.scatter.add.f32 [tilespmem:s16], [sflag:$0x1], $0x80, s3, s15, $0xb8;
	[tilespmem:$0x1E900] =	vst v63  }
0x26: {  	_ =	swait.ge [sflag:s21], $0x80  }
0x27: {  	[sflag:s21] =	ssyncset.done $0x0  }
0x28: {  	[sflag:s21] =	ssyncadd.s32 $0xFFFFFF80  }
0x29: {  	[tilespmem:s22], [sflag:$0x2] =	stream.indirect.gather [hbm4b:s4+s15], $0x80, s17, s15, $0xb8;
	[tilespmem:$0x1E900] =	vst v63  }
0x2a: {  	_ = 	snop  }
0x2b: {  	[tilespmem:s13], [sflag:$0x3] =	stream.linear.gather [hbm4b:s9+s3], $0x80, $0x38;
	[tilespmem:$0x1E900] =	vst v63  }
0x2c: {  	_ =	swait.ge [sflag:s23], $0x4000  }
0x2d: {  	[sflag:s23] =	ssyncset.done $0x0  }
0x2e: {  	[sflag:s23] =	ssyncadd.s32 $0xFFFFC000  }
0x2f: {  	[spmem:s2] =	stream.indirect.scatter.add.f32 [tilespmem:s22], [sflag:$0x2], $0x80, s15, s15, $0xb8;
	[tilespmem:$0x1E900] =	vst v63  }
0x30: {  	_ =	swait.ge [sflag:s25], $0x80  }
0x31: {  	[sflag:s25] =	ssyncset.done $0x0  }
0x32: {  	[sflag:s25] =	ssyncadd.s32 $0xFFFFFF80  }
0x33: {  	_ =	swait.ge [sflag:s20], $0x4000  }
0x34: {  	[sflag:s20] =	ssyncset.done $0x0  }
0x35: {  	[sflag:s20] =	ssyncadd.s32 $0xFFFFC000  }
0x36: {  	[tilespmem:s16], [sflag:$0x1] =	stream.indirect.gather [hbm4b:s4+s15], $0x80, s13, s15, $0xb8;
	[tilespmem:$0x1E900] =	vst v63  }
0x37: {  	_ = 	snop  }
0x38: {  	[tilespmem:s17], [sflag:$0x4] =	stream.linear.gather [hbm4b:s10+s3], $0x80, $0x38;
	[tilespmem:$0x1E900] =	vst v63  }
0x39: {  	_ =	swait.ge [sflag:s21], $0x80  }
0x3a: {  	[sflag:s21] =	ssyncset.done $0x0  }
0x3b: {  	[sflag:s21] =	ssyncadd.s32 $0xFFFFFF80  }
0x3c: {  	_ =	swait.ge [sflag:s23], $0x4000  }
0x3d: {  	[sflag:s23] =	ssyncset.done $0x0  }
0x3e: {  	[sflag:s23] =	ssyncadd.s32 $0xFFFFC000  }
0x3f: {  	[tilespmem:s22], [sflag:$0x2] =	stream.indirect.gather [hbm4b:s4+s15], $0x80, s17, s15, $0xb8;
	[tilespmem:$0x1E900] =	vst v63  }
0x40: {  	_ =	swait.ge [sflag:s20], $0x4000  }
0x41: {  	[sflag:s20] =	ssyncset.done $0x0  }
0x42: {  	s29 =	simm.s32 $0x100;
	[sflag:s20] =	ssyncadd.s32 $0xFFFFC000  }
0x43: {  	[spmem:s2] =	stream.indirect.scatter.add.f32 [tilespmem:s16], [sflag:$0x1], $0x80, s29, s15, $0xb8;
	[tilespmem:$0x1E900] =	vst v63  }
0x44: {  	_ = 	snop  }
0x45: {  	[tilespmem:s13], [sflag:$0x3] =	stream.linear.gather [hbm4b:s11+s3], $0x80, $0x38;
	[tilespmem:$0x1E900] =	vst v63  }
0x46: {  	_ =	swait.ge [sflag:s25], $0x80  }
0x47: {  	[sflag:s25] =	ssyncset.done $0x0  }
0x48: {  	[sflag:s25] =	ssyncadd.s32 $0xFFFFFF80  }
0x49: {  	_ =	swait.ge [sflag:s20], $0x4000  }
0x4a: {  	[sflag:s20] =	ssyncset.done $0x0  }
0x4b: {  	[sflag:s20] =	ssyncadd.s32 $0xFFFFC000  }
0x4c: {  	[tilespmem:s16], [sflag:$0x1] =	stream.indirect.gather [hbm4b:s4+s15], $0x80, s13, s15, $0xb8;
	[tilespmem:$0x1E900] =	vst v63  }
0x4d: {  	_ =	swait.ge [sflag:s23], $0x4000  }
0x4e: {  	[sflag:s23] =	ssyncset.done $0x0  }
0x4f: {  	s29 =	simm.s32 $0x180;
	[sflag:s23] =	ssyncadd.s32 $0xFFFFC000  }
0x50: {  	[spmem:s2] =	stream.indirect.scatter.add.f32 [tilespmem:s22], [sflag:$0x2], $0x80, s29, s15, $0xb8;
	[tilespmem:$0x1E900] =	vst v63  }
0x51: {  	s31 =	sadd.s32 $0x10, s11;
	s30 =	sadd.s32 $0x20, s11;
	s29 =	simm.s32 $0xFFFF6C00  }
.LBB2_2:
0x52: {  	[tilespmem:s17], [sflag:$0x4] =	stream.linear.gather [hbm4b:s31+s3], $0x80, $0x38;
	[tilespmem:$0x1E900] =	vst v63  }
0x53: {  	s31 =	smov.u32 s29  }
0x54: {  	p0 =	sne.s32 s29, $0xFFFFFC00;
	s29 =	sadd.s32 $0x400, s29;
	_ =	swait.ge [sflag:s21], $0x80  }
0x55: {  	[sflag:s21] =	ssyncset.done $0x0  }
0x56: {  	[sflag:s21] =	ssyncadd.s32 $0xFFFFFF80  }
0x57: {  	_ =	swait.ge [sflag:s23], $0x4000  }
0x58: {  	[sflag:s23] =	ssyncset.done $0x0  }
0x59: {  	[sflag:s23] =	ssyncadd.s32 $0xFFFFC000  }
0x5a: {  	[tilespmem:s22], [sflag:$0x2] =	stream.indirect.gather [hbm4b:s4+s15], $0x80, s17, s15, $0xb8;
	[tilespmem:$0x1E900] =	vst v63  }
0x5b: {  	_ =	swait.ge [sflag:s20], $0x4000  }
0x5c: {  	s31 =	sshra.s32 s31, $0x2;
	[sflag:s20] =	ssyncset.done $0x0  }
0x5d: {  	s1 =	sadd.s32 $0x2700, s31;
	[sflag:s20] =	ssyncadd.s32 $0xFFFFC000  }
0x5e: {  	[spmem:s2] =	stream.indirect.scatter.add.f32 [tilespmem:s16], [sflag:$0x1], $0x80, s1, s15, $0xb8;
	[tilespmem:$0x1E900] =	vst v63  }
0x5f: {  	_ = 	snop  }
0x60: {  	[tilespmem:s13], [sflag:$0x3] =	stream.linear.gather [hbm4b:s30+s3], $0x80, $0x38;
	[tilespmem:$0x1E900] =	vst v63  }
0x61: {  	_ =	swait.ge [sflag:s25], $0x80  }
0x62: {  	[sflag:s25] =	ssyncset.done $0x0  }
0x63: {  	[sflag:s25] =	ssyncadd.s32 $0xFFFFFF80  }
0x64: {  	_ =	swait.ge [sflag:s20], $0x4000  }
0x65: {  	[sflag:s20] =	ssyncset.done $0x0  }
0x66: {  	[sflag:s20] =	ssyncadd.s32 $0xFFFFC000  }
0x67: {  	[tilespmem:s16], [sflag:$0x1] =	stream.indirect.gather [hbm4b:s4+s15], $0x80, s13, s15, $0xb8;
	[tilespmem:$0x1E900] =	vst v63  }
.Ltmp0:
0x68: {  	_ =	swait.ge [sflag:s23], $0x4000;
	(pc) =	sbr.rel @p0 .LBB2_2-.Ltmp0, $4  }
0x69: {  	[sflag:s23] =	ssyncset.done $0x0  }
0x6a: {  	s1 =	sadd.s32 $0x2780, s31;
	[sflag:s23] =	ssyncadd.s32 $0xFFFFC000  }
0x6b: {  	[spmem:s2] =	stream.indirect.scatter.add.f32 [tilespmem:s22], [sflag:$0x2], $0x80, s1, s15, $0xb8;
	[tilespmem:$0x1E900] =	vst v63  }
0x6c: {  	s31 =	sadd.s32 $0x10, s30;
	s30 =	sadd.s32 $0x20, s30  }
0x6d: {  	[tilespmem:s17], [sflag:$0x4] =	stream.linear.gather [hbm4b:s31+s3], $0x80, $0x38;
	[tilespmem:$0x1E900] =	vst v63  }
0x6e: {  	_ =	swait.ge [sflag:s20], $0x4000  }
0x6f: {  	[sflag:s20] =	ssyncset.done $0x0  }
0x70: {  	[sflag:s20] =	ssyncadd.s32 $0xFFFFC000  }
0x71: {  	[spmem:s2] =	stream.indirect.scatter.add.f32 [tilespmem:s16], [sflag:$0x1], $0x80, s26, s15, $0xb8;
	[tilespmem:$0x1E900] =	vst v63  }
0x72: {  	_ =	swait.ge [sflag:s21], $0x80  }
0x73: {  	[sflag:s21] =	ssyncset.done $0x0  }
0x74: {  	[sflag:s21] =	ssyncadd.s32 $0xFFFFFF80  }
0x75: {  	_ =	swait.ge [sflag:s23], $0x4000  }
0x76: {  	[sflag:s23] =	ssyncset.done $0x0  }
0x77: {  	[sflag:s23] =	ssyncadd.s32 $0xFFFFC000  }
0x78: {  	_ =	swait.ge [sflag:s20], $0x4000  }
0x79: {  	s28 =	sadd.s32 $0x1, s28;
	[sflag:s20] =	ssyncset.done $0x0  }
0x7a: {  	p0 =	sne.s32 s28, s12;
	[sflag:s20] =	ssyncadd.s32 $0xFFFFC000  }
.Ltmp1:
0x7b: {  	[bflag:$0x0] =	sbarrier.arrive $0xFFFF;
	(pc) =	sbr.rel @p0 .LBB2_1-.Ltmp1, $4  }
0x7c: {  	[hbm:s24], [sflag:s18] =	dma.local [spmem:s19], $0x2800  }
0x7d: {  	_ =	swait.ge [sflag:s14], $0x2800  }
0x7e: {  	[sflag:s14] =	ssyncset.done $0x0  }
0x7f: {  	[sflag:s14] =	ssyncadd.s32 $0xFFFFD800  }
0x80: {  	_ =	sfence.sel $0x180000  }
0x81: {  	[bflag:$0x0] =	sbarrier.arrive $0xFFFF  }
0x82: {  	_ =	strace $0x9000004A  }
0x83: {  	[bflag:$0x2] =	sbarrier.arrive $0xFFFF  }
0x84: {  	p0 =	sne.s32 s0, $0x0;
	s0 =	rddreg [dreg:$0x2]  }
0x85: {  	s0 =	sadd.s32 @!p0 $0x100000, s0  }
0x86: {  	[sflag:s0] =	ssyncadd.tile.s32 @!p0 $0x1;
	_ =	shalt  }
.Lfunc_end2:
_tile_overlayer_lowered:
.L_overlay_start_2:
0x87: {  	(tag) =	ssettag $0x2  }
0x88: {  	s0 =	rddreg [dreg:$0x0];
	s2 =	stileid.u32  }
0x89: {  	s1 =	rddreg [dreg:$0x1];
	p0 =	sne.s32 s2, $0x0  }
0x8a: {  	s3 =	rddreg [dreg:$0x2];
	[bflag:$0x3] =	sbarrier.arrive $0xFFFF;
	s2 =	simm.s32 @!p0 $0x1C05  }
0x8b: {  	[timem:s3], [sflag:s2] =	dma.local @!p0 [hbm:s0], s1  }
0x8c: {  	s0 =	simm.s32 @!p0 $0x5  }
0x8d: {  	_ =	swait.ge @!p0 [sflag:s0], s1  }
0x8e: {  	s1 =	ssub.s32 @!p0 $0x0, s1;
	[sflag:s0] =	ssyncset.done @!p0 $0x0  }
0x8f: {  	[sflag:s0] =	ssyncadd.s32 @!p0 s1  }
0x90: {  	[bflag:$0x3] =	sbarrier.arrive $0xFFFF  }
0x91: {  	_ =	shalt  }

// kernel: kernel.14.cloned.1.call-start
scs
__scs_entry_jumppad:
0x0: {  	(pc) =	sbr.rel $0x88, $3  }
0x1: {  	(tag) =	ssettag $0x0;
	lr =	simm.s32 $0x1  }
0x2: {  	[smem:$0x3F8B] =	sst lr;
	_ =	strace $0xD0000000  }
0x3: {  	_ = 	snop  }
0x4: {  	_ = 	snop  }
0x5: {  	_ = 	snop  }
0x6: {  	_ = 	snop  }
0x7: {  	_ = 	snop  }
__scs_overlays_trampoline_lowered:
0x8: {  	[smem:$0x3F9A] =	sst s0  }
0x9: {  	[smem:$0x3F9B] =	sst s1  }
0xa: {  	[smem:$0x3F9C] =	sst s2  }
0xb: {  	[smem:$0x3F9D] =	sst s3  }
0xc: {  	[smem:$0x3F9E] =	sst s4  }
0xd: {  	[smem:$0x3F9F] =	sst s5  }
0xe: {  	[smem:$0x3FA0] =	sst s6  }
0xf: {  	[smem:$0x3FA1] =	sst s7  }
0x10: {  	[smem:$0x3FA2] =	sst s8  }
0x11: {  	[smem:$0x3FA3] =	sst s9;
	s0 =	simm.s32 @!p0 $0x0  }
0x12: {  	s1 =	sld [smem:$0x3F89];
	s0 =	simm.s32 @p0 $0x1  }
0x13: {  	[smem:$0x3FA4] =	sst s0;
	s0 =	simm.s32 @!p1 $0x0  }
0x14: {  	s2 =	sld [smem:$0x3F88];
	s0 =	simm.s32 @p1 $0x1  }
0x15: {  	[smem:$0x3FA5] =	sst s0;
	s0 =	simm.s32 @!p2 $0x0  }
0x16: {  	s3 =	sld [smem:$0x3FDB];
	s0 =	simm.s32 @p2 $0x1  }
0x17: {  	s4 =	simm.s32 $0x1BF5;
	[smem:$0x3FA7] =	sst s0  }
0x18: {  	s0 =	sld [smem:$0x3F8A];
	_ =	swait.ge [sflag:s4], $0x0  }
0x19: {  	s7 =	sld [smem:$0x3F8B]  }
0x1a: {  	s8 =	sadd.s32 $0xFFFFE003, lr  }
0x1b: {  	s9 =	sadd.s32 $0xFFFFFEF7, lr;
	s5 =	simm.s32 $0xFFFFFFFF;
	p2 =	slt.u32 s8, $0xFFFFF086  }
0x1c: {  	p1 =	slt.u32 s9, $0xF7A;
	s5 =	simm.s32 @!p2 $0x0  }
0x1d: {  	s5 =	simm.s32 @p1 $0x1;
	p0 =	seq.s32 s7, s2  }
0x1e: {  	s7 =	smul.u32 @!p0 $0xF7A, s2;
	p2 =	seq.s32 @!p0 s5, $0x0  }
0x1f: {  	s9 =	smul.u32 $0xF7A, s1;
	s8 =	simm.s32 @!p0 $0x1BF5;
	p2 =	por !p2, p0  }
0x20: {  	[sflag:s8] =	ssyncset.s32 @!p0 $0xFFFFF086;
	s6 =	sadd.s32 @!p0 s3, s7;
	s7 =	simm.s32 @!p0 $0x108  }
0x21: {  	s3 =	sadd.s32 s3, s9;
	s6 =	sadd.s32 @!p0 $0x88, s6;
	s7 =	simm.s32 @p2 $0x1082  }
0x22: {  	[simem:s7], [sflag:s8] =	dma.local @!p0 [hbm:s6], $0xF7A  }
0x23: {  	s9 =	sor.u32 $0xD0000000, s2;
	s6 =	simm.s32 $0x108;
	_ =	swait.ge @!p0 [sflag:s8], $0x0  }
0x24: {  	s3 =	sadd.s32 $0x88, s3;
	s6 =	simm.s32 @!p1 $0x1082;
	[sflag:s4] =	ssyncset.s32 $0xFFFFF086  }
0x25: {  	[simem:s6], [sflag:s4] =	dma.local [hbm:s3], $0xF7A  }
0x26: {  	[smem:$0x3F8B] =	sst s1;
	(tag) =	ssettag s2;
	_ =	strace s9  }
0x27: {  	s1 =	sld [smem:$0x3F9B]  }
0x28: {  	s2 =	sld [smem:$0x3F9C]  }
0x29: {  	s4 =	sld [smem:$0x3F9E]  }
0x2a: {  	p0 =	seq.s32 s5, $0x0;
	s5 =	sld [smem:$0x3F9F]  }
0x2b: {  	s6 =	sld [smem:$0x3FA0]  }
0x2c: {  	s7 =	sld [smem:$0x3FA1]  }
0x2d: {  	s3 =	simm.s32 $0x108;
	s8 =	sld [smem:$0x3FA2]  }
0x2e: {  	s3 =	simm.s32 @!p0 $0x1082;
	s9 =	sld [smem:$0x3FA3]  }
0x2f: {  	lr =	sadd.s32 s0, s3;
	s0 =	sld [smem:$0x3F9A]  }
0x30: {  	s3 =	sld [smem:$0x3F9D]  }
0x31: {  	[smem:$0x3FA6] =	sst s10  }
0x32: {  	s10 =	sld [smem:$0x3FA4];
	_ =	sdelay $0x3  }
0x33: {  	p0 =	seq.s32 s10, $0x1;
	s10 =	sld [smem:$0x3FA6];
	_ =	sdelay $0x3  }
0x34: {  	[smem:$0x3FA6] =	sst s10  }
0x35: {  	s10 =	sld [smem:$0x3FA5];
	_ =	sdelay $0x3  }
0x36: {  	p1 =	seq.s32 s10, $0x1;
	s10 =	sld [smem:$0x3FA6];
	_ =	sdelay $0x3  }
0x37: {  	[smem:$0x3FA6] =	sst s10  }
0x38: {  	s10 =	sld [smem:$0x3FA7]  }
0x39: {  	_ = 	snop;
	(pc) =	sbr.ind lr, $3  }
0x3a: {  	_ = 	snop  }
0x3b: {  	_ = 	snop  }
0x3c: {  	p2 =	seq.s32 s10, $0x1;
	s10 =	sld [smem:$0x3FA6]  }
0x3d: {  	_ =	shalt  }
0x3e: {  	_ =	shalt  }
0x3f: {  	_ =	shalt  }
0x40: {  	_ =	shalt  }
0x41: {  	_ =	shalt  }
0x42: {  	_ =	shalt  }
0x43: {  	_ =	shalt  }
0x44: {  	_ =	shalt  }
0x45: {  	_ =	shalt  }
0x46: {  	_ =	shalt  }
0x47: {  	_ =	shalt  }
0x48: {  	_ =	shalt  }
0x49: {  	_ =	shalt  }
0x4a: {  	_ =	shalt  }
0x4b: {  	_ =	shalt  }
0x4c: {  	_ =	shalt  }
0x4d: {  	_ =	shalt  }
0x4e: {  	_ =	shalt  }
0x4f: {  	_ =	shalt  }
0x50: {  	_ =	shalt  }
0x51: {  	_ =	shalt  }
0x52: {  	_ =	shalt  }
0x53: {  	_ =	shalt  }
0x54: {  	_ =	shalt  }
0x55: {  	_ =	shalt  }
0x56: {  	_ =	shalt  }
0x57: {  	_ =	shalt  }
0x58: {  	_ =	shalt  }
0x59: {  	_ =	shalt  }
0x5a: {  	_ =	shalt  }
0x5b: {  	_ =	shalt  }
0x5c: {  	_ =	shalt  }
0x5d: {  	_ =	shalt  }
0x5e: {  	_ =	shalt  }
0x5f: {  	_ =	shalt  }
0x60: {  	_ =	shalt  }
0x61: {  	_ =	shalt  }
0x62: {  	_ =	shalt  }
0x63: {  	_ =	shalt  }
0x64: {  	_ =	shalt  }
0x65: {  	_ =	shalt  }
0x66: {  	_ =	shalt  }
0x67: {  	_ =	shalt  }
0x68: {  	_ =	shalt  }
0x69: {  	_ =	shalt  }
0x6a: {  	_ =	shalt  }
0x6b: {  	_ =	shalt  }
0x6c: {  	_ =	shalt  }
0x6d: {  	_ =	shalt  }
0x6e: {  	_ =	shalt  }
0x6f: {  	_ =	shalt  }
0x70: {  	_ =	shalt  }
0x71: {  	_ =	shalt  }
0x72: {  	_ =	shalt  }
0x73: {  	_ =	shalt  }
0x74: {  	_ =	shalt  }
0x75: {  	_ =	shalt  }
0x76: {  	_ =	shalt  }
0x77: {  	_ =	shalt  }
0x78: {  	_ =	shalt  }
0x79: {  	_ =	shalt  }
0x7a: {  	_ =	shalt  }
0x7b: {  	_ =	shalt  }
0x7c: {  	_ =	shalt  }
0x7d: {  	_ =	shalt  }
0x7e: {  	_ =	shalt  }
0x7f: {  	_ =	shalt  }
0x80: {  	_ =	shalt  }
0x81: {  	_ =	shalt  }
0x82: {  	_ =	shalt  }
0x83: {  	_ =	shalt  }
0x84: {  	_ =	shalt  }
0x85: {  	_ =	shalt  }
0x86: {  	_ =	shalt  }
0x87: {  	_ =	shalt  }
.Lfunc_end0:
.L_simem_size_0:
called_computation.2_lowered:
.L_overlay_start_0:
0x88: {  	s2 =	sld [smem:$0x3FD9]  }
0x89: {  	s3 =	sld [smem:$0x3FFE];
	_ =	sdelay $0x1  }
0x8a: {  	s1 =	srdreg.scid  }
0x8b: {  	s0 =	sand.u32 $0x1, s1  }
0x8c: {  	s16 =	sshll.u32 s0, $0xA;
	s2 =	sadd.s32 s3, s2  }
0x8d: {  	s2 =	sadd.s32 s2, s16  }
0x8e: {  	[smem:$0x3FB2] =	sst s2  }
0x8f: {  	_ = 	snop  }
0x90: {  	(tm) =	ssettm $0x1  }
0x91: {  	s17 =	sld [smem:$0x3FFB];
	_ =	sdelay $0x3  }
0x92: {  	_ =	strace s17  }
0x93: {  	s2 =	sld [smem:$0x3FFC];
	_ =	sdelay $0x3  }
0x94: {  	_ =	strace s2  }
0x95: {  	s2 =	sld [smem:$0x3FFD];
	_ =	sdelay $0x3  }
0x96: {  	_ =	strace s2  }
0x97: {  	_ =	strace $0x8FFFFFFF  }
0x98: {  	s18 =	sld [smem:$0x3FDB];
	_ =	sdelay $0x1  }
0x99: {  	s19 =	simm.s32 $_scs_section_size  }
0x9a: {  	s4 =	simm.s32 $_size__tile_overlayer_lowered;
	s5 =	simm.s32 $_tile_overlayer_lowered  }
0x9b: {  	s22 =	simm.s32 $0x1BFF;
	s21 =	sshll.u32 s5, $0x1;
	s2 =	sadd.s32 s19, s18  }
0x9c: {  	s6 =	simm.s32 $0x0;
	s20 =	sshll.u32 s4, $0x1;
	s4 =	sadd.s32 s21, s2  }
0x9d: {  	[timem:s6], [sflag:s22] =	dma.local [hbm:s4], s20  }
0x9e: {  	_ =	swait.ge [sflag:s22], s20  }
0x9f: {  	s3 =	ssub.s32 $0x0, s20;
	[sflag:s22] =	ssyncset.done $0x0  }
0xa0: {  	[sflag:s22] =	ssyncadd.s32 s3;
	_ =	sdelay $0x1  }
0xa1: {  	s23 =	simm.s32 $0x1B8B  }
0xa2: {  	_ =	swait.ge [sflag:s23], $0x1  }
0xa3: {  	[sflag:s23] =	ssyncset.done $0x0  }
0xa4: {  	s25 =	simm.s32 $0x1B8E;
	s24 =	sld [smem:$0x3FFE];
	[sflag:s23] =	ssyncadd.s32 $0xFFFFFFFF  }
0xa5: {  	s26 =	simm.s32 $execute0_lowered;
	[smem:$0x3FD2] =	sst s25  }
0xa6: {  	s4 =	sshll.u32 s26, $0x1;
	_ =	strace $0x8000004C;
	[dreg:$0x1] =	wrdreg $0xFFFFFFFF  }
0xa7: {  	s28 =	simm.s32 $_size_execute0_lowered;
	s2 =	sadd.s32 s2, s4;
	[dreg:$0x0] =	wrdreg $0x0  }
0xa8: {  	s4 =	sshll.u32 s28, $0x1;
	[dreg:$0x2] =	wrdreg s2  }
0xa9: {  	[dreg:$0x3] =	wrdreg s4  }
0xaa: {  	[dreg:$0x4] =	wrdreg $0xC0  }
0xab: {  	_ =	task [dreg:s6], $0x5FFFF  }
0xac: {  	[dreg:$0x1] =	wrdreg $0xFFFFFFFF  }
0xad: {  	[dreg:$0x0] =	wrdreg $0x60  }
0xae: {  	[dreg:$0x2] =	wrdreg s24  }
0xaf: {  	[dreg:$0x3] =	wrdreg $0xA9000  }
0xb0: {  	[dreg:$0x4] =	wrdreg $0x9  }
0xb1: {  	_ =	task.clear_ibuf [dreg:s6], $0x5FFFF;
	_ =	strace $0x9000004C  }
0xb2: {  	s29 =	simm.s32 $0x9;
	_ =	strace $0x8000004E  }
0xb3: {  	_ =	swait.ge [sflag:s29], $0x1  }
0xb4: {  	[sflag:s29] =	ssyncadd.s32 $0xFFFFFFFF  }
0xb5: {  	_ =	strace $0x9000004E  }
0xb6: {  	_ =	sfence  }
0xb7: {  	s30 =	sld [smem:$0x0];
	_ =	sdelay $0x2  }
0xb8: {  	s31 =	sshll.u32 s1, $0xD;
	s1 =	sshrl.u32 s1, $0x2  }
0xb9: {  	s3 =	sand.u32 $0x4000, s31;
	s1 =	sadd.s32 s1, s30  }
0xba: {  	s0 =	sor.u32 s3, s0;
	s1 =	sshll.u32 s1, $0x11  }
0xbb: {  	s0 =	sor.u32 s1, s0  }
0xbc: {  	s0 =	sadd.s32 $0x8F2B, s0  }
0xbd: {  	[sflag:s0] =	ssyncadd.remote.s32 $0x1  }
0xbe: {  	_ =	sfence.sel $0xFFFF  }
0xbf: {  	[dreg:$0x0] =	wrdreg $0xFFFFFFFF;
	(pc) =	sbr.abs _section_cstart, $3  }
0xc0: {  	[dreg:$0x1] =	wrdreg $0xFFFFFFFF  }
0xc1: {  	_ =	task.clear_ibuf [dreg:s6], $0x2FFFF;
	_ =	strace $0x9FFFFFFF  }
0xc2: {  	(tm) =	ssettm $0x7FFFFFFF  }
0xc3: {  	_ =	shalt  }
tec
execute0_lowered:
.L_overlay_start_1:
0x0: {  	(tag) =	ssettag $0x1  }
0x1: {  	s5 =	rddreg [dreg:$0x0]  }
0x2: {  	s1 =	srdreg.scid;
	s0 =	stileid.u32  }
0x3: {  	s2 =	rddreg [dreg:$0x1];
	s3 =	simm.s32 $0x0;
	s14 =	simm.s32 $0x5  }
0x4: {  	s15 =	simm.s32 $0x80;
	s16 =	simm.s32 $0x2900;
	s17 =	simm.s32 $0x2880  }
0x5: {  	s20 =	simm.s32 $0x1;
	s21 =	simm.s32 $0x4;
	s22 =	simm.s32 $0x6900  }
0x6: {  	s23 =	simm.s32 $0x2;
	s26 =	simm.s32 $0x2700;
	s28 =	simm.s32 $0x0  }
0x7: {  	s6 =	sand.u32 $0x1, s1;
	s4 =	sshll.u32 s0, $0x1;
	s24 =	smul.u32 $0x2800, s0  }
0x8: {  	[smem:$0x7FF] =	sst s3;
	s9 =	smul.u32 $0x50000, s0;
	s18 =	sshll.u32 s0, $0x6  }
0x9: {  	s4 =	sor.u32 s6, s4;
	_ =	strace $0x8000004D;
	s8 =	smul.u32 $0x28000, s6  }
0xa: {  	s6 =	ssub.s32 $0x2, s6;
	s18 =	sor.u32 $0x1C05, s18;
	s7 =	smul.u32 $0x500, s4  }
0xb: {  	s4 =	sadd.s32 $0x36A00, s5;
	s30 =	sshrl.u32 s6, $0x1;
	s10 =	sadd.s32 s24, s5  }
0xc: {  	s31 =	sshrl.u32 s9, $0x2;
	s12 =	sadd.s32 s8, s5;
	s13 =	ssub.s32 s6, s30  }
0xd: {  	s19 =	sadd.s32 s31, s2;
	s11 =	sadd.s32 s7, s5;
	s7 =	sadd.s32 $0xEA00, s10  }
0xe: {  	s25 =	sadd.s32 $0xB9200, s12;
	s12 =	smax.u32 s13, $0x1;
	s13 =	simm.s32 $0x2800  }
0xf: {  	s19 =	sshrl.u32 s19, $0x3;
	s5 =	sadd.s32 $0xAF200, s11;
	s6 =	sadd.s32 $0xAF210, s11  }
0x10: {  	s8 =	sadd.s32 $0x4400, s11;
	s9 =	sadd.s32 $0xAF220, s11;
	s10 =	sadd.s32 $0xAF230, s11  }
0x11: {  	s11 =	sadd.s32 $0xAF240, s11;
	s24 =	sadd.s32 s24, s25;
	s25 =	simm.s32 $0x3  }
.LBB2_1:
0x12: {  	[tilespmem:s13], [sflag:$0x5] =	stream.linear.gather [hbm4b:s5+s3], $0x80, $0x38;
	[tilespmem:$0x1E900] =	vst v63  }
0x13: {  	_ =	swait.ge [sflag:s14], $0x80  }
0x14: {  	[sflag:s14] =	ssyncset.done $0x0  }
0x15: {  	[sflag:s14] =	ssyncadd.s32 $0xFFFFFF80  }
0x16: {  	[tilespmem:s16], [sflag:$0x1] =	stream.indirect.gather [hbm4b:s4+s15], $0x80, s13, s15, $0xb8;
	[tilespmem:$0x1E900] =	vst v63  }
0x17: {  	_ = 	snop  }
0x18: {  	[tilespmem:s17], [sflag:$0x4] =	stream.linear.gather [hbm4b:s6+s3], $0x80, $0x38;
	[tilespmem:$0x1E900] =	vst v63  }
0x19: {  	[spmem:s19], [sflag:s18] =	dma.local [hbm:s7], $0x2800  }
0x1a: {  	_ =	swait.ge [sflag:s14], $0x2800  }
0x1b: {  	[sflag:s14] =	ssyncset.done $0x0  }
0x1c: {  	[sflag:s14] =	ssyncadd.s32 $0xFFFFD800  }
0x1d: {  	[tilespmem:s3], [sflag:$0x5] =	stream.linear.gather [hbm4b:s8+s3], $0x2780, $0x38;
	[tilespmem:$0x1E900] =	vst v63  }
0x1e: {  	_ =	swait.ge [sflag:s14], $0x2780  }
0x1f: {  	[sflag:s14] =	ssyncset.done $0x0  }
0x20: {  	[sflag:s14] =	ssyncadd.s32 $0xFFFFD880  }
0x21: {  	[bflag:$0x0] =	sbarrier.arrive $0xFFFF  }
0x22: {  	_ =	swait.ge [sflag:s20], $0x4000  }
0x23: {  	[sflag:s20] =	ssyncset.done $0x0  }
0x24: {  	[sflag:s20] =	ssyncadd.s32 $0xFFFFC000  }
0x25: {  	[spmem:s2] =	stream.indirect.scatter.add.f32 [tilespmem:s16], [sflag:$0x1], $0x80, s3, s15, $0xb8;
	[tilespmem:$0x1E900] =	vst v63  }
0x26: {  	_ =	swait.ge [sflag:s21], $0x80  }
0x27: {  	[sflag:s21] =	ssyncset.done $0x0  }
0x28: {  	[sflag:s21] =	ssyncadd.s32 $0xFFFFFF80  }
0x29: {  	[tilespmem:s22], [sflag:$0x2] =	stream.indirect.gather [hbm4b:s4+s15], $0x80, s17, s15, $0xb8;
	[tilespmem:$0x1E900] =	vst v63  }
0x2a: {  	_ = 	snop  }
0x2b: {  	[tilespmem:s13], [sflag:$0x3] =	stream.linear.gather [hbm4b:s9+s3], $0x80, $0x38;
	[tilespmem:$0x1E900] =	vst v63  }
0x2c: {  	_ =	swait.ge [sflag:s23], $0x4000  }
0x2d: {  	[sflag:s23] =	ssyncset.done $0x0  }
0x2e: {  	[sflag:s23] =	ssyncadd.s32 $0xFFFFC000  }
0x2f: {  	[spmem:s2] =	stream.indirect.scatter.add.f32 [tilespmem:s22], [sflag:$0x2], $0x80, s15, s15, $0xb8;
	[tilespmem:$0x1E900] =	vst v63  }
0x30: {  	_ =	swait.ge [sflag:s25], $0x80  }
0x31: {  	[sflag:s25] =	ssyncset.done $0x0  }
0x32: {  	[sflag:s25] =	ssyncadd.s32 $0xFFFFFF80  }
0x33: {  	_ =	swait.ge [sflag:s20], $0x4000  }
0x34: {  	[sflag:s20] =	ssyncset.done $0x0  }
0x35: {  	[sflag:s20] =	ssyncadd.s32 $0xFFFFC000  }
0x36: {  	[tilespmem:s16], [sflag:$0x1] =	stream.indirect.gather [hbm4b:s4+s15], $0x80, s13, s15, $0xb8;
	[tilespmem:$0x1E900] =	vst v63  }
0x37: {  	_ = 	snop  }
0x38: {  	[tilespmem:s17], [sflag:$0x4] =	stream.linear.gather [hbm4b:s10+s3], $0x80, $0x38;
	[tilespmem:$0x1E900] =	vst v63  }
0x39: {  	_ =	swait.ge [sflag:s21], $0x80  }
0x3a: {  	[sflag:s21] =	ssyncset.done $0x0  }
0x3b: {  	[sflag:s21] =	ssyncadd.s32 $0xFFFFFF80  }
0x3c: {  	_ =	swait.ge [sflag:s23], $0x4000  }
0x3d: {  	[sflag:s23] =	ssyncset.done $0x0  }
0x3e: {  	[sflag:s23] =	ssyncadd.s32 $0xFFFFC000  }
0x3f: {  	[tilespmem:s22], [sflag:$0x2] =	stream.indirect.gather [hbm4b:s4+s15], $0x80, s17, s15, $0xb8;
	[tilespmem:$0x1E900] =	vst v63  }
0x40: {  	_ =	swait.ge [sflag:s20], $0x4000  }
0x41: {  	[sflag:s20] =	ssyncset.done $0x0  }
0x42: {  	s29 =	simm.s32 $0x100;
	[sflag:s20] =	ssyncadd.s32 $0xFFFFC000  }
0x43: {  	[spmem:s2] =	stream.indirect.scatter.add.f32 [tilespmem:s16], [sflag:$0x1], $0x80, s29, s15, $0xb8;
	[tilespmem:$0x1E900] =	vst v63  }
0x44: {  	_ = 	snop  }
0x45: {  	[tilespmem:s13], [sflag:$0x3] =	stream.linear.gather [hbm4b:s11+s3], $0x80, $0x38;
	[tilespmem:$0x1E900] =	vst v63  }
0x46: {  	_ =	swait.ge [sflag:s25], $0x80  }
0x47: {  	[sflag:s25] =	ssyncset.done $0x0  }
0x48: {  	[sflag:s25] =	ssyncadd.s32 $0xFFFFFF80  }
0x49: {  	_ =	swait.ge [sflag:s20], $0x4000  }
0x4a: {  	[sflag:s20] =	ssyncset.done $0x0  }
0x4b: {  	[sflag:s20] =	ssyncadd.s32 $0xFFFFC000  }
0x4c: {  	[tilespmem:s16], [sflag:$0x1] =	stream.indirect.gather [hbm4b:s4+s15], $0x80, s13, s15, $0xb8;
	[tilespmem:$0x1E900] =	vst v63  }
0x4d: {  	_ =	swait.ge [sflag:s23], $0x4000  }
0x4e: {  	[sflag:s23] =	ssyncset.done $0x0  }
0x4f: {  	s29 =	simm.s32 $0x180;
	[sflag:s23] =	ssyncadd.s32 $0xFFFFC000  }
0x50: {  	[spmem:s2] =	stream.indirect.scatter.add.f32 [tilespmem:s22], [sflag:$0x2], $0x80, s29, s15, $0xb8;
	[tilespmem:$0x1E900] =	vst v63  }
0x51: {  	s31 =	sadd.s32 $0x10, s11;
	s30 =	sadd.s32 $0x20, s11;
	s29 =	simm.s32 $0xFFFF6C00  }
.LBB2_2:
0x52: {  	[tilespmem:s17], [sflag:$0x4] =	stream.linear.gather [hbm4b:s31+s3], $0x80, $0x38;
	[tilespmem:$0x1E900] =	vst v63  }
0x53: {  	s31 =	smov.u32 s29  }
0x54: {  	p0 =	sne.s32 s29, $0xFFFFFC00;
	s29 =	sadd.s32 $0x400, s29;
	_ =	swait.ge [sflag:s21], $0x80  }
0x55: {  	[sflag:s21] =	ssyncset.done $0x0  }
0x56: {  	[sflag:s21] =	ssyncadd.s32 $0xFFFFFF80  }
0x57: {  	_ =	swait.ge [sflag:s23], $0x4000  }
0x58: {  	[sflag:s23] =	ssyncset.done $0x0  }
0x59: {  	[sflag:s23] =	ssyncadd.s32 $0xFFFFC000  }
0x5a: {  	[tilespmem:s22], [sflag:$0x2] =	stream.indirect.gather [hbm4b:s4+s15], $0x80, s17, s15, $0xb8;
	[tilespmem:$0x1E900] =	vst v63  }
0x5b: {  	_ =	swait.ge [sflag:s20], $0x4000  }
0x5c: {  	s31 =	sshra.s32 s31, $0x2;
	[sflag:s20] =	ssyncset.done $0x0  }
0x5d: {  	s1 =	sadd.s32 $0x2700, s31;
	[sflag:s20] =	ssyncadd.s32 $0xFFFFC000  }
0x5e: {  	[spmem:s2] =	stream.indirect.scatter.add.f32 [tilespmem:s16], [sflag:$0x1], $0x80, s1, s15, $0xb8;
	[tilespmem:$0x1E900] =	vst v63  }
0x5f: {  	_ = 	snop  }
0x60: {  	[tilespmem:s13], [sflag:$0x3] =	stream.linear.gather [hbm4b:s30+s3], $0x80, $0x38;
	[tilespmem:$0x1E900] =	vst v63  }
0x61: {  	_ =	swait.ge [sflag:s25], $0x80  }
0x62: {  	[sflag:s25] =	ssyncset.done $0x0  }
0x63: {  	[sflag:s25] =	ssyncadd.s32 $0xFFFFFF80  }
0x64: {  	_ =	swait.ge [sflag:s20], $0x4000  }
0x65: {  	[sflag:s20] =	ssyncset.done $0x0  }
0x66: {  	[sflag:s20] =	ssyncadd.s32 $0xFFFFC000  }
0x67: {  	[tilespmem:s16], [sflag:$0x1] =	stream.indirect.gather [hbm4b:s4+s15], $0x80, s13, s15, $0xb8;
	[tilespmem:$0x1E900] =	vst v63  }
.Ltmp0:
0x68: {  	_ =	swait.ge [sflag:s23], $0x4000;
	(pc) =	sbr.rel @p0 .LBB2_2-.Ltmp0, $4  }
0x69: {  	[sflag:s23] =	ssyncset.done $0x0  }
0x6a: {  	s1 =	sadd.s32 $0x2780, s31;
	[sflag:s23] =	ssyncadd.s32 $0xFFFFC000  }
0x6b: {  	[spmem:s2] =	stream.indirect.scatter.add.f32 [tilespmem:s22], [sflag:$0x2], $0x80, s1, s15, $0xb8;
	[tilespmem:$0x1E900] =	vst v63  }
0x6c: {  	s31 =	sadd.s32 $0x10, s30;
	s30 =	sadd.s32 $0x20, s30  }
0x6d: {  	[tilespmem:s17], [sflag:$0x4] =	stream.linear.gather [hbm4b:s31+s3], $0x80, $0x38;
	[tilespmem:$0x1E900] =	vst v63  }
0x6e: {  	_ =	swait.ge [sflag:s20], $0x4000  }
0x6f: {  	[sflag:s20] =	ssyncset.done $0x0  }
0x70: {  	[sflag:s20] =	ssyncadd.s32 $0xFFFFC000  }
0x71: {  	[spmem:s2] =	stream.indirect.scatter.add.f32 [tilespmem:s16], [sflag:$0x1], $0x80, s26, s15, $0xb8;
	[tilespmem:$0x1E900] =	vst v63  }
0x72: {  	_ =	swait.ge [sflag:s21], $0x80  }
0x73: {  	[sflag:s21] =	ssyncset.done $0x0  }
0x74: {  	[sflag:s21] =	ssyncadd.s32 $0xFFFFFF80  }
0x75: {  	_ =	swait.ge [sflag:s23], $0x4000  }
0x76: {  	[sflag:s23] =	ssyncset.done $0x0  }
0x77: {  	[sflag:s23] =	ssyncadd.s32 $0xFFFFC000  }
0x78: {  	_ =	swait.ge [sflag:s20], $0x4000  }
0x79: {  	s28 =	sadd.s32 $0x1, s28;
	[sflag:s20] =	ssyncset.done $0x0  }
0x7a: {  	p0 =	sne.s32 s28, s12;
	[sflag:s20] =	ssyncadd.s32 $0xFFFFC000  }
.Ltmp1:
0x7b: {  	[bflag:$0x0] =	sbarrier.arrive $0xFFFF;
	(pc) =	sbr.rel @p0 .LBB2_1-.Ltmp1, $4  }
0x7c: {  	[hbm:s24], [sflag:s18] =	dma.local [spmem:s19], $0x2800  }
0x7d: {  	_ =	swait.ge [sflag:s14], $0x2800  }
0x7e: {  	[sflag:s14] =	ssyncset.done $0x0  }
0x7f: {  	[sflag:s14] =	ssyncadd.s32 $0xFFFFD800  }
0x80: {  	_ =	sfence.sel $0x180000  }
0x81: {  	[bflag:$0x0] =	sbarrier.arrive $0xFFFF  }
0x82: {  	_ =	strace $0x9000004D  }
0x83: {  	[bflag:$0x2] =	sbarrier.arrive $0xFFFF  }
0x84: {  	p0 =	sne.s32 s0, $0x0;
	s0 =	rddreg [dreg:$0x2]  }
0x85: {  	s0 =	sadd.s32 @!p0 $0x100000, s0  }
0x86: {  	[sflag:s0] =	ssyncadd.tile.s32 @!p0 $0x1;
	_ =	shalt  }
.Lfunc_end2:
_tile_overlayer_lowered:
.L_overlay_start_2:
0x87: {  	(tag) =	ssettag $0x2  }
0x88: {  	s0 =	rddreg [dreg:$0x0];
	s2 =	stileid.u32  }
0x89: {  	s1 =	rddreg [dreg:$0x1];
	p0 =	sne.s32 s2, $0x0  }
0x8a: {  	s3 =	rddreg [dreg:$0x2];
	[bflag:$0x3] =	sbarrier.arrive $0xFFFF;
	s2 =	simm.s32 @!p0 $0x1C05  }
0x8b: {  	[timem:s3], [sflag:s2] =	dma.local @!p0 [hbm:s0], s1  }
0x8c: {  	s0 =	simm.s32 @!p0 $0x5  }
0x8d: {  	_ =	swait.ge @!p0 [sflag:s0], s1  }
0x8e: {  	s1 =	ssub.s32 @!p0 $0x0, s1;
	[sflag:s0] =	ssyncset.done @!p0 $0x0  }
0x8f: {  	[sflag:s0] =	ssyncadd.s32 @!p0 s1  }
0x90: {  	[bflag:$0x3] =	sbarrier.arrive $0xFFFF  }
0x91: {  	_ =	shalt  }

// kernel: kernel.8.cloned.1.call-start
scs
__scs_entry_jumppad:
0x0: {  	(pc) =	sbr.rel $0x88, $3  }
0x1: {  	(tag) =	ssettag $0x0;
	lr =	simm.s32 $0x1  }
0x2: {  	[smem:$0x3F8B] =	sst lr;
	_ =	strace $0xD0000000  }
0x3: {  	_ = 	snop  }
0x4: {  	_ = 	snop  }
0x5: {  	_ = 	snop  }
0x6: {  	_ = 	snop  }
0x7: {  	_ = 	snop  }
__scs_overlays_trampoline_lowered:
0x8: {  	[smem:$0x3F9A] =	sst s0  }
0x9: {  	[smem:$0x3F9B] =	sst s1  }
0xa: {  	[smem:$0x3F9C] =	sst s2  }
0xb: {  	[smem:$0x3F9D] =	sst s3  }
0xc: {  	[smem:$0x3F9E] =	sst s4  }
0xd: {  	[smem:$0x3F9F] =	sst s5  }
0xe: {  	[smem:$0x3FA0] =	sst s6  }
0xf: {  	[smem:$0x3FA1] =	sst s7  }
0x10: {  	[smem:$0x3FA2] =	sst s8  }
0x11: {  	[smem:$0x3FA3] =	sst s9;
	s0 =	simm.s32 @!p0 $0x0  }
0x12: {  	s1 =	sld [smem:$0x3F89];
	s0 =	simm.s32 @p0 $0x1  }
0x13: {  	[smem:$0x3FA4] =	sst s0;
	s0 =	simm.s32 @!p1 $0x0  }
0x14: {  	s2 =	sld [smem:$0x3F88];
	s0 =	simm.s32 @p1 $0x1  }
0x15: {  	[smem:$0x3FA5] =	sst s0;
	s0 =	simm.s32 @!p2 $0x0  }
0x16: {  	s3 =	sld [smem:$0x3FDB];
	s0 =	simm.s32 @p2 $0x1  }
0x17: {  	s4 =	simm.s32 $0x1BF5;
	[smem:$0x3FA7] =	sst s0  }
0x18: {  	s0 =	sld [smem:$0x3F8A];
	_ =	swait.ge [sflag:s4], $0x0  }
0x19: {  	s7 =	sld [smem:$0x3F8B]  }
0x1a: {  	s8 =	sadd.s32 $0xFFFFE003, lr  }
0x1b: {  	s9 =	sadd.s32 $0xFFFFFEF7, lr;
	s5 =	simm.s32 $0xFFFFFFFF;
	p2 =	slt.u32 s8, $0xFFFFF086  }
0x1c: {  	p1 =	slt.u32 s9, $0xF7A;
	s5 =	simm.s32 @!p2 $0x0  }
0x1d: {  	s5 =	simm.s32 @p1 $0x1;
	p0 =	seq.s32 s7, s2  }
0x1e: {  	s7 =	smul.u32 @!p0 $0xF7A, s2;
	p2 =	seq.s32 @!p0 s5, $0x0  }
0x1f: {  	s9 =	smul.u32 $0xF7A, s1;
	s8 =	simm.s32 @!p0 $0x1BF5;
	p2 =	por !p2, p0  }
0x20: {  	[sflag:s8] =	ssyncset.s32 @!p0 $0xFFFFF086;
	s6 =	sadd.s32 @!p0 s3, s7;
	s7 =	simm.s32 @!p0 $0x108  }
0x21: {  	s3 =	sadd.s32 s3, s9;
	s6 =	sadd.s32 @!p0 $0x88, s6;
	s7 =	simm.s32 @p2 $0x1082  }
0x22: {  	[simem:s7], [sflag:s8] =	dma.local @!p0 [hbm:s6], $0xF7A  }
0x23: {  	s9 =	sor.u32 $0xD0000000, s2;
	s6 =	simm.s32 $0x108;
	_ =	swait.ge @!p0 [sflag:s8], $0x0  }
0x24: {  	s3 =	sadd.s32 $0x88, s3;
	s6 =	simm.s32 @!p1 $0x1082;
	[sflag:s4] =	ssyncset.s32 $0xFFFFF086  }
0x25: {  	[simem:s6], [sflag:s4] =	dma.local [hbm:s3], $0xF7A  }
0x26: {  	[smem:$0x3F8B] =	sst s1;
	(tag) =	ssettag s2;
	_ =	strace s9  }
0x27: {  	s1 =	sld [smem:$0x3F9B]  }
0x28: {  	s2 =	sld [smem:$0x3F9C]  }
0x29: {  	s4 =	sld [smem:$0x3F9E]  }
0x2a: {  	p0 =	seq.s32 s5, $0x0;
	s5 =	sld [smem:$0x3F9F]  }
0x2b: {  	s6 =	sld [smem:$0x3FA0]  }
0x2c: {  	s7 =	sld [smem:$0x3FA1]  }
0x2d: {  	s3 =	simm.s32 $0x108;
	s8 =	sld [smem:$0x3FA2]  }
0x2e: {  	s3 =	simm.s32 @!p0 $0x1082;
	s9 =	sld [smem:$0x3FA3]  }
0x2f: {  	lr =	sadd.s32 s0, s3;
	s0 =	sld [smem:$0x3F9A]  }
0x30: {  	s3 =	sld [smem:$0x3F9D]  }
0x31: {  	[smem:$0x3FA6] =	sst s10  }
0x32: {  	s10 =	sld [smem:$0x3FA4];
	_ =	sdelay $0x3  }
0x33: {  	p0 =	seq.s32 s10, $0x1;
	s10 =	sld [smem:$0x3FA6];
	_ =	sdelay $0x3  }
0x34: {  	[smem:$0x3FA6] =	sst s10  }
0x35: {  	s10 =	sld [smem:$0x3FA5];
	_ =	sdelay $0x3  }
0x36: {  	p1 =	seq.s32 s10, $0x1;
	s10 =	sld [smem:$0x3FA6];
	_ =	sdelay $0x3  }
0x37: {  	[smem:$0x3FA6] =	sst s10  }
0x38: {  	s10 =	sld [smem:$0x3FA7]  }
0x39: {  	_ = 	snop;
	(pc) =	sbr.ind lr, $3  }
0x3a: {  	_ = 	snop  }
0x3b: {  	_ = 	snop  }
0x3c: {  	p2 =	seq.s32 s10, $0x1;
	s10 =	sld [smem:$0x3FA6]  }
0x3d: {  	_ =	shalt  }
0x3e: {  	_ =	shalt  }
0x3f: {  	_ =	shalt  }
0x40: {  	_ =	shalt  }
0x41: {  	_ =	shalt  }
0x42: {  	_ =	shalt  }
0x43: {  	_ =	shalt  }
0x44: {  	_ =	shalt  }
0x45: {  	_ =	shalt  }
0x46: {  	_ =	shalt  }
0x47: {  	_ =	shalt  }
0x48: {  	_ =	shalt  }
0x49: {  	_ =	shalt  }
0x4a: {  	_ =	shalt  }
0x4b: {  	_ =	shalt  }
0x4c: {  	_ =	shalt  }
0x4d: {  	_ =	shalt  }
0x4e: {  	_ =	shalt  }
0x4f: {  	_ =	shalt  }
0x50: {  	_ =	shalt  }
0x51: {  	_ =	shalt  }
0x52: {  	_ =	shalt  }
0x53: {  	_ =	shalt  }
0x54: {  	_ =	shalt  }
0x55: {  	_ =	shalt  }
0x56: {  	_ =	shalt  }
0x57: {  	_ =	shalt  }
0x58: {  	_ =	shalt  }
0x59: {  	_ =	shalt  }
0x5a: {  	_ =	shalt  }
0x5b: {  	_ =	shalt  }
0x5c: {  	_ =	shalt  }
0x5d: {  	_ =	shalt  }
0x5e: {  	_ =	shalt  }
0x5f: {  	_ =	shalt  }
0x60: {  	_ =	shalt  }
0x61: {  	_ =	shalt  }
0x62: {  	_ =	shalt  }
0x63: {  	_ =	shalt  }
0x64: {  	_ =	shalt  }
0x65: {  	_ =	shalt  }
0x66: {  	_ =	shalt  }
0x67: {  	_ =	shalt  }
0x68: {  	_ =	shalt  }
0x69: {  	_ =	shalt  }
0x6a: {  	_ =	shalt  }
0x6b: {  	_ =	shalt  }
0x6c: {  	_ =	shalt  }
0x6d: {  	_ =	shalt  }
0x6e: {  	_ =	shalt  }
0x6f: {  	_ =	shalt  }
0x70: {  	_ =	shalt  }
0x71: {  	_ =	shalt  }
0x72: {  	_ =	shalt  }
0x73: {  	_ =	shalt  }
0x74: {  	_ =	shalt  }
0x75: {  	_ =	shalt  }
0x76: {  	_ =	shalt  }
0x77: {  	_ =	shalt  }
0x78: {  	_ =	shalt  }
0x79: {  	_ =	shalt  }
0x7a: {  	_ =	shalt  }
0x7b: {  	_ =	shalt  }
0x7c: {  	_ =	shalt  }
0x7d: {  	_ =	shalt  }
0x7e: {  	_ =	shalt  }
0x7f: {  	_ =	shalt  }
0x80: {  	_ =	shalt  }
0x81: {  	_ =	shalt  }
0x82: {  	_ =	shalt  }
0x83: {  	_ =	shalt  }
0x84: {  	_ =	shalt  }
0x85: {  	_ =	shalt  }
0x86: {  	_ =	shalt  }
0x87: {  	_ =	shalt  }
.Lfunc_end0:
.L_simem_size_0:
called_computation_lowered:
.L_overlay_start_0:
0x88: {  	s2 =	sld [smem:$0x3FD9]  }
0x89: {  	s3 =	sld [smem:$0x3FFE];
	_ =	sdelay $0x1  }
0x8a: {  	s1 =	srdreg.scid  }
0x8b: {  	s0 =	sand.u32 $0x1, s1  }
0x8c: {  	s17 =	sshll.u32 s0, $0xA;
	s2 =	sadd.s32 s3, s2  }
0x8d: {  	s2 =	sadd.s32 s2, s17  }
0x8e: {  	[smem:$0x3FB2] =	sst s2  }
0x8f: {  	_ = 	snop  }
0x90: {  	s2 =	sld [smem:$0x3FC6];
	(tm) =	ssettm $0x1  }
0x91: {  	s18 =	sld [smem:$0x3FFB];
	_ =	sdelay $0x3  }
0x92: {  	_ =	strace s18  }
0x93: {  	s3 =	sld [smem:$0x3FFC];
	_ =	sdelay $0x3  }
0x94: {  	_ =	strace s3  }
0x95: {  	s3 =	sld [smem:$0x3FFD];
	_ =	sdelay $0x3  }
0x96: {  	_ =	strace s3  }
0x97: {  	_ =	strace $0x8FFFFFFF  }
0x98: {  	s19 =	sld [smem:$0x3FDB];
	_ =	sdelay $0x1  }
0x99: {  	s4 =	simm.s32 $_scs_section_size  }
0x9a: {  	s5 =	simm.s32 $_size__tile_overlayer_lowered;
	s6 =	simm.s32 $_tile_overlayer_lowered  }
0x9b: {  	s22 =	simm.s32 $0x1BFF;
	s21 =	sshll.u32 s6, $0x1;
	s3 =	sadd.s32 s4, s19  }
0x9c: {  	s7 =	simm.s32 $0x0;
	s20 =	sshll.u32 s5, $0x1;
	s5 =	sadd.s32 s21, s3  }
0x9d: {  	[timem:s7], [sflag:s22] =	dma.local [hbm:s5], s20  }
0x9e: {  	_ =	swait.ge [sflag:s22], s20  }
0x9f: {  	s4 =	ssub.s32 $0x0, s20;
	[sflag:s22] =	ssyncset.done $0x0  }
0xa0: {  	[sflag:s22] =	ssyncadd.s32 s4;
	_ =	sdelay $0x1  }
0xa1: {  	s23 =	simm.s32 $0x1B8B  }
0xa2: {  	_ =	swait.ge [sflag:s23], $0x1  }
0xa3: {  	[sflag:s23] =	ssyncset.done $0x0  }
0xa4: {  	s25 =	simm.s32 $0x1B8E;
	s24 =	sld [smem:$0x3FFE];
	[sflag:s23] =	ssyncadd.s32 $0xFFFFFFFF  }
0xa5: {  	s26 =	simm.s32 $execute0_lowered;
	[smem:$0x3FD2] =	sst s25  }
0xa6: {  	s5 =	sshll.u32 s26, $0x1;
	_ =	strace $0x80000046;
	[dreg:$0x1] =	wrdreg $0xFFFFFFFF  }
0xa7: {  	s28 =	simm.s32 $_size_execute0_lowered;
	s3 =	sadd.s32 s3, s5;
	[dreg:$0x0] =	wrdreg $0x0  }
0xa8: {  	s5 =	sshll.u32 s28, $0x1;
	[dreg:$0x2] =	wrdreg s3  }
0xa9: {  	[dreg:$0x3] =	wrdreg s5  }
0xaa: {  	[dreg:$0x4] =	wrdreg $0xC0  }
0xab: {  	_ =	task [dreg:s7], $0x5FFFF  }
0xac: {  	[dreg:$0x1] =	wrdreg $0xFFFFFFFF  }
0xad: {  	[dreg:$0x0] =	wrdreg $0x60  }
0xae: {  	[dreg:$0x2] =	wrdreg s2  }
0xaf: {  	[dreg:$0x3] =	wrdreg s24  }
0xb0: {  	[dreg:$0x4] =	wrdreg $0x90800  }
0xb1: {  	[dreg:$0x5] =	wrdreg $0x9  }
0xb2: {  	_ =	task.clear_ibuf [dreg:s7], $0x6FFFF;
	_ =	strace $0x90000046  }
0xb3: {  	s29 =	simm.s32 $0x9;
	_ =	strace $0x80000048  }
0xb4: {  	_ =	swait.ge [sflag:s29], $0x1  }
0xb5: {  	[sflag:s29] =	ssyncadd.s32 $0xFFFFFFFF  }
0xb6: {  	_ =	strace $0x90000048  }
0xb7: {  	_ =	sfence  }
0xb8: {  	s30 =	sld [smem:$0x0];
	_ =	sdelay $0x2  }
0xb9: {  	s31 =	sshll.u32 s1, $0xD;
	s1 =	sshrl.u32 s1, $0x2  }
0xba: {  	s3 =	sand.u32 $0x4000, s31;
	s1 =	sadd.s32 s1, s30  }
0xbb: {  	s0 =	sor.u32 s3, s0;
	s1 =	sshll.u32 s1, $0x11  }
0xbc: {  	s0 =	sor.u32 s1, s0  }
0xbd: {  	s0 =	sadd.s32 $0x8F2B, s0  }
0xbe: {  	[sflag:s0] =	ssyncadd.remote.s32 $0x1  }
0xbf: {  	_ =	sfence.sel $0xFFFF  }
0xc0: {  	[dreg:$0x0] =	wrdreg $0xFFFFFFFF;
	(pc) =	sbr.abs _section_cstart, $3  }
0xc1: {  	[dreg:$0x1] =	wrdreg $0xFFFFFFFF  }
0xc2: {  	_ =	task.clear_ibuf [dreg:s7], $0x2FFFF;
	_ =	strace $0x9FFFFFFF  }
0xc3: {  	(tm) =	ssettm $0x7FFFFFFF  }
tec
execute0_lowered:
.L_overlay_start_1:
0x0: {  	(tag) =	ssettag $0x1  }
0x1: {  	s1 =	rddreg [dreg:$0x0]  }
0x2: {  	s0 =	srdreg.scid;
	s2 =	rddreg [dreg:$0x1]  }
0x3: {  	s11 =	stileid.u32;
	s3 =	rddreg [dreg:$0x2]  }
0x4: {  	s21 =	simm.s32 $0x6800;
	s22 =	simm.s32 $0x50;
	s29 =	simm.s32 $0x1  }
0x5: {  	s28 =	simm.s32 $0x0;
	s0 =	sand.u32 $0x1, s0;
	s24 =	smul.u32 $0x2800, s11  }
0x6: {  	s4 =	sshll.u32 s11, $0x1;
	s16 =	sadd.s32 $0xE400, s2;
	s8 =	smul.u32 $0x50000, s11  }
0x7: {  	s17 =	sadd.s32 $0x37200, s2;
	s26 =	sshll.u32 s11, $0x6;
	s9 =	sor.u32 s0, s4  }
0x8: {  	s4 =	simm.s32 $0x0;
	s6 =	smul.u32 $0x28000, s0;
	s0 =	ssub.s32 $0x2, s0  }
0x9: {  	s5 =	smul.u32 $0x500, s9;
	[smem:$0x7FF] =	sst s4;
	s7 =	sadd.s32 s24, s2  }
0xa: {  	s23 =	sshrl.u32 s0, $0x1;
	s25 =	sshrl.u32 s8, $0x2;
	s15 =	smul.u32 $0x140, s9  }
0xb: {  	s8 =	sor.u32 $0x1C03, s26;
	s12 =	smul.u32 $0x1400, s9;
	s26 =	simm.s32 $0x80  }
0xc: {  	_ =	strace $0x80000047;
	s0 =	ssub.s32 s0, s23;
	s7 =	sadd.s32 $0xEA00, s7  }
0xd: {  	s23 =	simm.s32 $0x6880;
	s10 =	sadd.s32 s5, s2;
	s5 =	sadd.s32 $0x36A00, s2  }
0xe: {  	s2 =	sadd.s32 s6, s2;
	s6 =	sadd.s32 s25, s3;
	s30 =	sshrl.u32 s15, $0x3  }
0xf: {  	s13 =	sadd.s32 $0x50, s15;
	s11 =	sadd.s32 s17, s12;
	s18 =	sadd.s32 $0xA0, s15  }
0x10: {  	s15 =	sadd.s32 $0xF0, s15;
	s25 =	simm.s32 $0x2;
	s9 =	sadd.s32 $0x4400, s10  }
0x11: {  	s10 =	sadd.s32 s16, s30;
	s31 =	sshrl.u32 s13, $0x3;
	s13 =	sshll.u32 s13, $0x4  }
0x12: {  	s14 =	sshrl.u32 s18, $0x3;
	s18 =	sshll.u32 s18, $0x4;
	s19 =	sshrl.u32 s15, $0x3  }
0x13: {  	s20 =	sshll.u32 s15, $0x4;
	s2 =	sadd.s32 $0x5F200, s2;
	s12 =	sadd.s32 s16, s31  }
0x14: {  	s13 =	sadd.s32 s17, s13;
	s14 =	sadd.s32 s16, s14;
	s15 =	sadd.s32 s17, s18  }
0x15: {  	s16 =	sadd.s32 s16, s19;
	s17 =	sadd.s32 s17, s20;
	s18 =	smax.u32 s0, $0x1  }
0x16: {  	s19 =	simm.s32 $0x3;
	s20 =	simm.s32 $0x2800;
	s24 =	sadd.s32 s24, s2  }
.LBB2_1:
0x17: {  	s30 =	sshrl.u32 s6, $0x3  }
0x18: {  	[spmem:s30], [sflag:s8] =	dma.local [hbm:s7], $0x2800  }
0x19: {  	_ =	swait.ge [sflag:s19], $0x2800  }
0x1a: {  	[sflag:s19] =	ssyncset.done $0x0  }
0x1b: {  	[sflag:s19] =	ssyncadd.s32 $0xFFFFD800  }
0x1c: {  	[tilespmem:s20], [sflag:$0x3] =	stream.linear.gather [hbm4b:s5+s4], $0x4000, $0x38;
	[tilespmem:$0x1D080] =	vst v63  }
0x1d: {  	_ =	swait.ge [sflag:s19], $0x4000  }
0x1e: {  	[sflag:s19] =	ssyncset.done $0x0  }
0x1f: {  	[sflag:s19] =	ssyncadd.s32 $0xFFFFC000  }
0x20: {  	[tilespmem:s4], [sflag:$0x3] =	stream.linear.gather [hbm4b:s9+s4], $0x2780, $0x38;
	[tilespmem:$0x1D080] =	vst v63  }
0x21: {  	_ =	swait.ge [sflag:s19], $0x2780  }
0x22: {  	[sflag:s19] =	ssyncset.done $0x0  }
0x23: {  	[sflag:s19] =	ssyncadd.s32 $0xFFFFD880  }
0x24: {  	[bflag:$0x0] =	sbarrier.arrive $0xFFFF  }
0x25: {  	[tilespmem:s21], [sflag:$0x3] =	stream.linear.gather [hbm4b:s10+s4], $0x50, $0x38;
	[tilespmem:$0x1D080] =	vst v63  }
0x26: {  	_ =	swait.ge [sflag:s19], $0x50  }
0x27: {  	[sflag:s19] =	ssyncset.done $0x0  }
0x28: {  	[sflag:s19] =	ssyncadd.s32 $0xFFFFFFB0  }
0x29: {  	[tilespmem:s23], [sflag:$0x2] =	stream.indirect.gather [hbm4b:s1+s22], $0x80, s21, s22, $0xb8;
	[tilespmem:$0x1D080] =	vst v63  }
0x2a: {  	_ =	swait.ge [sflag:s25], $0x2800  }
0x2b: {  	[sflag:s25] =	ssyncset.done $0x0  }
0x2c: {  	[sflag:s25] =	ssyncadd.s32 $0xFFFFD800  }
0x2d: {  	[hbm4b:s11+s4] =	stream.linear.scatter [tilespmem:s23], [sflag:$0x3], $0x2800, $0x38;
	[tilespmem:$0x1D080] =	vst v63  }
0x2e: {  	_ =	swait.ge [sflag:s19], $0x2800  }
0x2f: {  	p0 =	por $0x1, $0x1;
	[sflag:s19] =	ssyncset.done $0x0  }
0x30: {  	s0 =	simm.s32 @!p0 $0x1;
	[sflag:s19] =	ssyncadd.s32 $0xFFFFD800  }
0x31: {  	[spmem:s3] =	stream.indirect.scatter.add.f32 [tilespmem:s20], [sflag:$0x1], $0x80, s4, s26, $0xb8;
	[tilespmem:$0x1D080] =	vst v63  }
0x32: {  	_ =	swait.ge @!p0 [sflag:s0], $0x4000  }
0x33: {  	s31 =	simm.s32 $0x1;
	s2 =	simm.s32 $0x0;
	[sflag:s0] =	ssyncset.done @!p0 $0x0  }
.LBB2_2:
0x34: {  	[sflag:s0] =	ssyncadd.s32 @!p0 $0xFFFFC000  }
0x35: {  	s2 =	sadd.s32 $0x80, s2;
	s0 =	smov.u32 s31;
	s31 =	sadd.s32 $0x1, s31  }
0x36: {  	p1 =	sne.s32 s31, $0x13  }
0x37: {  	[spmem:s3] =	stream.indirect.scatter.add.f32 [tilespmem:s20], [sflag:$0x1], $0x80, s2, s26, $0xb8;
	[tilespmem:$0x1D080] =	vst v63  }
.Ltmp0:
0x38: {  	_ = 	snop;
	(pc) =	sbr.rel @p1 .LBB2_2-.Ltmp0, $4  }
0x39: {  	p0 =	slt.u32 s0, $0x8  }
0x3a: {  	s0 =	simm.s32 @!p0 $0x1  }
0x3b: {  	_ =	swait.ge @!p0 [sflag:s0], $0x4000  }
0x3c: {  	[sflag:s0] =	ssyncset.done @!p0 $0x0  }
0x3d: {  	[sflag:s0] =	ssyncadd.s32 @!p0 $0xFFFFC000  }
0x3e: {  	[tilespmem:s21], [sflag:$0x3] =	stream.linear.gather [hbm4b:s12+s4], $0x50, $0x38;
	[tilespmem:$0x1D080] =	vst v63  }
0x3f: {  	_ =	swait.ge [sflag:s19], $0x50  }
0x40: {  	[sflag:s19] =	ssyncset.done $0x0  }
0x41: {  	[sflag:s19] =	ssyncadd.s32 $0xFFFFFFB0  }
0x42: {  	[tilespmem:s23], [sflag:$0x2] =	stream.indirect.gather [hbm4b:s1+s22], $0x80, s21, s22, $0xb8;
	[tilespmem:$0x1D080] =	vst v63  }
0x43: {  	_ =	swait.ge [sflag:s25], $0x2800  }
0x44: {  	[sflag:s25] =	ssyncset.done $0x0  }
0x45: {  	[sflag:s25] =	ssyncadd.s32 $0xFFFFD800  }
0x46: {  	[hbm4b:s13+s4] =	stream.linear.scatter [tilespmem:s23], [sflag:$0x3], $0x2800, $0x38;
	[tilespmem:$0x1D080] =	vst v63  }
0x47: {  	_ =	swait.ge [sflag:s19], $0x2800  }
0x48: {  	[sflag:s19] =	ssyncset.done $0x0  }
0x49: {  	s2 =	simm.s32 $0x980;
	[sflag:s19] =	ssyncadd.s32 $0xFFFFD800  }
0x4a: {  	[spmem:s3] =	stream.indirect.scatter.add.f32 [tilespmem:s20], [sflag:$0x1], $0x80, s2, s26, $0xb8;
	[tilespmem:$0x1D080] =	vst v63  }
0x4b: {  	_ =	swait.ge [sflag:s29], $0x4000  }
0x4c: {  	[sflag:s29] =	ssyncset.done $0x0  }
0x4d: {  	s31 =	simm.s32 $0xA00;
	[sflag:s29] =	ssyncadd.s32 $0xFFFFC000  }
0x4e: {  	[spmem:s3] =	stream.indirect.scatter.add.f32 [tilespmem:s20], [sflag:$0x1], $0x80, s31, s26, $0xb8;
	[tilespmem:$0x1D080] =	vst v63  }
0x4f: {  	_ =	swait.ge [sflag:s29], $0x4000  }
0x50: {  	[sflag:s29] =	ssyncset.done $0x0  }
0x51: {  	s2 =	simm.s32 $0xA80;
	[sflag:s29] =	ssyncadd.s32 $0xFFFFC000  }
0x52: {  	[spmem:s3] =	stream.indirect.scatter.add.f32 [tilespmem:s20], [sflag:$0x1], $0x80, s2, s26, $0xb8;
	[tilespmem:$0x1D080] =	vst v63  }
0x53: {  	_ =	swait.ge [sflag:s29], $0x4000  }
0x54: {  	[sflag:s29] =	ssyncset.done $0x0  }
0x55: {  	s31 =	simm.s32 $0xB00;
	[sflag:s29] =	ssyncadd.s32 $0xFFFFC000  }
0x56: {  	[spmem:s3] =	stream.indirect.scatter.add.f32 [tilespmem:s20], [sflag:$0x1], $0x80, s31, s26, $0xb8;
	[tilespmem:$0x1D080] =	vst v63  }
0x57: {  	_ =	swait.ge [sflag:s29], $0x4000  }
0x58: {  	[sflag:s29] =	ssyncset.done $0x0  }
0x59: {  	s2 =	simm.s32 $0xB80;
	[sflag:s29] =	ssyncadd.s32 $0xFFFFC000  }
0x5a: {  	[spmem:s3] =	stream.indirect.scatter.add.f32 [tilespmem:s20], [sflag:$0x1], $0x80, s2, s26, $0xb8;
	[tilespmem:$0x1D080] =	vst v63  }
0x5b: {  	_ =	swait.ge [sflag:s29], $0x4000  }
0x5c: {  	[sflag:s29] =	ssyncset.done $0x0  }
0x5d: {  	s31 =	simm.s32 $0xC00;
	[sflag:s29] =	ssyncadd.s32 $0xFFFFC000  }
0x5e: {  	[spmem:s3] =	stream.indirect.scatter.add.f32 [tilespmem:s20], [sflag:$0x1], $0x80, s31, s26, $0xb8;
	[tilespmem:$0x1D080] =	vst v63  }
0x5f: {  	_ =	swait.ge [sflag:s29], $0x4000  }
0x60: {  	[sflag:s29] =	ssyncset.done $0x0  }
0x61: {  	s2 =	simm.s32 $0xC80;
	[sflag:s29] =	ssyncadd.s32 $0xFFFFC000  }
0x62: {  	[spmem:s3] =	stream.indirect.scatter.add.f32 [tilespmem:s20], [sflag:$0x1], $0x80, s2, s26, $0xb8;
	[tilespmem:$0x1D080] =	vst v63  }
0x63: {  	_ =	swait.ge [sflag:s29], $0x4000  }
0x64: {  	[sflag:s29] =	ssyncset.done $0x0  }
0x65: {  	s31 =	simm.s32 $0xD00;
	[sflag:s29] =	ssyncadd.s32 $0xFFFFC000  }
0x66: {  	[spmem:s3] =	stream.indirect.scatter.add.f32 [tilespmem:s20], [sflag:$0x1], $0x80, s31, s26, $0xb8;
	[tilespmem:$0x1D080] =	vst v63  }
0x67: {  	_ =	swait.ge [sflag:s29], $0x4000  }
0x68: {  	[sflag:s29] =	ssyncset.done $0x0  }
0x69: {  	s2 =	simm.s32 $0xD80;
	[sflag:s29] =	ssyncadd.s32 $0xFFFFC000  }
0x6a: {  	[spmem:s3] =	stream.indirect.scatter.add.f32 [tilespmem:s20], [sflag:$0x1], $0x80, s2, s26, $0xb8;
	[tilespmem:$0x1D080] =	vst v63  }
0x6b: {  	_ =	swait.ge [sflag:s29], $0x4000  }
0x6c: {  	[sflag:s29] =	ssyncset.done $0x0  }
0x6d: {  	s31 =	simm.s32 $0xE00;
	[sflag:s29] =	ssyncadd.s32 $0xFFFFC000  }
0x6e: {  	[spmem:s3] =	stream.indirect.scatter.add.f32 [tilespmem:s20], [sflag:$0x1], $0x80, s31, s26, $0xb8;
	[tilespmem:$0x1D080] =	vst v63  }
0x6f: {  	_ =	swait.ge [sflag:s29], $0x4000  }
0x70: {  	[sflag:s29] =	ssyncset.done $0x0  }
0x71: {  	s2 =	simm.s32 $0xE80;
	[sflag:s29] =	ssyncadd.s32 $0xFFFFC000  }
0x72: {  	[spmem:s3] =	stream.indirect.scatter.add.f32 [tilespmem:s20], [sflag:$0x1], $0x80, s2, s26, $0xb8;
	[tilespmem:$0x1D080] =	vst v63  }
0x73: {  	_ =	swait.ge [sflag:s29], $0x4000  }
0x74: {  	[sflag:s29] =	ssyncset.done $0x0  }
0x75: {  	s31 =	simm.s32 $0xF00;
	[sflag:s29] =	ssyncadd.s32 $0xFFFFC000  }
0x76: {  	[spmem:s3] =	stream.indirect.scatter.add.f32 [tilespmem:s20], [sflag:$0x1], $0x80, s31, s26, $0xb8;
	[tilespmem:$0x1D080] =	vst v63  }
0x77: {  	_ =	swait.ge [sflag:s29], $0x4000  }
0x78: {  	[sflag:s29] =	ssyncset.done $0x0  }
0x79: {  	s2 =	simm.s32 $0xF80;
	[sflag:s29] =	ssyncadd.s32 $0xFFFFC000  }
0x7a: {  	[spmem:s3] =	stream.indirect.scatter.add.f32 [tilespmem:s20], [sflag:$0x1], $0x80, s2, s26, $0xb8;
	[tilespmem:$0x1D080] =	vst v63  }
0x7b: {  	_ =	swait.ge [sflag:s29], $0x4000  }
0x7c: {  	[sflag:s29] =	ssyncset.done $0x0  }
0x7d: {  	s31 =	simm.s32 $0x1000;
	[sflag:s29] =	ssyncadd.s32 $0xFFFFC000  }
0x7e: {  	[spmem:s3] =	stream.indirect.scatter.add.f32 [tilespmem:s20], [sflag:$0x1], $0x80, s31, s26, $0xb8;
	[tilespmem:$0x1D080] =	vst v63  }
0x7f: {  	_ =	swait.ge [sflag:s29], $0x4000  }
0x80: {  	[sflag:s29] =	ssyncset.done $0x0  }
0x81: {  	s2 =	simm.s32 $0x1080;
	[sflag:s29] =	ssyncadd.s32 $0xFFFFC000  }
0x82: {  	[spmem:s3] =	stream.indirect.scatter.add.f32 [tilespmem:s20], [sflag:$0x1], $0x80, s2, s26, $0xb8;
	[tilespmem:$0x1D080] =	vst v63  }
0x83: {  	_ =	swait.ge [sflag:s29], $0x4000  }
0x84: {  	[sflag:s29] =	ssyncset.done $0x0  }
0x85: {  	s31 =	simm.s32 $0x1100;
	[sflag:s29] =	ssyncadd.s32 $0xFFFFC000  }
0x86: {  	[spmem:s3] =	stream.indirect.scatter.add.f32 [tilespmem:s20], [sflag:$0x1], $0x80, s31, s26, $0xb8;
	[tilespmem:$0x1D080] =	vst v63  }
0x87: {  	_ =	swait.ge [sflag:s29], $0x4000  }
0x88: {  	[sflag:s29] =	ssyncset.done $0x0  }
0x89: {  	s2 =	simm.s32 $0x1180;
	[sflag:s29] =	ssyncadd.s32 $0xFFFFC000  }
0x8a: {  	[spmem:s3] =	stream.indirect.scatter.add.f32 [tilespmem:s20], [sflag:$0x1], $0x80, s2, s26, $0xb8;
	[tilespmem:$0x1D080] =	vst v63  }
0x8b: {  	_ =	swait.ge [sflag:s29], $0x4000  }
0x8c: {  	[sflag:s29] =	ssyncset.done $0x0  }
0x8d: {  	s31 =	simm.s32 $0x1200;
	[sflag:s29] =	ssyncadd.s32 $0xFFFFC000  }
0x8e: {  	[spmem:s3] =	stream.indirect.scatter.add.f32 [tilespmem:s20], [sflag:$0x1], $0x80, s31, s26, $0xb8;
	[tilespmem:$0x1D080] =	vst v63  }
0x8f: {  	_ =	swait.ge [sflag:s29], $0x4000  }
0x90: {  	[sflag:s29] =	ssyncset.done $0x0  }
0x91: {  	s2 =	simm.s32 $0x1280;
	[sflag:s29] =	ssyncadd.s32 $0xFFFFC000  }
0x92: {  	[spmem:s3] =	stream.indirect.scatter.add.f32 [tilespmem:s20], [sflag:$0x1], $0x80, s2, s26, $0xb8;
	[tilespmem:$0x1D080] =	vst v63  }
0x93: {  	_ =	swait.ge [sflag:s29], $0x4000  }
0x94: {  	[sflag:s29] =	ssyncset.done $0x0  }
0x95: {  	[sflag:s29] =	ssyncadd.s32 $0xFFFFC000  }
0x96: {  	[tilespmem:s21], [sflag:$0x3] =	stream.linear.gather [hbm4b:s14+s4], $0x50, $0x38;
	[tilespmem:$0x1D080] =	vst v63  }
0x97: {  	_ =	swait.ge [sflag:s19], $0x50  }
0x98: {  	[sflag:s19] =	ssyncset.done $0x0  }
0x99: {  	[sflag:s19] =	ssyncadd.s32 $0xFFFFFFB0  }
0x9a: {  	[tilespmem:s23], [sflag:$0x2] =	stream.indirect.gather [hbm4b:s1+s22], $0x80, s21, s22, $0xb8;
	[tilespmem:$0x1D080] =	vst v63  }
0x9b: {  	_ =	swait.ge [sflag:s25], $0x2800  }
0x9c: {  	[sflag:s25] =	ssyncset.done $0x0  }
0x9d: {  	[sflag:s25] =	ssyncadd.s32 $0xFFFFD800  }
0x9e: {  	[hbm4b:s15+s4] =	stream.linear.scatter [tilespmem:s23], [sflag:$0x3], $0x2800, $0x38;
	[tilespmem:$0x1D080] =	vst v63  }
0x9f: {  	_ =	swait.ge [sflag:s19], $0x2800  }
0xa0: {  	[sflag:s19] =	ssyncset.done $0x0  }
0xa1: {  	s31 =	simm.s32 $0x1300;
	[sflag:s19] =	ssyncadd.s32 $0xFFFFD800  }
0xa2: {  	[spmem:s3] =	stream.indirect.scatter.add.f32 [tilespmem:s20], [sflag:$0x1], $0x80, s31, s26, $0xb8;
	[tilespmem:$0x1D080] =	vst v63  }
0xa3: {  	_ =	swait.ge [sflag:s29], $0x4000  }
0xa4: {  	[sflag:s29] =	ssyncset.done $0x0  }
0xa5: {  	s2 =	simm.s32 $0x1380;
	[sflag:s29] =	ssyncadd.s32 $0xFFFFC000  }
0xa6: {  	[spmem:s3] =	stream.indirect.scatter.add.f32 [tilespmem:s20], [sflag:$0x1], $0x80, s2, s26, $0xb8;
	[tilespmem:$0x1D080] =	vst v63  }
0xa7: {  	_ =	swait.ge [sflag:s29], $0x4000  }
0xa8: {  	[sflag:s29] =	ssyncset.done $0x0  }
0xa9: {  	s31 =	simm.s32 $0x1400;
	[sflag:s29] =	ssyncadd.s32 $0xFFFFC000  }
0xaa: {  	[spmem:s3] =	stream.indirect.scatter.add.f32 [tilespmem:s20], [sflag:$0x1], $0x80, s31, s26, $0xb8;
	[tilespmem:$0x1D080] =	vst v63  }
0xab: {  	_ =	swait.ge [sflag:s29], $0x4000  }
0xac: {  	[sflag:s29] =	ssyncset.done $0x0  }
0xad: {  	s2 =	simm.s32 $0x1480;
	[sflag:s29] =	ssyncadd.s32 $0xFFFFC000  }
0xae: {  	[spmem:s3] =	stream.indirect.scatter.add.f32 [tilespmem:s20], [sflag:$0x1], $0x80, s2, s26, $0xb8;
	[tilespmem:$0x1D080] =	vst v63  }
0xaf: {  	_ =	swait.ge [sflag:s29], $0x4000  }
0xb0: {  	[sflag:s29] =	ssyncset.done $0x0  }
0xb1: {  	s31 =	simm.s32 $0x1500;
	[sflag:s29] =	ssyncadd.s32 $0xFFFFC000  }
0xb2: {  	[spmem:s3] =	stream.indirect.scatter.add.f32 [tilespmem:s20], [sflag:$0x1], $0x80, s31, s26, $0xb8;
	[tilespmem:$0x1D080] =	vst v63  }
0xb3: {  	_ =	swait.ge [sflag:s29], $0x4000  }
0xb4: {  	[sflag:s29] =	ssyncset.done $0x0  }
0xb5: {  	s2 =	simm.s32 $0x1580;
	[sflag:s29] =	ssyncadd.s32 $0xFFFFC000  }
0xb6: {  	[spmem:s3] =	stream.indirect.scatter.add.f32 [tilespmem:s20], [sflag:$0x1], $0x80, s2, s26, $0xb8;
	[tilespmem:$0x1D080] =	vst v63  }
0xb7: {  	_ =	swait.ge [sflag:s29], $0x4000  }
0xb8: {  	[sflag:s29] =	ssyncset.done $0x0  }
0xb9: {  	s31 =	simm.s32 $0x1600;
	[sflag:s29] =	ssyncadd.s32 $0xFFFFC000  }
0xba: {  	[spmem:s3] =	stream.indirect.scatter.add.f32 [tilespmem:s20], [sflag:$0x1], $0x80, s31, s26, $0xb8;
	[tilespmem:$0x1D080] =	vst v63  }
0xbb: {  	_ =	swait.ge [sflag:s29], $0x4000  }
0xbc: {  	[sflag:s29] =	ssyncset.done $0x0  }
0xbd: {  	s2 =	simm.s32 $0x1680;
	[sflag:s29] =	ssyncadd.s32 $0xFFFFC000  }
0xbe: {  	[spmem:s3] =	stream.indirect.scatter.add.f32 [tilespmem:s20], [sflag:$0x1], $0x80, s2, s26, $0xb8;
	[tilespmem:$0x1D080] =	vst v63  }
0xbf: {  	_ =	swait.ge [sflag:s29], $0x4000  }
0xc0: {  	[sflag:s29] =	ssyncset.done $0x0  }
0xc1: {  	s31 =	simm.s32 $0x1700;
	[sflag:s29] =	ssyncadd.s32 $0xFFFFC000  }
0xc2: {  	[spmem:s3] =	stream.indirect.scatter.add.f32 [tilespmem:s20], [sflag:$0x1], $0x80, s31, s26, $0xb8;
	[tilespmem:$0x1D080] =	vst v63  }
0xc3: {  	_ =	swait.ge [sflag:s29], $0x4000  }
0xc4: {  	[sflag:s29] =	ssyncset.done $0x0  }
0xc5: {  	s2 =	simm.s32 $0x1780;
	[sflag:s29] =	ssyncadd.s32 $0xFFFFC000  }
0xc6: {  	[spmem:s3] =	stream.indirect.scatter.add.f32 [tilespmem:s20], [sflag:$0x1], $0x80, s2, s26, $0xb8;
	[tilespmem:$0x1D080] =	vst v63  }
0xc7: {  	_ =	swait.ge [sflag:s29], $0x4000  }
0xc8: {  	[sflag:s29] =	ssyncset.done $0x0  }
0xc9: {  	s31 =	simm.s32 $0x1800;
	[sflag:s29] =	ssyncadd.s32 $0xFFFFC000  }
0xca: {  	[spmem:s3] =	stream.indirect.scatter.add.f32 [tilespmem:s20], [sflag:$0x1], $0x80, s31, s26, $0xb8;
	[tilespmem:$0x1D080] =	vst v63  }
0xcb: {  	_ =	swait.ge [sflag:s29], $0x4000  }
0xcc: {  	[sflag:s29] =	ssyncset.done $0x0  }
0xcd: {  	s2 =	simm.s32 $0x1880;
	[sflag:s29] =	ssyncadd.s32 $0xFFFFC000  }
0xce: {  	[spmem:s3] =	stream.indirect.scatter.add.f32 [tilespmem:s20], [sflag:$0x1], $0x80, s2, s26, $0xb8;
	[tilespmem:$0x1D080] =	vst v63  }
0xcf: {  	_ =	swait.ge [sflag:s29], $0x4000  }
0xd0: {  	[sflag:s29] =	ssyncset.done $0x0  }
0xd1: {  	s31 =	simm.s32 $0x1900;
	[sflag:s29] =	ssyncadd.s32 $0xFFFFC000  }
0xd2: {  	[spmem:s3] =	stream.indirect.scatter.add.f32 [tilespmem:s20], [sflag:$0x1], $0x80, s31, s26, $0xb8;
	[tilespmem:$0x1D080] =	vst v63  }
0xd3: {  	_ =	swait.ge [sflag:s29], $0x4000  }
0xd4: {  	[sflag:s29] =	ssyncset.done $0x0  }
0xd5: {  	s2 =	simm.s32 $0x1980;
	[sflag:s29] =	ssyncadd.s32 $0xFFFFC000  }
0xd6: {  	[spmem:s3] =	stream.indirect.scatter.add.f32 [tilespmem:s20], [sflag:$0x1], $0x80, s2, s26, $0xb8;
	[tilespmem:$0x1D080] =	vst v63  }
0xd7: {  	_ =	swait.ge [sflag:s29], $0x4000  }
0xd8: {  	[sflag:s29] =	ssyncset.done $0x0  }
0xd9: {  	s31 =	simm.s32 $0x1A00;
	[sflag:s29] =	ssyncadd.s32 $0xFFFFC000  }
0xda: {  	[spmem:s3] =	stream.indirect.scatter.add.f32 [tilespmem:s20], [sflag:$0x1], $0x80, s31, s26, $0xb8;
	[tilespmem:$0x1D080] =	vst v63  }
0xdb: {  	_ =	swait.ge [sflag:s29], $0x4000  }
0xdc: {  	[sflag:s29] =	ssyncset.done $0x0  }
0xdd: {  	s2 =	simm.s32 $0x1A80;
	[sflag:s29] =	ssyncadd.s32 $0xFFFFC000  }
0xde: {  	[spmem:s3] =	stream.indirect.scatter.add.f32 [tilespmem:s20], [sflag:$0x1], $0x80, s2, s26, $0xb8;
	[tilespmem:$0x1D080] =	vst v63  }
0xdf: {  	_ =	swait.ge [sflag:s29], $0x4000  }
0xe0: {  	[sflag:s29] =	ssyncset.done $0x0  }
0xe1: {  	s31 =	simm.s32 $0x1B00;
	[sflag:s29] =	ssyncadd.s32 $0xFFFFC000  }
0xe2: {  	[spmem:s3] =	stream.indirect.scatter.add.f32 [tilespmem:s20], [sflag:$0x1], $0x80, s31, s26, $0xb8;
	[tilespmem:$0x1D080] =	vst v63  }
0xe3: {  	_ =	swait.ge [sflag:s29], $0x4000  }
0xe4: {  	[sflag:s29] =	ssyncset.done $0x0  }
0xe5: {  	s2 =	simm.s32 $0x1B80;
	[sflag:s29] =	ssyncadd.s32 $0xFFFFC000  }
0xe6: {  	[spmem:s3] =	stream.indirect.scatter.add.f32 [tilespmem:s20], [sflag:$0x1], $0x80, s2, s26, $0xb8;
	[tilespmem:$0x1D080] =	vst v63  }
0xe7: {  	_ =	swait.ge [sflag:s29], $0x4000  }
0xe8: {  	[sflag:s29] =	ssyncset.done $0x0  }
0xe9: {  	s31 =	simm.s32 $0x1C00;
	[sflag:s29] =	ssyncadd.s32 $0xFFFFC000  }
0xea: {  	[spmem:s3] =	stream.indirect.scatter.add.f32 [tilespmem:s20], [sflag:$0x1], $0x80, s31, s26, $0xb8;
	[tilespmem:$0x1D080] =	vst v63  }
0xeb: {  	_ =	swait.ge [sflag:s29], $0x4000  }
0xec: {  	[sflag:s29] =	ssyncset.done $0x0  }
0xed: {  	[sflag:s29] =	ssyncadd.s32 $0xFFFFC000  }
0xee: {  	[tilespmem:s21], [sflag:$0x3] =	stream.linear.gather [hbm4b:s16+s4], $0x50, $0x38;
	[tilespmem:$0x1D080] =	vst v63  }
0xef: {  	_ =	swait.ge [sflag:s19], $0x50  }
0xf0: {  	[sflag:s19] =	ssyncset.done $0x0  }
0xf1: {  	[sflag:s19] =	ssyncadd.s32 $0xFFFFFFB0  }
0xf2: {  	[tilespmem:s23], [sflag:$0x2] =	stream.indirect.gather [hbm4b:s1+s22], $0x80, s21, s22, $0xb8;
	[tilespmem:$0x1D080] =	vst v63  }
0xf3: {  	_ =	swait.ge [sflag:s25], $0x2800  }
0xf4: {  	[sflag:s25] =	ssyncset.done $0x0  }
0xf5: {  	[sflag:s25] =	ssyncadd.s32 $0xFFFFD800  }
0xf6: {  	[hbm4b:s17+s4] =	stream.linear.scatter [tilespmem:s23], [sflag:$0x3], $0x2800, $0x38;
	[tilespmem:$0x1D080] =	vst v63  }
0xf7: {  	_ =	swait.ge [sflag:s19], $0x2800  }
0xf8: {  	[sflag:s19] =	ssyncset.done $0x0  }
0xf9: {  	s2 =	simm.s32 $0x1C80;
	[sflag:s19] =	ssyncadd.s32 $0xFFFFD800  }
0xfa: {  	[spmem:s3] =	stream.indirect.scatter.add.f32 [tilespmem:s20], [sflag:$0x1], $0x80, s2, s26, $0xb8;
	[tilespmem:$0x1D080] =	vst v63  }
0xfb: {  	_ =	swait.ge [sflag:s29], $0x4000  }
0xfc: {  	[sflag:s29] =	ssyncset.done $0x0  }
0xfd: {  	s31 =	simm.s32 $0x1D00;
	[sflag:s29] =	ssyncadd.s32 $0xFFFFC000  }
0xfe: {  	[spmem:s3] =	stream.indirect.scatter.add.f32 [tilespmem:s20], [sflag:$0x1], $0x80, s31, s26, $0xb8;
	[tilespmem:$0x1D080] =	vst v63  }
0xff: {  	_ =	swait.ge [sflag:s29], $0x4000  }
0x100: {  	[sflag:s29] =	ssyncset.done $0x0  }
0x101: {  	s2 =	simm.s32 $0x1D80;
	[sflag:s29] =	ssyncadd.s32 $0xFFFFC000  }
0x102: {  	[spmem:s3] =	stream.indirect.scatter.add.f32 [tilespmem:s20], [sflag:$0x1], $0x80, s2, s26, $0xb8;
	[tilespmem:$0x1D080] =	vst v63  }
0x103: {  	_ =	swait.ge [sflag:s29], $0x4000  }
0x104: {  	[sflag:s29] =	ssyncset.done $0x0  }
0x105: {  	s31 =	simm.s32 $0x1E00;
	[sflag:s29] =	ssyncadd.s32 $0xFFFFC000  }
0x106: {  	[spmem:s3] =	stream.indirect.scatter.add.f32 [tilespmem:s20], [sflag:$0x1], $0x80, s31, s26, $0xb8;
	[tilespmem:$0x1D080] =	vst v63  }
0x107: {  	_ =	swait.ge [sflag:s29], $0x4000  }
0x108: {  	[sflag:s29] =	ssyncset.done $0x0  }
0x109: {  	s2 =	simm.s32 $0x1E80;
	[sflag:s29] =	ssyncadd.s32 $0xFFFFC000  }
0x10a: {  	[spmem:s3] =	stream.indirect.scatter.add.f32 [tilespmem:s20], [sflag:$0x1], $0x80, s2, s26, $0xb8;
	[tilespmem:$0x1D080] =	vst v63  }
0x10b: {  	_ =	swait.ge [sflag:s29], $0x4000  }
0x10c: {  	[sflag:s29] =	ssyncset.done $0x0  }
0x10d: {  	s31 =	simm.s32 $0x1F00;
	[sflag:s29] =	ssyncadd.s32 $0xFFFFC000  }
0x10e: {  	[spmem:s3] =	stream.indirect.scatter.add.f32 [tilespmem:s20], [sflag:$0x1], $0x80, s31, s26, $0xb8;
	[tilespmem:$0x1D080] =	vst v63  }
0x10f: {  	_ =	swait.ge [sflag:s29], $0x4000  }
0x110: {  	[sflag:s29] =	ssyncset.done $0x0  }
0x111: {  	s2 =	simm.s32 $0x1F80;
	[sflag:s29] =	ssyncadd.s32 $0xFFFFC000  }
0x112: {  	[spmem:s3] =	stream.indirect.scatter.add.f32 [tilespmem:s20], [sflag:$0x1], $0x80, s2, s26, $0xb8;
	[tilespmem:$0x1D080] =	vst v63  }
0x113: {  	_ =	swait.ge [sflag:s29], $0x4000  }
0x114: {  	[sflag:s29] =	ssyncset.done $0x0  }
0x115: {  	s31 =	simm.s32 $0x2000;
	[sflag:s29] =	ssyncadd.s32 $0xFFFFC000  }
0x116: {  	[spmem:s3] =	stream.indirect.scatter.add.f32 [tilespmem:s20], [sflag:$0x1], $0x80, s31, s26, $0xb8;
	[tilespmem:$0x1D080] =	vst v63  }
0x117: {  	_ =	swait.ge [sflag:s29], $0x4000  }
0x118: {  	[sflag:s29] =	ssyncset.done $0x0  }
0x119: {  	s2 =	simm.s32 $0x2080;
	[sflag:s29] =	ssyncadd.s32 $0xFFFFC000  }
0x11a: {  	[spmem:s3] =	stream.indirect.scatter.add.f32 [tilespmem:s20], [sflag:$0x1], $0x80, s2, s26, $0xb8;
	[tilespmem:$0x1D080] =	vst v63  }
0x11b: {  	_ =	swait.ge [sflag:s29], $0x4000  }
0x11c: {  	[sflag:s29] =	ssyncset.done $0x0  }
0x11d: {  	s31 =	simm.s32 $0x2100;
	[sflag:s29] =	ssyncadd.s32 $0xFFFFC000  }
0x11e: {  	[spmem:s3] =	stream.indirect.scatter.add.f32 [tilespmem:s20], [sflag:$0x1], $0x80, s31, s26, $0xb8;
	[tilespmem:$0x1D080] =	vst v63  }
0x11f: {  	_ =	swait.ge [sflag:s29], $0x4000  }
0x120: {  	[sflag:s29] =	ssyncset.done $0x0  }
0x121: {  	s2 =	simm.s32 $0x2180;
	[sflag:s29] =	ssyncadd.s32 $0xFFFFC000  }
0x122: {  	[spmem:s3] =	stream.indirect.scatter.add.f32 [tilespmem:s20], [sflag:$0x1], $0x80, s2, s26, $0xb8;
	[tilespmem:$0x1D080] =	vst v63  }
0x123: {  	_ =	swait.ge [sflag:s29], $0x4000  }
0x124: {  	[sflag:s29] =	ssyncset.done $0x0  }
0x125: {  	s31 =	simm.s32 $0x2200;
	[sflag:s29] =	ssyncadd.s32 $0xFFFFC000  }
0x126: {  	[spmem:s3] =	stream.indirect.scatter.add.f32 [tilespmem:s20], [sflag:$0x1], $0x80, s31, s26, $0xb8;
	[tilespmem:$0x1D080] =	vst v63  }
0x127: {  	_ =	swait.ge [sflag:s29], $0x4000  }
0x128: {  	[sflag:s29] =	ssyncset.done $0x0  }
0x129: {  	s2 =	simm.s32 $0x2280;
	[sflag:s29] =	ssyncadd.s32 $0xFFFFC000  }
0x12a: {  	[spmem:s3] =	stream.indirect.scatter.add.f32 [tilespmem:s20], [sflag:$0x1], $0x80, s2, s26, $0xb8;
	[tilespmem:$0x1D080] =	vst v63  }
0x12b: {  	_ =	swait.ge [sflag:s29], $0x4000  }
0x12c: {  	[sflag:s29] =	ssyncset.done $0x0  }
0x12d: {  	s31 =	simm.s32 $0x2300;
	[sflag:s29] =	ssyncadd.s32 $0xFFFFC000  }
0x12e: {  	[spmem:s3] =	stream.indirect.scatter.add.f32 [tilespmem:s20], [sflag:$0x1], $0x80, s31, s26, $0xb8;
	[tilespmem:$0x1D080] =	vst v63  }
0x12f: {  	_ =	swait.ge [sflag:s29], $0x4000  }
0x130: {  	[sflag:s29] =	ssyncset.done $0x0  }
0x131: {  	s2 =	simm.s32 $0x2380;
	[sflag:s29] =	ssyncadd.s32 $0xFFFFC000  }
0x132: {  	[spmem:s3] =	stream.indirect.scatter.add.f32 [tilespmem:s20], [sflag:$0x1], $0x80, s2, s26, $0xb8;
	[tilespmem:$0x1D080] =	vst v63  }
0x133: {  	_ =	swait.ge [sflag:s29], $0x4000  }
0x134: {  	[sflag:s29] =	ssyncset.done $0x0  }
0x135: {  	s31 =	simm.s32 $0x2400;
	[sflag:s29] =	ssyncadd.s32 $0xFFFFC000  }
0x136: {  	[spmem:s3] =	stream.indirect.scatter.add.f32 [tilespmem:s20], [sflag:$0x1], $0x80, s31, s26, $0xb8;
	[tilespmem:$0x1D080] =	vst v63  }
0x137: {  	_ =	swait.ge [sflag:s29], $0x4000  }
0x138: {  	[sflag:s29] =	ssyncset.done $0x0  }
0x139: {  	s2 =	simm.s32 $0x2480;
	[sflag:s29] =	ssyncadd.s32 $0xFFFFC000  }
0x13a: {  	[spmem:s3] =	stream.indirect.scatter.add.f32 [tilespmem:s20], [sflag:$0x1], $0x80, s2, s26, $0xb8;
	[tilespmem:$0x1D080] =	vst v63  }
0x13b: {  	_ =	swait.ge [sflag:s29], $0x4000  }
0x13c: {  	[sflag:s29] =	ssyncset.done $0x0  }
0x13d: {  	s31 =	simm.s32 $0x2500;
	[sflag:s29] =	ssyncadd.s32 $0xFFFFC000  }
0x13e: {  	[spmem:s3] =	stream.indirect.scatter.add.f32 [tilespmem:s20], [sflag:$0x1], $0x80, s31, s26, $0xb8;
	[tilespmem:$0x1D080] =	vst v63  }
0x13f: {  	_ =	swait.ge [sflag:s29], $0x4000  }
0x140: {  	[sflag:s29] =	ssyncset.done $0x0  }
0x141: {  	s2 =	simm.s32 $0x2580;
	[sflag:s29] =	ssyncadd.s32 $0xFFFFC000  }
0x142: {  	[spmem:s3] =	stream.indirect.scatter.add.f32 [tilespmem:s20], [sflag:$0x1], $0x80, s2, s26, $0xb8;
	[tilespmem:$0x1D080] =	vst v63  }
0x143: {  	_ =	swait.ge [sflag:s29], $0x4000  }
0x144: {  	[sflag:s29] =	ssyncset.done $0x0  }
0x145: {  	s31 =	simm.s32 $0x2600;
	[sflag:s29] =	ssyncadd.s32 $0xFFFFC000  }
0x146: {  	[spmem:s3] =	stream.indirect.scatter.add.f32 [tilespmem:s20], [sflag:$0x1], $0x80, s31, s26, $0xb8;
	[tilespmem:$0x1D080] =	vst v63  }
0x147: {  	_ =	swait.ge [sflag:s29], $0x4000  }
0x148: {  	[sflag:s29] =	ssyncset.done $0x0  }
0x149: {  	s2 =	simm.s32 $0x2680;
	[sflag:s29] =	ssyncadd.s32 $0xFFFFC000  }
0x14a: {  	[spmem:s3] =	stream.indirect.scatter.add.f32 [tilespmem:s20], [sflag:$0x1], $0x80, s2, s26, $0xb8;
	[tilespmem:$0x1D080] =	vst v63  }
0x14b: {  	_ =	swait.ge [sflag:s29], $0x4000  }
0x14c: {  	[sflag:s29] =	ssyncset.done $0x0  }
0x14d: {  	s31 =	simm.s32 $0x2700;
	[sflag:s29] =	ssyncadd.s32 $0xFFFFC000  }
0x14e: {  	[spmem:s3] =	stream.indirect.scatter.add.f32 [tilespmem:s20], [sflag:$0x1], $0x80, s31, s26, $0xb8;
	[tilespmem:$0x1D080] =	vst v63  }
0x14f: {  	_ =	swait.ge [sflag:s29], $0x4000  }
0x150: {  	[sflag:s29] =	ssyncset.done $0x0  }
0x151: {  	[sflag:s29] =	ssyncadd.s32 $0xFFFFC000  }
0x152: {  	_ =	swait.ge [sflag:s29], $0x4000  }
0x153: {  	[sflag:s29] =	ssyncset.done $0x0  }
0x154: {  	[sflag:s29] =	ssyncadd.s32 $0xFFFFC000  }
0x155: {  	_ =	swait.ge [sflag:s29], $0x4000  }
0x156: {  	[sflag:s29] =	ssyncset.done $0x0  }
0x157: {  	[sflag:s29] =	ssyncadd.s32 $0xFFFFC000  }
0x158: {  	_ =	swait.ge [sflag:s29], $0x4000  }
0x159: {  	[sflag:s29] =	ssyncset.done $0x0  }
0x15a: {  	[sflag:s29] =	ssyncadd.s32 $0xFFFFC000  }
0x15b: {  	_ =	swait.ge [sflag:s29], $0x4000  }
0x15c: {  	[sflag:s29] =	ssyncset.done $0x0  }
0x15d: {  	[sflag:s29] =	ssyncadd.s32 $0xFFFFC000  }
0x15e: {  	_ =	swait.ge [sflag:s29], $0x4000  }
0x15f: {  	[sflag:s29] =	ssyncset.done $0x0  }
0x160: {  	[sflag:s29] =	ssyncadd.s32 $0xFFFFC000  }
0x161: {  	_ =	swait.ge [sflag:s29], $0x4000  }
0x162: {  	[sflag:s29] =	ssyncset.done $0x0  }
0x163: {  	[sflag:s29] =	ssyncadd.s32 $0xFFFFC000  }
0x164: {  	_ =	swait.ge [sflag:s29], $0x4000  }
0x165: {  	[sflag:s29] =	ssyncset.done $0x0  }
0x166: {  	[sflag:s29] =	ssyncadd.s32 $0xFFFFC000  }
0x167: {  	_ =	swait.ge [sflag:s29], $0x4000  }
0x168: {  	s28 =	sadd.s32 $0x1, s28;
	[sflag:s29] =	ssyncset.done $0x0  }
0x169: {  	p0 =	sne.s32 s28, s18;
	[sflag:s29] =	ssyncadd.s32 $0xFFFFC000  }
.Ltmp1:
0x16a: {  	[bflag:$0x0] =	sbarrier.arrive $0xFFFF;
	(pc) =	sbr.rel @p0 .LBB2_1-.Ltmp1, $4  }
0x16b: {  	[hbm:s24], [sflag:s8] =	dma.local [spmem:s30], $0x2800  }
0x16c: {  	_ =	swait.ge [sflag:s19], $0x2800  }
0x16d: {  	[sflag:s19] =	ssyncset.done $0x0  }
0x16e: {  	[sflag:s19] =	ssyncadd.s32 $0xFFFFD800  }
0x16f: {  	_ =	sfence.sel $0x180000  }
0x170: {  	[bflag:$0x0] =	sbarrier.arrive $0xFFFF  }
0x171: {  	_ =	strace $0x90000047  }
0x172: {  	s0 =	stileid.u32;
	[bflag:$0x2] =	sbarrier.arrive $0xFFFF  }
0x173: {  	p0 =	sne.s32 s0, $0x0;
	s0 =	rddreg [dreg:$0x3]  }
0x174: {  	s0 =	sadd.s32 @!p0 $0x100000, s0  }
0x175: {  	[sflag:s0] =	ssyncadd.tile.s32 @!p0 $0x1;
	_ =	shalt  }
.Lfunc_end2:
_tile_overlayer_lowered:
.L_overlay_start_2:
0x176: {  	(tag) =	ssettag $0x2  }
0x177: {  	s0 =	rddreg [dreg:$0x0];
	s2 =	stileid.u32  }
0x178: {  	s1 =	rddreg [dreg:$0x1];
	p0 =	sne.s32 s2, $0x0  }
0x179: {  	s3 =	rddreg [dreg:$0x2];
	[bflag:$0x3] =	sbarrier.arrive $0xFFFF;
	s2 =	simm.s32 @!p0 $0x1C03  }
0x17a: {  	[timem:s3], [sflag:s2] =	dma.local @!p0 [hbm:s0], s1  }
0x17b: {  	s0 =	simm.s32 @!p0 $0x3  }
0x17c: {  	_ =	swait.ge @!p0 [sflag:s0], s1  }
0x17d: {  	s1 =	ssub.s32 @!p0 $0x0, s1;
	[sflag:s0] =	ssyncset.done @!p0 $0x0  }
0x17e: {  	[sflag:s0] =	ssyncadd.s32 @!p0 s1  }
0x17f: {  	[bflag:$0x3] =	sbarrier.arrive $0xFFFF  }
0x180: {  	_ =	shalt  }

</sc_bundles>
